<compile_context>
chip_gen: v7x
topology: tpu7x:2x2x1
jax: 0.10.2.dev20260603
libtpu: 0.0.44.dev20260713+nightly
codegen_flags: <defaults>
</compile_context>

<pallas_src>
import functools

import jax
import jax.numpy as jnp
from jax import lax
from jax.experimental import pallas as pl
from jax.experimental.pallas import tpu as pltpu
from jax.experimental.pallas import tpu_sc as plsc

NC = 2
NS = 16
L = 16
NW = NC * NS

B = 16384
PF = 32
TBLK = 128
B_PER_W = B // NW
GROUPS = B_PER_W // L
WAVE = 2
NBUF = 4
WPG = L // WAVE
AHEAD = 3


def _make_kernel():
  mesh = plsc.VectorSubcoreMesh(
      core_axis_name="c", subcore_axis_name="s", num_cores=NC, num_subcores=NS
  )

  @functools.partial(
      pl.kernel,
      out_type=jax.ShapeDtypeStruct((B,), jnp.float32),
      mesh=mesh,
      scratch_types=[
          pltpu.VMEM((B_PER_W,), jnp.int32),
          pltpu.VMEM((B_PER_W,), jnp.int32),
          pltpu.VMEM((NBUF, WAVE, PF, TBLK), jnp.float32),
          pltpu.VMEM((NBUF, WAVE, PF, TBLK), jnp.float32),
          pltpu.VMEM((PF,), jnp.float32),
          pltpu.VMEM((B_PER_W,), jnp.float32),
          [pltpu.SemaphoreType.DMA] * NBUF,
          [pltpu.SemaphoreType.DMA] * NBUF,
      ],
      compiler_params=pltpu.CompilerParams(needs_layout_passes=False),
  )
  def gmf_kernel(users_hbm, movies_hbm, utab_hbm, mtab_hbm, w_hbm, out_hbm,
                 uidx_v, midx_v, ublk_v, mblk_v, w_v, res_v, usems, msems):
    wid = lax.axis_index("s") * NC + lax.axis_index("c")
    base = wid * B_PER_W

    pltpu.sync_copy(users_hbm.at[pl.ds(base, B_PER_W)], uidx_v)
    pltpu.sync_copy(movies_hbm.at[pl.ds(base, B_PER_W)], midx_v)
    pltpu.sync_copy(w_hbm, w_v)

    w0 = w_v[pl.ds(0, L)]
    w1 = w_v[pl.ds(L, L)]
    lane = lax.iota(jnp.int32, L)
    rows_lo = lane
    rows_hi = lane + L
    mask = ~(TBLK - 1)

    def fire_wave(uvec, mvec, j0, buf):
      for d in range(WAVE):
        ub = jnp.bitwise_and(uvec[j0 + d], mask)
        mb = jnp.bitwise_and(mvec[j0 + d], mask)
        pltpu.async_copy(
            utab_hbm.at[:, pl.ds(pl.multiple_of(ub, TBLK), TBLK)],
            ublk_v.at[buf, d], usems[buf])
        pltpu.async_copy(
            mtab_hbm.at[:, pl.ds(pl.multiple_of(mb, TBLK), TBLK)],
            mblk_v.at[buf, d], msems[buf])

    def drain_wave(buf):
      pltpu.make_async_copy(
          utab_hbm.at[:, pl.ds(0, WAVE * TBLK)], ublk_v.at[buf], usems[buf]
      ).wait()
      pltpu.make_async_copy(
          mtab_hbm.at[:, pl.ds(0, WAVE * TBLK)], mblk_v.at[buf], msems[buf]
      ).wait()

    uvec0 = uidx_v[pl.ds(0, L)]
    mvec0 = midx_v[pl.ds(0, L)]
    for w in range(AHEAD):
      fire_wave(uvec0, mvec0, w * WAVE, w % NBUF)

    def group_body(g, _):
      sl = pl.ds(g * L, L)
      uvec = uidx_v[sl]
      mvec = midx_v[sl]
      ucol = jnp.bitwise_and(uvec, TBLK - 1)
      mcol = jnp.bitwise_and(mvec, TBLK - 1)

      acc = jnp.zeros((L,), jnp.float32)
      for w in range(WPG):
        buf = w % NBUF
        wa = w + AHEAD
        fbuf = wa % NBUF
        if wa < WPG:
          fire_wave(uvec, mvec, wa * WAVE, fbuf)
        else:
          @pl.when(g < GROUPS - 1)
          def _():
            nsl = pl.ds((g + 1) * L, L)
            fire_wave(uidx_v[nsl], midx_v[nsl], (wa - WPG) * WAVE, fbuf)

        drain_wave(buf)
        for d in range(WAVE):
          jj = w * WAVE + d
          uc = jnp.full((L,), ucol[jj], jnp.int32)
          mc = jnp.full((L,), mcol[jj], jnp.int32)
          u0 = plsc.load_gather(ublk_v.at[buf, d], [rows_lo, uc])
          u1 = plsc.load_gather(ublk_v.at[buf, d], [rows_hi, uc])
          m0 = plsc.load_gather(mblk_v.at[buf, d], [rows_lo, mc])
          m1 = plsc.load_gather(mblk_v.at[buf, d], [rows_hi, mc])
          t = u0 * m0 * w0 + u1 * m1 * w1
          s = jnp.sum(t)
          acc = jnp.where(lane == jj, s, acc)
      res_v[sl] = acc
      return ()

    lax.fori_loop(0, GROUPS, group_body, ())
    pltpu.sync_copy(res_v, out_hbm.at[pl.ds(base, B_PER_W)])

  return gmf_kernel


_gmf = _make_kernel()


@jax.jit
def kernel(users, movies, user_table, movie_table, W):
  utab_t = user_table.T
  mtab_t = movie_table.T
  out = _gmf(users, movies, utab_t, mtab_t, W.reshape(PF))
  return out.reshape(B, 1)

# --- scband reference (transcript-rebuilt; emitter-appended) ---
"""Pipeline reference for scband-gmflayer-74491912782183 (READ-ONLY COPY).

The authoritative reference and input builder live on the scoring server;
editing this copy changes nothing except your own understanding.
"""

import jax, jax.numpy as jnp
import numpy as np

NUM_USERS = 1000000
NUM_MOVIES = 1000000
PF = 32
BATCH = 16384


def setup_inputs(seed: int = 0) -> dict:
    key = jax.random.key(seed)
    k1, k2, k3, k4, k5 = jax.random.split(key, 5)
    users = jax.random.randint(k1, (BATCH,), 0, NUM_USERS, dtype=jnp.int64 if jax.config.jax_enable_x64 else jnp.int32)
    movies = jax.random.randint(k2, (BATCH,), 0, NUM_MOVIES, dtype=jnp.int64 if jax.config.jax_enable_x64 else jnp.int32)
    user_table = jax.random.normal(k3, (NUM_USERS, PF), dtype=jnp.float32) * 0.05
    movie_table = jax.random.normal(k4, (NUM_MOVIES, PF), dtype=jnp.float32) * 0.05
    W = jax.random.normal(k5, (1, PF), dtype=jnp.float32) * (1.0 / np.sqrt(PF))
    return {"users": users, "movies": movies, "user_table": user_table, "movie_table": movie_table, "W": W}


def reference(users, movies, user_table, movie_table, W):
    # Embedding lookups (gather)
    user_embedding = jnp.take(user_table, users, axis=0)    # [B, PF]
    movie_embedding = jnp.take(movie_table, movies, axis=0)  # [B, PF]
    x = user_embedding * movie_embedding                     # elementwise product (GMF)
    x = x @ W.T                                              # Linear(PF -> 1, bias=False)
    return x

if __name__ == "__main__":
    import jax
    _d = setup_inputs()
    print(jax.jit(kernel)(*tuple(_d.values())))

</pallas_src>

<mosaic_0001>
#map = affine_map<(d0, d1) -> (0)>
#map1 = affine_map<(d0, d1) -> (0, 0)>
module attributes {stable_mosaic.version = 14 : i64} {
  func.func @gmf_kernel(%arg0: i32, %arg1: i32, %arg2: memref<16384xi32, #tpu.memory_space<hbm>>, %arg3: memref<16384xi32, #tpu.memory_space<hbm>>, %arg4: memref<32x1000000xf32, #tpu.memory_space<hbm>>, %arg5: memref<32x1000000xf32, #tpu.memory_space<hbm>>, %arg6: memref<32xf32, #tpu.memory_space<hbm>>, %arg7: memref<16384xf32, #tpu.memory_space<hbm>>, %arg8: memref<512xi32, #tpu.memory_space<vmem>>, %arg9: memref<512xi32, #tpu.memory_space<vmem>>, %arg10: memref<4x2x32x128xf32, #tpu.memory_space<vmem>>, %arg11: memref<4x2x32x128xf32, #tpu.memory_space<vmem>>, %arg12: memref<32xf32, #tpu.memory_space<vmem>>, %arg13: memref<512xf32, #tpu.memory_space<vmem>>, %arg14: memref<!tpu.dma_semaphore, #tpu.memory_space<semaphore_mem>>, %arg15: memref<!tpu.dma_semaphore, #tpu.memory_space<semaphore_mem>>, %arg16: memref<!tpu.dma_semaphore, #tpu.memory_space<semaphore_mem>>, %arg17: memref<!tpu.dma_semaphore, #tpu.memory_space<semaphore_mem>>, %arg18: memref<!tpu.dma_semaphore, #tpu.memory_space<semaphore_mem>>, %arg19: memref<!tpu.dma_semaphore, #tpu.memory_space<semaphore_mem>>, %arg20: memref<!tpu.dma_semaphore, #tpu.memory_space<semaphore_mem>>, %arg21: memref<!tpu.dma_semaphore, #tpu.memory_space<semaphore_mem>>) attributes {dimension_semantics = [#tpu.dimension_semantics<core_parallel>, #tpu.dimension_semantics<subcore_parallel>], iteration_bounds = array<i64: 2, 16>, scalar_prefetch = 0 : i64, scratch_operands = 14 : i64, tpu.core_type = #tpu.core_type<sc_vector_subcore>, window_params = [{transform_indices = #map}, {transform_indices = #map}, {transform_indices = #map1}, {transform_indices = #map1}, {transform_indices = #map}, {transform_indices = #map}]} {
    %mul3A = arith.constant 2 : i32
    %mul3A_0 = arith.muli %arg1, %mul3A : i32
    %add3A = arith.addi %mul3A_0, %arg0 : i32
    %mul3A_1 = arith.constant 512 : i32
    %mul3A_2 = arith.muli %add3A, %mul3A_1 : i32
    "tpu.region"() ({
      %run_scoped3A = tpu.sem_alloc : memref<!tpu.dma_semaphore, #tpu.memory_space<semaphore_mem>>
      %dma_start3A_240 = tpu.memref_slice %arg2[%mul3A_2] : memref<16384xi32, #tpu.memory_space<hbm>> -> memref<512xi32, #tpu.memory_space<hbm>>
      %dma_start3A_241 = tpu.memref_slice %arg2[%mul3A_2] : memref<16384xi32, #tpu.memory_space<hbm>> -> memref<512xi32, #tpu.memory_space<hbm>>
      tpu.enqueue_dma source(%dma_start3A_241 : memref<512xi32, #tpu.memory_space<hbm>>) target(%arg8 : memref<512xi32, #tpu.memory_space<vmem>>) target_semaphore(%run_scoped3A : memref<!tpu.dma_semaphore, #tpu.memory_space<semaphore_mem>>)
      %dma_wait3A = tpu.memref_slice %arg2[%mul3A_2] : memref<16384xi32, #tpu.memory_space<hbm>> -> memref<512xi32, #tpu.memory_space<hbm>>
      %dma_wait3A_242 = tpu.memref_slice %arg2[%mul3A_2] : memref<16384xi32, #tpu.memory_space<hbm>> -> memref<512xi32, #tpu.memory_space<hbm>>
      tpu.wait_dma2 semaphore(%run_scoped3A : memref<!tpu.dma_semaphore, #tpu.memory_space<semaphore_mem>>) src(%dma_wait3A_242 : memref<512xi32, #tpu.memory_space<hbm>>) dst(%arg8 : memref<512xi32, #tpu.memory_space<vmem>>)
      tpu.yield
    }) : () -> ()
    "tpu.region"() ({
      %run_scoped3A = tpu.sem_alloc : memref<!tpu.dma_semaphore, #tpu.memory_space<semaphore_mem>>
      %dma_start3A_240 = tpu.memref_slice %arg3[%mul3A_2] : memref<16384xi32, #tpu.memory_space<hbm>> -> memref<512xi32, #tpu.memory_space<hbm>>
      %dma_start3A_241 = tpu.memref_slice %arg3[%mul3A_2] : memref<16384xi32, #tpu.memory_space<hbm>> -> memref<512xi32, #tpu.memory_space<hbm>>
      tpu.enqueue_dma source(%dma_start3A_241 : memref<512xi32, #tpu.memory_space<hbm>>) target(%arg9 : memref<512xi32, #tpu.memory_space<vmem>>) target_semaphore(%run_scoped3A : memref<!tpu.dma_semaphore, #tpu.memory_space<semaphore_mem>>)
      %dma_wait3A = tpu.memref_slice %arg3[%mul3A_2] : memref<16384xi32, #tpu.memory_space<hbm>> -> memref<512xi32, #tpu.memory_space<hbm>>
      %dma_wait3A_242 = tpu.memref_slice %arg3[%mul3A_2] : memref<16384xi32, #tpu.memory_space<hbm>> -> memref<512xi32, #tpu.memory_space<hbm>>
      tpu.wait_dma2 semaphore(%run_scoped3A : memref<!tpu.dma_semaphore, #tpu.memory_space<semaphore_mem>>) src(%dma_wait3A_242 : memref<512xi32, #tpu.memory_space<hbm>>) dst(%arg9 : memref<512xi32, #tpu.memory_space<vmem>>)
      tpu.yield
    }) : () -> ()
    "tpu.region"() ({
      %run_scoped3A = tpu.sem_alloc : memref<!tpu.dma_semaphore, #tpu.memory_space<semaphore_mem>>
      tpu.enqueue_dma source(%arg6 : memref<32xf32, #tpu.memory_space<hbm>>) target(%arg12 : memref<32xf32, #tpu.memory_space<vmem>>) target_semaphore(%run_scoped3A : memref<!tpu.dma_semaphore, #tpu.memory_space<semaphore_mem>>)
      tpu.wait_dma2 semaphore(%run_scoped3A : memref<!tpu.dma_semaphore, #tpu.memory_space<semaphore_mem>>) src(%arg6 : memref<32xf32, #tpu.memory_space<hbm>>) dst(%arg12 : memref<32xf32, #tpu.memory_space<vmem>>)
      tpu.yield
    }) : () -> ()
    %get3A = arith.constant 0 : index
    %get3A_3 = tpu.vector_load %arg12[%get3A] {strides = array<i32>} : memref<32xf32, #tpu.memory_space<vmem>>, vector<16xf32>,
    %get3A_4 = arith.constant 16 : index
    %get3A_5 = tpu.vector_load %arg12[%get3A_4] {strides = array<i32>} : memref<32xf32, #tpu.memory_space<vmem>>, vector<16xf32>,
    %iota3A = tpu.iota {dimensions = array<i32: 0>} : vector<16xi32>
    %add3A_6 = arith.constant 16 : i32
    %add3A_7 = vector.broadcast %add3A_6 : i32 to vector<16xi32>
    %add3A_8 = arith.addi %iota3A, %add3A_7 : vector<16xi32>
    %get3A_9 = arith.constant 0 : index
    %get3A_10 = tpu.vector_load %arg8[%get3A_9] {strides = array<i32>} : memref<512xi32, #tpu.memory_space<vmem>>, vector<16xi32>,
    %get3A_11 = arith.constant 0 : index
    %get3A_12 = tpu.vector_load %arg9[%get3A_11] {strides = array<i32>} : memref<512xi32, #tpu.memory_space<vmem>>, vector<16xi32>,
    %slice3A = vector.extract_strided_slice %get3A_10 {offsets = [0], sizes = [1], strides = [1]} : vector<16xi32> to vector<1xi32>
    %squeeze3A = vector.extract %slice3A[0] : i32 from vector<1xi32>
    %and3A = arith.constant -128 : i32
    %and3A_13 = arith.andi %squeeze3A, %and3A : i32
    %slice3A_14 = vector.extract_strided_slice %get3A_12 {offsets = [0], sizes = [1], strides = [1]} : vector<16xi32> to vector<1xi32>
    %squeeze3A_15 = vector.extract %slice3A_14[0] : i32 from vector<1xi32>
    %and3A_16 = arith.constant -128 : i32
    %and3A_17 = arith.andi %squeeze3A_15, %and3A_16 : i32
    %multiple_of3A = tpu.assume_multiple %and3A_13, 128 : i32
    %dma_start3A = arith.constant 0 : i32
    %dma_start3A_18 = arith.constant 0 : i32
    %dma_start3A_19 = arith.constant 0 : i32
    %dma_start3A_20 = arith.constant 0 : i32
    %dma_start3A_21 = tpu.memref_slice %arg10[%dma_start3A, %dma_start3A_18, %dma_start3A_19, %dma_start3A_20] : memref<4x2x32x128xf32, #tpu.memory_space<vmem>> -> memref<1x1x32x128xf32, #tpu.memory_space<vmem>>
    %dma_start3A_22 = tpu.memref_squeeze %dma_start3A_21 : memref<1x1x32x128xf32, #tpu.memory_space<vmem>> -> memref<32x128xf32, #tpu.memory_space<vmem>>
    %dma_start3A_23 = arith.constant 0 : i32
    %dma_start3A_24 = tpu.memref_slice %arg4[%dma_start3A_23, %multiple_of3A] : memref<32x1000000xf32, #tpu.memory_space<hbm>> -> memref<32x128xf32, #tpu.memory_space<hbm>>
    %dma_start3A_25 = arith.constant 0 : i32
    %dma_start3A_26 = arith.constant 0 : i32
    %dma_start3A_27 = tpu.memref_slice %arg10[%dma_start3A, %dma_start3A_18, %dma_start3A_25, %dma_start3A_26] : memref<4x2x32x128xf32, #tpu.memory_space<vmem>> -> memref<1x1x32x128xf32, #tpu.memory_space<vmem>>
    %dma_start3A_28 = tpu.memref_squeeze %dma_start3A_27 : memref<1x1x32x128xf32, #tpu.memory_space<vmem>> -> memref<32x128xf32, #tpu.memory_space<vmem>>
    %dma_start3A_29 = arith.constant 0 : i32
    %dma_start3A_30 = tpu.memref_slice %arg4[%dma_start3A_29, %multiple_of3A] : memref<32x1000000xf32, #tpu.memory_space<hbm>> -> memref<32x128xf32, #tpu.memory_space<hbm>>
    tpu.enqueue_dma source(%dma_start3A_30 : memref<32x128xf32, #tpu.memory_space<hbm>>) target(%dma_start3A_28 : memref<32x128xf32, #tpu.memory_space<vmem>>) target_semaphore(%arg14 : memref<!tpu.dma_semaphore, #tpu.memory_space<semaphore_mem>>)
    %multiple_of3A_31 = tpu.assume_multiple %and3A_17, 128 : i32
    %dma_start3A_32 = arith.constant 0 : i32
    %dma_start3A_33 = arith.constant 0 : i32
    %dma_start3A_34 = arith.constant 0 : i32
    %dma_start3A_35 = arith.constant 0 : i32
    %dma_start3A_36 = tpu.memref_slice %arg11[%dma_start3A_32, %dma_start3A_33, %dma_start3A_34, %dma_start3A_35] : memref<4x2x32x128xf32, #tpu.memory_space<vmem>> -> memref<1x1x32x128xf32, #tpu.memory_space<vmem>>
    %dma_start3A_37 = tpu.memref_squeeze %dma_start3A_36 : memref<1x1x32x128xf32, #tpu.memory_space<vmem>> -> memref<32x128xf32, #tpu.memory_space<vmem>>
    %dma_start3A_38 = arith.constant 0 : i32
    %dma_start3A_39 = tpu.memref_slice %arg5[%dma_start3A_38, %multiple_of3A_31] : memref<32x1000000xf32, #tpu.memory_space<hbm>> -> memref<32x128xf32, #tpu.memory_space<hbm>>
    %dma_start3A_40 = arith.constant 0 : i32
    %dma_start3A_41 = arith.constant 0 : i32
    %dma_start3A_42 = tpu.memref_slice %arg11[%dma_start3A_32, %dma_start3A_33, %dma_start3A_40, %dma_start3A_41] : memref<4x2x32x128xf32, #tpu.memory_space<vmem>> -> memref<1x1x32x128xf32, #tpu.memory_space<vmem>>
    %dma_start3A_43 = tpu.memref_squeeze %dma_start3A_42 : memref<1x1x32x128xf32, #tpu.memory_space<vmem>> -> memref<32x128xf32, #tpu.memory_space<vmem>>
    %dma_start3A_44 = arith.constant 0 : i32
    %dma_start3A_45 = tpu.memref_slice %arg5[%dma_start3A_44, %multiple_of3A_31] : memref<32x1000000xf32, #tpu.memory_space<hbm>> -> memref<32x128xf32, #tpu.memory_space<hbm>>
    tpu.enqueue_dma source(%dma_start3A_45 : memref<32x128xf32, #tpu.memory_space<hbm>>) target(%dma_start3A_43 : memref<32x128xf32, #tpu.memory_space<vmem>>) target_semaphore(%arg18 : memref<!tpu.dma_semaphore, #tpu.memory_space<semaphore_mem>>)
    %slice3A_46 = vector.extract_strided_slice %get3A_10 {offsets = [1], sizes = [1], strides = [1]} : vector<16xi32> to vector<1xi32>
    %squeeze3A_47 = vector.extract %slice3A_46[0] : i32 from vector<1xi32>
    %and3A_48 = arith.constant -128 : i32
    %and3A_49 = arith.andi %squeeze3A_47, %and3A_48 : i32
    %slice3A_50 = vector.extract_strided_slice %get3A_12 {offsets = [1], sizes = [1], strides = [1]} : vector<16xi32> to vector<1xi32>
    %squeeze3A_51 = vector.extract %slice3A_50[0] : i32 from vector<1xi32>
    %and3A_52 = arith.constant -128 : i32
    %and3A_53 = arith.andi %squeeze3A_51, %and3A_52 : i32
    %multiple_of3A_54 = tpu.assume_multiple %and3A_49, 128 : i32
    %dma_start3A_55 = arith.constant 0 : i32
    %dma_start3A_56 = arith.constant 1 : i32
    %dma_start3A_57 = arith.constant 0 : i32
    %dma_start3A_58 = arith.constant 0 : i32
    %dma_start3A_59 = tpu.memref_slice %arg10[%dma_start3A_55, %dma_start3A_56, %dma_start3A_57, %dma_start3A_58] : memref<4x2x32x128xf32, #tpu.memory_space<vmem>> -> memref<1x1x32x128xf32, #tpu.memory_space<vmem>>
    %dma_start3A_60 = tpu.memref_squeeze %dma_start3A_59 : memref<1x1x32x128xf32, #tpu.memory_space<vmem>> -> memref<32x128xf32, #tpu.memory_space<vmem>>
    %dma_start3A_61 = arith.constant 0 : i32
    %dma_start3A_62 = tpu.memref_slice %arg4[%dma_start3A_61, %multiple_of3A_54] : memref<32x1000000xf32, #tpu.memory_space<hbm>> -> memref<32x128xf32, #tpu.memory_space<hbm>>
    %dma_start3A_63 = arith.constant 0 : i32
    %dma_start3A_64 = arith.constant 0 : i32
    %dma_start3A_65 = tpu.memref_slice %arg10[%dma_start3A_55, %dma_start3A_56, %dma_start3A_63, %dma_start3A_64] : memref<4x2x32x128xf32, #tpu.memory_space<vmem>> -> memref<1x1x32x128xf32, #tpu.memory_space<vmem>>
    %dma_start3A_66 = tpu.memref_squeeze %dma_start3A_65 : memref<1x1x32x128xf32, #tpu.memory_space<vmem>> -> memref<32x128xf32, #tpu.memory_space<vmem>>
    %dma_start3A_67 = arith.constant 0 : i32
    %dma_start3A_68 = tpu.memref_slice %arg4[%dma_start3A_67, %multiple_of3A_54] : memref<32x1000000xf32, #tpu.memory_space<hbm>> -> memref<32x128xf32, #tpu.memory_space<hbm>>
    tpu.enqueue_dma source(%dma_start3A_68 : memref<32x128xf32, #tpu.memory_space<hbm>>) target(%dma_start3A_66 : memref<32x128xf32, #tpu.memory_space<vmem>>) target_semaphore(%arg14 : memref<!tpu.dma_semaphore, #tpu.memory_space<semaphore_mem>>)
    %multiple_of3A_69 = tpu.assume_multiple %and3A_53, 128 : i32
    %dma_start3A_70 = arith.constant 0 : i32
    %dma_start3A_71 = arith.constant 1 : i32
    %dma_start3A_72 = arith.constant 0 : i32
    %dma_start3A_73 = arith.constant 0 : i32
    %dma_start3A_74 = tpu.memref_slice %arg11[%dma_start3A_70, %dma_start3A_71, %dma_start3A_72, %dma_start3A_73] : memref<4x2x32x128xf32, #tpu.memory_space<vmem>> -> memref<1x1x32x128xf32, #tpu.memory_space<vmem>>
    %dma_start3A_75 = tpu.memref_squeeze %dma_start3A_74 : memref<1x1x32x128xf32, #tpu.memory_space<vmem>> -> memref<32x128xf32, #tpu.memory_space<vmem>>
    %dma_start3A_76 = arith.constant 0 : i32
    %dma_start3A_77 = tpu.memref_slice %arg5[%dma_start3A_76, %multiple_of3A_69] : memref<32x1000000xf32, #tpu.memory_space<hbm>> -> memref<32x128xf32, #tpu.memory_space<hbm>>
    %dma_start3A_78 = arith.constant 0 : i32
    %dma_start3A_79 = arith.constant 0 : i32
    %dma_start3A_80 = tpu.memref_slice %arg11[%dma_start3A_70, %dma_start3A_71, %dma_start3A_78, %dma_start3A_79] : memref<4x2x32x128xf32, #tpu.memory_space<vmem>> -> memref<1x1x32x128xf32, #tpu.memory_space<vmem>>
    %dma_start3A_81 = tpu.memref_squeeze %dma_start3A_80 : memref<1x1x32x128xf32, #tpu.memory_space<vmem>> -> memref<32x128xf32, #tpu.memory_space<vmem>>
    %dma_start3A_82 = arith.constant 0 : i32
    %dma_start3A_83 = tpu.memref_slice %arg5[%dma_start3A_82, %multiple_of3A_69] : memref<32x1000000xf32, #tpu.memory_space<hbm>> -> memref<32x128xf32, #tpu.memory_space<hbm>>
    tpu.enqueue_dma source(%dma_start3A_83 : memref<32x128xf32, #tpu.memory_space<hbm>>) target(%dma_start3A_81 : memref<32x128xf32, #tpu.memory_space<vmem>>) target_semaphore(%arg18 : memref<!tpu.dma_semaphore, #tpu.memory_space<semaphore_mem>>)
    %slice3A_84 = vector.extract_strided_slice %get3A_10 {offsets = [2], sizes = [1], strides = [1]} : vector<16xi32> to vector<1xi32>
    %squeeze3A_85 = vector.extract %slice3A_84[0] : i32 from vector<1xi32>
    %and3A_86 = arith.constant -128 : i32
    %and3A_87 = arith.andi %squeeze3A_85, %and3A_86 : i32
    %slice3A_88 = vector.extract_strided_slice %get3A_12 {offsets = [2], sizes = [1], strides = [1]} : vector<16xi32> to vector<1xi32>
    %squeeze3A_89 = vector.extract %slice3A_88[0] : i32 from vector<1xi32>
    %and3A_90 = arith.constant -128 : i32
    %and3A_91 = arith.andi %squeeze3A_89, %and3A_90 : i32
    %multiple_of3A_92 = tpu.assume_multiple %and3A_87, 128 : i32
    %dma_start3A_93 = arith.constant 1 : i32
    %dma_start3A_94 = arith.constant 0 : i32
    %dma_start3A_95 = arith.constant 0 : i32
    %dma_start3A_96 = arith.constant 0 : i32
    %dma_start3A_97 = tpu.memref_slice %arg10[%dma_start3A_93, %dma_start3A_94, %dma_start3A_95, %dma_start3A_96] : memref<4x2x32x128xf32, #tpu.memory_space<vmem>> -> memref<1x1x32x128xf32, #tpu.memory_space<vmem>>
    %dma_start3A_98 = tpu.memref_squeeze %dma_start3A_97 : memref<1x1x32x128xf32, #tpu.memory_space<vmem>> -> memref<32x128xf32, #tpu.memory_space<vmem>>
    %dma_start3A_99 = arith.constant 0 : i32
    %dma_start3A_100 = tpu.memref_slice %arg4[%dma_start3A_99, %multiple_of3A_92] : memref<32x1000000xf32, #tpu.memory_space<hbm>> -> memref<32x128xf32, #tpu.memory_space<hbm>>
    %dma_start3A_101 = arith.constant 0 : i32
    %dma_start3A_102 = arith.constant 0 : i32
    %dma_start3A_103 = tpu.memref_slice %arg10[%dma_start3A_93, %dma_start3A_94, %dma_start3A_101, %dma_start3A_102] : memref<4x2x32x128xf32, #tpu.memory_space<vmem>> -> memref<1x1x32x128xf32, #tpu.memory_space<vmem>>
    %dma_start3A_104 = tpu.memref_squeeze %dma_start3A_103 : memref<1x1x32x128xf32, #tpu.memory_space<vmem>> -> memref<32x128xf32, #tpu.memory_space<vmem>>
    %dma_start3A_105 = arith.constant 0 : i32
    %dma_start3A_106 = tpu.memref_slice %arg4[%dma_start3A_105, %multiple_of3A_92] : memref<32x1000000xf32, #tpu.memory_space<hbm>> -> memref<32x128xf32, #tpu.memory_space<hbm>>
    tpu.enqueue_dma source(%dma_start3A_106 : memref<32x128xf32, #tpu.memory_space<hbm>>) target(%dma_start3A_104 : memref<32x128xf32, #tpu.memory_space<vmem>>) target_semaphore(%arg15 : memref<!tpu.dma_semaphore, #tpu.memory_space<semaphore_mem>>)
    %multiple_of3A_107 = tpu.assume_multiple %and3A_91, 128 : i32
    %dma_start3A_108 = arith.constant 1 : i32
    %dma_start3A_109 = arith.constant 0 : i32
    %dma_start3A_110 = arith.constant 0 : i32
    %dma_start3A_111 = arith.constant 0 : i32
    %dma_start3A_112 = tpu.memref_slice %arg11[%dma_start3A_108, %dma_start3A_109, %dma_start3A_110, %dma_start3A_111] : memref<4x2x32x128xf32, #tpu.memory_space<vmem>> -> memref<1x1x32x128xf32, #tpu.memory_space<vmem>>
    %dma_start3A_113 = tpu.memref_squeeze %dma_start3A_112 : memref<1x1x32x128xf32, #tpu.memory_space<vmem>> -> memref<32x128xf32, #tpu.memory_space<vmem>>
    %dma_start3A_114 = arith.constant 0 : i32
    %dma_start3A_115 = tpu.memref_slice %arg5[%dma_start3A_114, %multiple_of3A_107] : memref<32x1000000xf32, #tpu.memory_space<hbm>> -> memref<32x128xf32, #tpu.memory_space<hbm>>
    %dma_start3A_116 = arith.constant 0 : i32
    %dma_start3A_117 = arith.constant 0 : i32
    %dma_start3A_118 = tpu.memref_slice %arg11[%dma_start3A_108, %dma_start3A_109, %dma_start3A_116, %dma_start3A_117] : memref<4x2x32x128xf32, #tpu.memory_space<vmem>> -> memref<1x1x32x128xf32, #tpu.memory_space<vmem>>
    %dma_start3A_119 = tpu.memref_squeeze %dma_start3A_118 : memref<1x1x32x128xf32, #tpu.memory_space<vmem>> -> memref<32x128xf32, #tpu.memory_space<vmem>>
    %dma_start3A_120 = arith.constant 0 : i32
    %dma_start3A_121 = tpu.memref_slice %arg5[%dma_start3A_120, %multiple_of3A_107] : memref<32x1000000xf32, #tpu.memory_space<hbm>> -> memref<32x128xf32, #tpu.memory_space<hbm>>
    tpu.enqueue_dma source(%dma_start3A_121 : memref<32x128xf32, #tpu.memory_space<hbm>>) target(%dma_start3A_119 : memref<32x128xf32, #tpu.memory_space<vmem>>) target_semaphore(%arg19 : memref<!tpu.dma_semaphore, #tpu.memory_space<semaphore_mem>>)
    %slice3A_122 = vector.extract_strided_slice %get3A_10 {offsets = [3], sizes = [1], strides = [1]} : vector<16xi32> to vector<1xi32>
    %squeeze3A_123 = vector.extract %slice3A_122[0] : i32 from vector<1xi32>
    %and3A_124 = arith.constant -128 : i32
    %and3A_125 = arith.andi %squeeze3A_123, %and3A_124 : i32
    %slice3A_126 = vector.extract_strided_slice %get3A_12 {offsets = [3], sizes = [1], strides = [1]} : vector<16xi32> to vector<1xi32>
    %squeeze3A_127 = vector.extract %slice3A_126[0] : i32 from vector<1xi32>
    %and3A_128 = arith.constant -128 : i32
    %and3A_129 = arith.andi %squeeze3A_127, %and3A_128 : i32
    %multiple_of3A_130 = tpu.assume_multiple %and3A_125, 128 : i32
    %dma_start3A_131 = arith.constant 1 : i32
    %dma_start3A_132 = arith.constant 1 : i32
    %dma_start3A_133 = arith.constant 0 : i32
    %dma_start3A_134 = arith.constant 0 : i32
    %dma_start3A_135 = tpu.memref_slice %arg10[%dma_start3A_131, %dma_start3A_132, %dma_start3A_133, %dma_start3A_134] : memref<4x2x32x128xf32, #tpu.memory_space<vmem>> -> memref<1x1x32x128xf32, #tpu.memory_space<vmem>>
    %dma_start3A_136 = tpu.memref_squeeze %dma_start3A_135 : memref<1x1x32x128xf32, #tpu.memory_space<vmem>> -> memref<32x128xf32, #tpu.memory_space<vmem>>
    %dma_start3A_137 = arith.constant 0 : i32
    %dma_start3A_138 = tpu.memref_slice %arg4[%dma_start3A_137, %multiple_of3A_130] : memref<32x1000000xf32, #tpu.memory_space<hbm>> -> memref<32x128xf32, #tpu.memory_space<hbm>>
    %dma_start3A_139 = arith.constant 0 : i32
    %dma_start3A_140 = arith.constant 0 : i32
    %dma_start3A_141 = tpu.memref_slice %arg10[%dma_start3A_131, %dma_start3A_132, %dma_start3A_139, %dma_start3A_140] : memref<4x2x32x128xf32, #tpu.memory_space<vmem>> -> memref<1x1x32x128xf32, #tpu.memory_space<vmem>>
    %dma_start3A_142 = tpu.memref_squeeze %dma_start3A_141 : memref<1x1x32x128xf32, #tpu.memory_space<vmem>> -> memref<32x128xf32, #tpu.memory_space<vmem>>
    %dma_start3A_143 = arith.constant 0 : i32
    %dma_start3A_144 = tpu.memref_slice %arg4[%dma_start3A_143, %multiple_of3A_130] : memref<32x1000000xf32, #tpu.memory_space<hbm>> -> memref<32x128xf32, #tpu.memory_space<hbm>>
    tpu.enqueue_dma source(%dma_start3A_144 : memref<32x128xf32, #tpu.memory_space<hbm>>) target(%dma_start3A_142 : memref<32x128xf32, #tpu.memory_space<vmem>>) target_semaphore(%arg15 : memref<!tpu.dma_semaphore, #tpu.memory_space<semaphore_mem>>)
    %multiple_of3A_145 = tpu.assume_multiple %and3A_129, 128 : i32
    %dma_start3A_146 = arith.constant 1 : i32
    %dma_start3A_147 = arith.constant 1 : i32
    %dma_start3A_148 = arith.constant 0 : i32
    %dma_start3A_149 = arith.constant 0 : i32
    %dma_start3A_150 = tpu.memref_slice %arg11[%dma_start3A_146, %dma_start3A_147, %dma_start3A_148, %dma_start3A_149] : memref<4x2x32x128xf32, #tpu.memory_space<vmem>> -> memref<1x1x32x128xf32, #tpu.memory_space<vmem>>
    %dma_start3A_151 = tpu.memref_squeeze %dma_start3A_150 : memref<1x1x32x128xf32, #tpu.memory_space<vmem>> -> memref<32x128xf32, #tpu.memory_space<vmem>>
    %dma_start3A_152 = arith.constant 0 : i32
    %dma_start3A_153 = tpu.memref_slice %arg5[%dma_start3A_152, %multiple_of3A_145] : memref<32x1000000xf32, #tpu.memory_space<hbm>> -> memref<32x128xf32, #tpu.memory_space<hbm>>
    %dma_start3A_154 = arith.constant 0 : i32
    %dma_start3A_155 = arith.constant 0 : i32
    %dma_start3A_156 = tpu.memref_slice %arg11[%dma_start3A_146, %dma_start3A_147, %dma_start3A_154, %dma_start3A_155] : memref<4x2x32x128xf32, #tpu.memory_space<vmem>> -> memref<1x1x32x128xf32, #tpu.memory_space<vmem>>
    %dma_start3A_157 = tpu.memref_squeeze %dma_start3A_156 : memref<1x1x32x128xf32, #tpu.memory_space<vmem>> -> memref<32x128xf32, #tpu.memory_space<vmem>>
    %dma_start3A_158 = arith.constant 0 : i32
    %dma_start3A_159 = tpu.memref_slice %arg5[%dma_start3A_158, %multiple_of3A_145] : memref<32x1000000xf32, #tpu.memory_space<hbm>> -> memref<32x128xf32, #tpu.memory_space<hbm>>
    tpu.enqueue_dma source(%dma_start3A_159 : memref<32x128xf32, #tpu.memory_space<hbm>>) target(%dma_start3A_157 : memref<32x128xf32, #tpu.memory_space<vmem>>) target_semaphore(%arg19 : memref<!tpu.dma_semaphore, #tpu.memory_space<semaphore_mem>>)
    %slice3A_160 = vector.extract_strided_slice %get3A_10 {offsets = [4], sizes = [1], strides = [1]} : vector<16xi32> to vector<1xi32>
    %squeeze3A_161 = vector.extract %slice3A_160[0] : i32 from vector<1xi32>
    %and3A_162 = arith.constant -128 : i32
    %and3A_163 = arith.andi %squeeze3A_161, %and3A_162 : i32
    %slice3A_164 = vector.extract_strided_slice %get3A_12 {offsets = [4], sizes = [1], strides = [1]} : vector<16xi32> to vector<1xi32>
    %squeeze3A_165 = vector.extract %slice3A_164[0] : i32 from vector<1xi32>
    %and3A_166 = arith.constant -128 : i32
    %and3A_167 = arith.andi %squeeze3A_165, %and3A_166 : i32
    %multiple_of3A_168 = tpu.assume_multiple %and3A_163, 128 : i32
    %dma_start3A_169 = arith.constant 2 : i32
    %dma_start3A_170 = arith.constant 0 : i32
    %dma_start3A_171 = arith.constant 0 : i32
    %dma_start3A_172 = arith.constant 0 : i32
    %dma_start3A_173 = tpu.memref_slice %arg10[%dma_start3A_169, %dma_start3A_170, %dma_start3A_171, %dma_start3A_172] : memref<4x2x32x128xf32, #tpu.memory_space<vmem>> -> memref<1x1x32x128xf32, #tpu.memory_space<vmem>>
    %dma_start3A_174 = tpu.memref_squeeze %dma_start3A_173 : memref<1x1x32x128xf32, #tpu.memory_space<vmem>> -> memref<32x128xf32, #tpu.memory_space<vmem>>
    %dma_start3A_175 = arith.constant 0 : i32
    %dma_start3A_176 = tpu.memref_slice %arg4[%dma_start3A_175, %multiple_of3A_168] : memref<32x1000000xf32, #tpu.memory_space<hbm>> -> memref<32x128xf32, #tpu.memory_space<hbm>>
    %dma_start3A_177 = arith.constant 0 : i32
    %dma_start3A_178 = arith.constant 0 : i32
    %dma_start3A_179 = tpu.memref_slice %arg10[%dma_start3A_169, %dma_start3A_170, %dma_start3A_177, %dma_start3A_178] : memref<4x2x32x128xf32, #tpu.memory_space<vmem>> -> memref<1x1x32x128xf32, #tpu.memory_space<vmem>>
    %dma_start3A_180 = tpu.memref_squeeze %dma_start3A_179 : memref<1x1x32x128xf32, #tpu.memory_space<vmem>> -> memref<32x128xf32, #tpu.memory_space<vmem>>
    %dma_start3A_181 = arith.constant 0 : i32
    %dma_start3A_182 = tpu.memref_slice %arg4[%dma_start3A_181, %multiple_of3A_168] : memref<32x1000000xf32, #tpu.memory_space<hbm>> -> memref<32x128xf32, #tpu.memory_space<hbm>>
    tpu.enqueue_dma source(%dma_start3A_182 : memref<32x128xf32, #tpu.memory_space<hbm>>) target(%dma_start3A_180 : memref<32x128xf32, #tpu.memory_space<vmem>>) target_semaphore(%arg16 : memref<!tpu.dma_semaphore, #tpu.memory_space<semaphore_mem>>)
    %multiple_of3A_183 = tpu.assume_multiple %and3A_167, 128 : i32
    %dma_start3A_184 = arith.constant 2 : i32
    %dma_start3A_185 = arith.constant 0 : i32
    %dma_start3A_186 = arith.constant 0 : i32
    %dma_start3A_187 = arith.constant 0 : i32
    %dma_start3A_188 = tpu.memref_slice %arg11[%dma_start3A_184, %dma_start3A_185, %dma_start3A_186, %dma_start3A_187] : memref<4x2x32x128xf32, #tpu.memory_space<vmem>> -> memref<1x1x32x128xf32, #tpu.memory_space<vmem>>
    %dma_start3A_189 = tpu.memref_squeeze %dma_start3A_188 : memref<1x1x32x128xf32, #tpu.memory_space<vmem>> -> memref<32x128xf32, #tpu.memory_space<vmem>>
    %dma_start3A_190 = arith.constant 0 : i32
    %dma_start3A_191 = tpu.memref_slice %arg5[%dma_start3A_190, %multiple_of3A_183] : memref<32x1000000xf32, #tpu.memory_space<hbm>> -> memref<32x128xf32, #tpu.memory_space<hbm>>
    %dma_start3A_192 = arith.constant 0 : i32
    %dma_start3A_193 = arith.constant 0 : i32
    %dma_start3A_194 = tpu.memref_slice %arg11[%dma_start3A_184, %dma_start3A_185, %dma_start3A_192, %dma_start3A_193] : memref<4x2x32x128xf32, #tpu.memory_space<vmem>> -> memref<1x1x32x128xf32, #tpu.memory_space<vmem>>
    %dma_start3A_195 = tpu.memref_squeeze %dma_start3A_194 : memref<1x1x32x128xf32, #tpu.memory_space<vmem>> -> memref<32x128xf32, #tpu.memory_space<vmem>>
    %dma_start3A_196 = arith.constant 0 : i32
    %dma_start3A_197 = tpu.memref_slice %arg5[%dma_start3A_196, %multiple_of3A_183] : memref<32x1000000xf32, #tpu.memory_space<hbm>> -> memref<32x128xf32, #tpu.memory_space<hbm>>
    tpu.enqueue_dma source(%dma_start3A_197 : memref<32x128xf32, #tpu.memory_space<hbm>>) target(%dma_start3A_195 : memref<32x128xf32, #tpu.memory_space<vmem>>) target_semaphore(%arg20 : memref<!tpu.dma_semaphore, #tpu.memory_space<semaphore_mem>>)
    %slice3A_198 = vector.extract_strided_slice %get3A_10 {offsets = [5], sizes = [1], strides = [1]} : vector<16xi32> to vector<1xi32>
    %squeeze3A_199 = vector.extract %slice3A_198[0] : i32 from vector<1xi32>
    %and3A_200 = arith.constant -128 : i32
    %and3A_201 = arith.andi %squeeze3A_199, %and3A_200 : i32
    %slice3A_202 = vector.extract_strided_slice %get3A_12 {offsets = [5], sizes = [1], strides = [1]} : vector<16xi32> to vector<1xi32>
    %squeeze3A_203 = vector.extract %slice3A_202[0] : i32 from vector<1xi32>
    %and3A_204 = arith.constant -128 : i32
    %and3A_205 = arith.andi %squeeze3A_203, %and3A_204 : i32
    %multiple_of3A_206 = tpu.assume_multiple %and3A_201, 128 : i32
    %dma_start3A_207 = arith.constant 2 : i32
    %dma_start3A_208 = arith.constant 1 : i32
    %dma_start3A_209 = arith.constant 0 : i32
    %dma_start3A_210 = arith.constant 0 : i32
    %dma_start3A_211 = tpu.memref_slice %arg10[%dma_start3A_207, %dma_start3A_208, %dma_start3A_209, %dma_start3A_210] : memref<4x2x32x128xf32, #tpu.memory_space<vmem>> -> memref<1x1x32x128xf32, #tpu.memory_space<vmem>>
    %dma_start3A_212 = tpu.memref_squeeze %dma_start3A_211 : memref<1x1x32x128xf32, #tpu.memory_space<vmem>> -> memref<32x128xf32, #tpu.memory_space<vmem>>
    %dma_start3A_213 = arith.constant 0 : i32
    %dma_start3A_214 = tpu.memref_slice %arg4[%dma_start3A_213, %multiple_of3A_206] : memref<32x1000000xf32, #tpu.memory_space<hbm>> -> memref<32x128xf32, #tpu.memory_space<hbm>>
    %dma_start3A_215 = arith.constant 0 : i32
    %dma_start3A_216 = arith.constant 0 : i32
    %dma_start3A_217 = tpu.memref_slice %arg10[%dma_start3A_207, %dma_start3A_208, %dma_start3A_215, %dma_start3A_216] : memref<4x2x32x128xf32, #tpu.memory_space<vmem>> -> memref<1x1x32x128xf32, #tpu.memory_space<vmem>>
    %dma_start3A_218 = tpu.memref_squeeze %dma_start3A_217 : memref<1x1x32x128xf32, #tpu.memory_space<vmem>> -> memref<32x128xf32, #tpu.memory_space<vmem>>
    %dma_start3A_219 = arith.constant 0 : i32
    %dma_start3A_220 = tpu.memref_slice %arg4[%dma_start3A_219, %multiple_of3A_206] : memref<32x1000000xf32, #tpu.memory_space<hbm>> -> memref<32x128xf32, #tpu.memory_space<hbm>>
    tpu.enqueue_dma source(%dma_start3A_220 : memref<32x128xf32, #tpu.memory_space<hbm>>) target(%dma_start3A_218 : memref<32x128xf32, #tpu.memory_space<vmem>>) target_semaphore(%arg16 : memref<!tpu.dma_semaphore, #tpu.memory_space<semaphore_mem>>)
    %multiple_of3A_221 = tpu.assume_multiple %and3A_205, 128 : i32
    %dma_start3A_222 = arith.constant 2 : i32
    %dma_start3A_223 = arith.constant 1 : i32
    %dma_start3A_224 = arith.constant 0 : i32
    %dma_start3A_225 = arith.constant 0 : i32
    %dma_start3A_226 = tpu.memref_slice %arg11[%dma_start3A_222, %dma_start3A_223, %dma_start3A_224, %dma_start3A_225] : memref<4x2x32x128xf32, #tpu.memory_space<vmem>> -> memref<1x1x32x128xf32, #tpu.memory_space<vmem>>
    %dma_start3A_227 = tpu.memref_squeeze %dma_start3A_226 : memref<1x1x32x128xf32, #tpu.memory_space<vmem>> -> memref<32x128xf32, #tpu.memory_space<vmem>>
    %dma_start3A_228 = arith.constant 0 : i32
    %dma_start3A_229 = tpu.memref_slice %arg5[%dma_start3A_228, %multiple_of3A_221] : memref<32x1000000xf32, #tpu.memory_space<hbm>> -> memref<32x128xf32, #tpu.memory_space<hbm>>
    %dma_start3A_230 = arith.constant 0 : i32
    %dma_start3A_231 = arith.constant 0 : i32
    %dma_start3A_232 = tpu.memref_slice %arg11[%dma_start3A_222, %dma_start3A_223, %dma_start3A_230, %dma_start3A_231] : memref<4x2x32x128xf32, #tpu.memory_space<vmem>> -> memref<1x1x32x128xf32, #tpu.memory_space<vmem>>
    %dma_start3A_233 = tpu.memref_squeeze %dma_start3A_232 : memref<1x1x32x128xf32, #tpu.memory_space<vmem>> -> memref<32x128xf32, #tpu.memory_space<vmem>>
    %dma_start3A_234 = arith.constant 0 : i32
    %dma_start3A_235 = tpu.memref_slice %arg5[%dma_start3A_234, %multiple_of3A_221] : memref<32x1000000xf32, #tpu.memory_space<hbm>> -> memref<32x128xf32, #tpu.memory_space<hbm>>
    tpu.enqueue_dma source(%dma_start3A_235 : memref<32x128xf32, #tpu.memory_space<hbm>>) target(%dma_start3A_233 : memref<32x128xf32, #tpu.memory_space<vmem>>) target_semaphore(%arg20 : memref<!tpu.dma_semaphore, #tpu.memory_space<semaphore_mem>>)
    %scan3A = arith.constant 0 : i32
    %scan3A_236 = arith.constant 32 : i32
    %scan3A_237 = arith.addi %scan3A, %scan3A_236 : i32
    %scan3A_238 = arith.constant 1 : i32
    scf.for %scan3A_240 = %scan3A to %scan3A_237 step %scan3A_238  : i32 {
      %mul3A_241 = arith.constant 16 : i32
      %mul3A_242 = arith.muli %scan3A_240, %mul3A_241 : i32
      %get3A_243 = arith.index_cast %mul3A_242 : i32 to index
      %get3A_244 = tpu.vector_load %arg8[%get3A_243] {strides = array<i32>} : memref<512xi32, #tpu.memory_space<vmem>>, vector<16xi32>,
      %get3A_245 = arith.index_cast %mul3A_242 : i32 to index
      %get3A_246 = tpu.vector_load %arg9[%get3A_245] {strides = array<i32>} : memref<512xi32, #tpu.memory_space<vmem>>, vector<16xi32>,
      %and3A_247 = arith.constant 127 : i32
      %and3A_248 = vector.broadcast %and3A_247 : i32 to vector<16xi32>
      %and3A_249 = arith.andi %get3A_244, %and3A_248 : vector<16xi32>
      %and3A_250 = arith.constant 127 : i32
      %and3A_251 = vector.broadcast %and3A_250 : i32 to vector<16xi32>
      %and3A_252 = arith.andi %get3A_246, %and3A_251 : vector<16xi32>
      %broadcast_in_dim3A = arith.constant 0.000000e+00 : f32
      %broadcast_in_dim3A_253 = vector.broadcast %broadcast_in_dim3A : f32 to vector<16xf32>
      %slice3A_254 = vector.extract_strided_slice %get3A_244 {offsets = [6], sizes = [1], strides = [1]} : vector<16xi32> to vector<1xi32>
      %squeeze3A_255 = vector.extract %slice3A_254[0] : i32 from vector<1xi32>
      %and3A_256 = arith.constant -128 : i32
      %and3A_257 = arith.andi %squeeze3A_255, %and3A_256 : i32
      %slice3A_258 = vector.extract_strided_slice %get3A_246 {offsets = [6], sizes = [1], strides = [1]} : vector<16xi32> to vector<1xi32>
      %squeeze3A_259 = vector.extract %slice3A_258[0] : i32 from vector<1xi32>
      %and3A_260 = arith.constant -128 : i32
      %and3A_261 = arith.andi %squeeze3A_259, %and3A_260 : i32
      %multiple_of3A_262 = tpu.assume_multiple %and3A_257, 128 : i32
      %dma_start3A_263 = arith.constant 3 : i32
      %dma_start3A_264 = arith.constant 0 : i32
      %dma_start3A_265 = arith.constant 0 : i32
      %dma_start3A_266 = arith.constant 0 : i32
      %dma_start3A_267 = tpu.memref_slice %arg10[%dma_start3A_263, %dma_start3A_264, %dma_start3A_265, %dma_start3A_266] : memref<4x2x32x128xf32, #tpu.memory_space<vmem>> -> memref<1x1x32x128xf32, #tpu.memory_space<vmem>>
      %dma_start3A_268 = tpu.memref_squeeze %dma_start3A_267 : memref<1x1x32x128xf32, #tpu.memory_space<vmem>> -> memref<32x128xf32, #tpu.memory_space<vmem>>
      %dma_start3A_269 = arith.constant 0 : i32
      %dma_start3A_270 = tpu.memref_slice %arg4[%dma_start3A_269, %multiple_of3A_262] : memref<32x1000000xf32, #tpu.memory_space<hbm>> -> memref<32x128xf32, #tpu.memory_space<hbm>>
      %dma_start3A_271 = arith.constant 0 : i32
      %dma_start3A_272 = arith.constant 0 : i32
      %dma_start3A_273 = tpu.memref_slice %arg10[%dma_start3A_263, %dma_start3A_264, %dma_start3A_271, %dma_start3A_272] : memref<4x2x32x128xf32, #tpu.memory_space<vmem>> -> memref<1x1x32x128xf32, #tpu.memory_space<vmem>>
      %dma_start3A_274 = tpu.memref_squeeze %dma_start3A_273 : memref<1x1x32x128xf32, #tpu.memory_space<vmem>> -> memref<32x128xf32, #tpu.memory_space<vmem>>
      %dma_start3A_275 = arith.constant 0 : i32
      %dma_start3A_276 = tpu.memref_slice %arg4[%dma_start3A_275, %multiple_of3A_262] : memref<32x1000000xf32, #tpu.memory_space<hbm>> -> memref<32x128xf32, #tpu.memory_space<hbm>>
      tpu.enqueue_dma source(%dma_start3A_276 : memref<32x128xf32, #tpu.memory_space<hbm>>) target(%dma_start3A_274 : memref<32x128xf32, #tpu.memory_space<vmem>>) target_semaphore(%arg17 : memref<!tpu.dma_semaphore, #tpu.memory_space<semaphore_mem>>)
      %multiple_of3A_277 = tpu.assume_multiple %and3A_261, 128 : i32
      %dma_start3A_278 = arith.constant 3 : i32
      %dma_start3A_279 = arith.constant 0 : i32
      %dma_start3A_280 = arith.constant 0 : i32
      %dma_start3A_281 = arith.constant 0 : i32
      %dma_start3A_282 = tpu.memref_slice %arg11[%dma_start3A_278, %dma_start3A_279, %dma_start3A_280, %dma_start3A_281] : memref<4x2x32x128xf32, #tpu.memory_space<vmem>> -> memref<1x1x32x128xf32, #tpu.memory_space<vmem>>
      %dma_start3A_283 = tpu.memref_squeeze %dma_start3A_282 : memref<1x1x32x128xf32, #tpu.memory_space<vmem>> -> memref<32x128xf32, #tpu.memory_space<vmem>>
      %dma_start3A_284 = arith.constant 0 : i32
      %dma_start3A_285 = tpu.memref_slice %arg5[%dma_start3A_284, %multiple_of3A_277] : memref<32x1000000xf32, #tpu.memory_space<hbm>> -> memref<32x128xf32, #tpu.memory_space<hbm>>
      %dma_start3A_286 = arith.constant 0 : i32
      %dma_start3A_287 = arith.constant 0 : i32
      %dma_start3A_288 = tpu.memref_slice %arg11[%dma_start3A_278, %dma_start3A_279, %dma_start3A_286, %dma_start3A_287] : memref<4x2x32x128xf32, #tpu.memory_space<vmem>> -> memref<1x1x32x128xf32, #tpu.memory_space<vmem>>
      %dma_start3A_289 = tpu.memref_squeeze %dma_start3A_288 : memref<1x1x32x128xf32, #tpu.memory_space<vmem>> -> memref<32x128xf32, #tpu.memory_space<vmem>>
      %dma_start3A_290 = arith.constant 0 : i32
      %dma_start3A_291 = tpu.memref_slice %arg5[%dma_start3A_290, %multiple_of3A_277] : memref<32x1000000xf32, #tpu.memory_space<hbm>> -> memref<32x128xf32, #tpu.memory_space<hbm>>
      tpu.enqueue_dma source(%dma_start3A_291 : memref<32x128xf32, #tpu.memory_space<hbm>>) target(%dma_start3A_289 : memref<32x128xf32, #tpu.memory_space<vmem>>) target_semaphore(%arg21 : memref<!tpu.dma_semaphore, #tpu.memory_space<semaphore_mem>>)
      %slice3A_292 = vector.extract_strided_slice %get3A_244 {offsets = [7], sizes = [1], strides = [1]} : vector<16xi32> to vector<1xi32>
      %squeeze3A_293 = vector.extract %slice3A_292[0] : i32 from vector<1xi32>
      %and3A_294 = arith.constant -128 : i32
      %and3A_295 = arith.andi %squeeze3A_293, %and3A_294 : i32
      %slice3A_296 = vector.extract_strided_slice %get3A_246 {offsets = [7], sizes = [1], strides = [1]} : vector<16xi32> to vector<1xi32>
      %squeeze3A_297 = vector.extract %slice3A_296[0] : i32 from vector<1xi32>
      %and3A_298 = arith.constant -128 : i32
      %and3A_299 = arith.andi %squeeze3A_297, %and3A_298 : i32
      %multiple_of3A_300 = tpu.assume_multiple %and3A_295, 128 : i32
      %dma_start3A_301 = arith.constant 3 : i32
      %dma_start3A_302 = arith.constant 1 : i32
      %dma_start3A_303 = arith.constant 0 : i32
      %dma_start3A_304 = arith.constant 0 : i32
      %dma_start3A_305 = tpu.memref_slice %arg10[%dma_start3A_301, %dma_start3A_302, %dma_start3A_303, %dma_start3A_304] : memref<4x2x32x128xf32, #tpu.memory_space<vmem>> -> memref<1x1x32x128xf32, #tpu.memory_space<vmem>>
      %dma_start3A_306 = tpu.memref_squeeze %dma_start3A_305 : memref<1x1x32x128xf32, #tpu.memory_space<vmem>> -> memref<32x128xf32, #tpu.memory_space<vmem>>
      %dma_start3A_307 = arith.constant 0 : i32
      %dma_start3A_308 = tpu.memref_slice %arg4[%dma_start3A_307, %multiple_of3A_300] : memref<32x1000000xf32, #tpu.memory_space<hbm>> -> memref<32x128xf32, #tpu.memory_space<hbm>>
      %dma_start3A_309 = arith.constant 0 : i32
      %dma_start3A_310 = arith.constant 0 : i32
      %dma_start3A_311 = tpu.memref_slice %arg10[%dma_start3A_301, %dma_start3A_302, %dma_start3A_309, %dma_start3A_310] : memref<4x2x32x128xf32, #tpu.memory_space<vmem>> -> memref<1x1x32x128xf32, #tpu.memory_space<vmem>>
      %dma_start3A_312 = tpu.memref_squeeze %dma_start3A_311 : memref<1x1x32x128xf32, #tpu.memory_space<vmem>> -> memref<32x128xf32, #tpu.memory_space<vmem>>
      %dma_start3A_313 = arith.constant 0 : i32
      %dma_start3A_314 = tpu.memref_slice %arg4[%dma_start3A_313, %multiple_of3A_300] : memref<32x1000000xf32, #tpu.memory_space<hbm>> -> memref<32x128xf32, #tpu.memory_space<hbm>>
      tpu.enqueue_dma source(%dma_start3A_314 : memref<32x128xf32, #tpu.memory_space<hbm>>) target(%dma_start3A_312 : memref<32x128xf32, #tpu.memory_space<vmem>>) target_semaphore(%arg17 : memref<!tpu.dma_semaphore, #tpu.memory_space<semaphore_mem>>)
      %multiple_of3A_315 = tpu.assume_multiple %and3A_299, 128 : i32
      %dma_start3A_316 = arith.constant 3 : i32
      %dma_start3A_317 = arith.constant 1 : i32
      %dma_start3A_318 = arith.constant 0 : i32
      %dma_start3A_319 = arith.constant 0 : i32
      %dma_start3A_320 = tpu.memref_slice %arg11[%dma_start3A_316, %dma_start3A_317, %dma_start3A_318, %dma_start3A_319] : memref<4x2x32x128xf32, #tpu.memory_space<vmem>> -> memref<1x1x32x128xf32, #tpu.memory_space<vmem>>
      %dma_start3A_321 = tpu.memref_squeeze %dma_start3A_320 : memref<1x1x32x128xf32, #tpu.memory_space<vmem>> -> memref<32x128xf32, #tpu.memory_space<vmem>>
      %dma_start3A_322 = arith.constant 0 : i32
      %dma_start3A_323 = tpu.memref_slice %arg5[%dma_start3A_322, %multiple_of3A_315] : memref<32x1000000xf32, #tpu.memory_space<hbm>> -> memref<32x128xf32, #tpu.memory_space<hbm>>
      %dma_start3A_324 = arith.constant 0 : i32
      %dma_start3A_325 = arith.constant 0 : i32
      %dma_start3A_326 = tpu.memref_slice %arg11[%dma_start3A_316, %dma_start3A_317, %dma_start3A_324, %dma_start3A_325] : memref<4x2x32x128xf32, #tpu.memory_space<vmem>> -> memref<1x1x32x128xf32, #tpu.memory_space<vmem>>
      %dma_start3A_327 = tpu.memref_squeeze %dma_start3A_326 : memref<1x1x32x128xf32, #tpu.memory_space<vmem>> -> memref<32x128xf32, #tpu.memory_space<vmem>>
      %dma_start3A_328 = arith.constant 0 : i32
      %dma_start3A_329 = tpu.memref_slice %arg5[%dma_start3A_328, %multiple_of3A_315] : memref<32x1000000xf32, #tpu.memory_space<hbm>> -> memref<32x128xf32, #tpu.memory_space<hbm>>
      tpu.enqueue_dma source(%dma_start3A_329 : memref<32x128xf32, #tpu.memory_space<hbm>>) target(%dma_start3A_327 : memref<32x128xf32, #tpu.memory_space<vmem>>) target_semaphore(%arg21 : memref<!tpu.dma_semaphore, #tpu.memory_space<semaphore_mem>>)
      %dma_wait3A = arith.constant 0 : i32
      %dma_wait3A_330 = arith.constant 0 : i32
      %dma_wait3A_331 = arith.constant 0 : i32
      %dma_wait3A_332 = arith.constant 0 : i32
      %dma_wait3A_333 = tpu.memref_slice %arg10[%dma_wait3A, %dma_wait3A_330, %dma_wait3A_331, %dma_wait3A_332] : memref<4x2x32x128xf32, #tpu.memory_space<vmem>> -> memref<1x2x32x128xf32, #tpu.memory_space<vmem>>
      %dma_wait3A_334 = tpu.memref_squeeze %dma_wait3A_333 : memref<1x2x32x128xf32, #tpu.memory_space<vmem>> -> memref<2x32x128xf32, #tpu.memory_space<vmem>>
      %dma_wait3A_335 = arith.constant 0 : i32
      %dma_wait3A_336 = arith.constant 0 : i32
      %dma_wait3A_337 = tpu.memref_slice %arg4[%dma_wait3A_335, %dma_wait3A_336] : memref<32x1000000xf32, #tpu.memory_space<hbm>> -> memref<32x256xf32, #tpu.memory_space<hbm>>
      %dma_wait3A_338 = arith.constant 0 : i32
      %dma_wait3A_339 = arith.constant 0 : i32
      %dma_wait3A_340 = arith.constant 0 : i32
      %dma_wait3A_341 = tpu.memref_slice %arg10[%dma_wait3A, %dma_wait3A_338, %dma_wait3A_339, %dma_wait3A_340] : memref<4x2x32x128xf32, #tpu.memory_space<vmem>> -> memref<1x2x32x128xf32, #tpu.memory_space<vmem>>
      %dma_wait3A_342 = tpu.memref_squeeze %dma_wait3A_341 : memref<1x2x32x128xf32, #tpu.memory_space<vmem>> -> memref<2x32x128xf32, #tpu.memory_space<vmem>>
      %dma_wait3A_343 = arith.constant 0 : i32
      %dma_wait3A_344 = arith.constant 0 : i32
      %dma_wait3A_345 = tpu.memref_slice %arg4[%dma_wait3A_343, %dma_wait3A_344] : memref<32x1000000xf32, #tpu.memory_space<hbm>> -> memref<32x256xf32, #tpu.memory_space<hbm>>
      tpu.wait_dma2 semaphore(%arg14 : memref<!tpu.dma_semaphore, #tpu.memory_space<semaphore_mem>>) src(%dma_wait3A_345 : memref<32x256xf32, #tpu.memory_space<hbm>>) dst(%dma_wait3A_342 : memref<2x32x128xf32, #tpu.memory_space<vmem>>)
      %dma_wait3A_346 = arith.constant 0 : i32
      %dma_wait3A_347 = arith.constant 0 : i32
      %dma_wait3A_348 = arith.constant 0 : i32
      %dma_wait3A_349 = arith.constant 0 : i32
      %dma_wait3A_350 = tpu.memref_slice %arg11[%dma_wait3A_346, %dma_wait3A_347, %dma_wait3A_348, %dma_wait3A_349] : memref<4x2x32x128xf32, #tpu.memory_space<vmem>> -> memref<1x2x32x128xf32, #tpu.memory_space<vmem>>
      %dma_wait3A_351 = tpu.memref_squeeze %dma_wait3A_350 : memref<1x2x32x128xf32, #tpu.memory_space<vmem>> -> memref<2x32x128xf32, #tpu.memory_space<vmem>>
      %dma_wait3A_352 = arith.constant 0 : i32
      %dma_wait3A_353 = arith.constant 0 : i32
      %dma_wait3A_354 = tpu.memref_slice %arg5[%dma_wait3A_352, %dma_wait3A_353] : memref<32x1000000xf32, #tpu.memory_space<hbm>> -> memref<32x256xf32, #tpu.memory_space<hbm>>
      %dma_wait3A_355 = arith.constant 0 : i32
      %dma_wait3A_356 = arith.constant 0 : i32
      %dma_wait3A_357 = arith.constant 0 : i32
      %dma_wait3A_358 = tpu.memref_slice %arg11[%dma_wait3A_346, %dma_wait3A_355, %dma_wait3A_356, %dma_wait3A_357] : memref<4x2x32x128xf32, #tpu.memory_space<vmem>> -> memref<1x2x32x128xf32, #tpu.memory_space<vmem>>
      %dma_wait3A_359 = tpu.memref_squeeze %dma_wait3A_358 : memref<1x2x32x128xf32, #tpu.memory_space<vmem>> -> memref<2x32x128xf32, #tpu.memory_space<vmem>>
      %dma_wait3A_360 = arith.constant 0 : i32
      %dma_wait3A_361 = arith.constant 0 : i32
      %dma_wait3A_362 = tpu.memref_slice %arg5[%dma_wait3A_360, %dma_wait3A_361] : memref<32x1000000xf32, #tpu.memory_space<hbm>> -> memref<32x256xf32, #tpu.memory_space<hbm>>
      tpu.wait_dma2 semaphore(%arg18 : memref<!tpu.dma_semaphore, #tpu.memory_space<semaphore_mem>>) src(%dma_wait3A_362 : memref<32x256xf32, #tpu.memory_space<hbm>>) dst(%dma_wait3A_359 : memref<2x32x128xf32, #tpu.memory_space<vmem>>)
      %slice3A_363 = vector.extract_strided_slice %and3A_249 {offsets = [0], sizes = [1], strides = [1]} : vector<16xi32> to vector<1xi32>
      %squeeze3A_364 = vector.extract %slice3A_363[0] : i32 from vector<1xi32>
      %broadcast_in_dim3A_365 = vector.broadcast %squeeze3A_364 : i32 to vector<16xi32>
      %slice3A_366 = vector.extract_strided_slice %and3A_252 {offsets = [0], sizes = [1], strides = [1]} : vector<16xi32> to vector<1xi32>
      %squeeze3A_367 = vector.extract %slice3A_366[0] : i32 from vector<1xi32>
      %broadcast_in_dim3A_368 = vector.broadcast %squeeze3A_367 : i32 to vector<16xi32>
      %gather3A = arith.constant 0 : i32
      %gather3A_369 = arith.constant 0 : i32
      %gather3A_370 = arith.constant 0 : i32
      %gather3A_371 = arith.constant 0 : i32
      %gather3A_372 = tpu.memref_slice %arg10[%gather3A, %gather3A_369, %gather3A_370, %gather3A_371] : memref<4x2x32x128xf32, #tpu.memory_space<vmem>> -> memref<1x1x32x128xf32, #tpu.memory_space<vmem>>
      %gather3A_373 = tpu.memref_squeeze %gather3A_372 : memref<1x1x32x128xf32, #tpu.memory_space<vmem>> -> memref<32x128xf32, #tpu.memory_space<vmem>>
      %gather3A_374 = tpu.vector_load_idx %gather3A_373[%iota3A, %broadcast_in_dim3A_365] : memref<32x128xf32, #tpu.memory_space<vmem>>[vector<16xi32>, vector<16xi32>], vector<16xf32>,
      %gather3A_375 = arith.constant 0 : i32
      %gather3A_376 = arith.constant 0 : i32
      %gather3A_377 = arith.constant 0 : i32
      %gather3A_378 = arith.constant 0 : i32
      %gather3A_379 = tpu.memref_slice %arg10[%gather3A_375, %gather3A_376, %gather3A_377, %gather3A_378] : memref<4x2x32x128xf32, #tpu.memory_space<vmem>> -> memref<1x1x32x128xf32, #tpu.memory_space<vmem>>
      %gather3A_380 = tpu.memref_squeeze %gather3A_379 : memref<1x1x32x128xf32, #tpu.memory_space<vmem>> -> memref<32x128xf32, #tpu.memory_space<vmem>>
      %gather3A_381 = tpu.vector_load_idx %gather3A_380[%add3A_8, %broadcast_in_dim3A_365] : memref<32x128xf32, #tpu.memory_space<vmem>>[vector<16xi32>, vector<16xi32>], vector<16xf32>,
      %gather3A_382 = arith.constant 0 : i32
      %gather3A_383 = arith.constant 0 : i32
      %gather3A_384 = arith.constant 0 : i32
      %gather3A_385 = arith.constant 0 : i32
      %gather3A_386 = tpu.memref_slice %arg11[%gather3A_382, %gather3A_383, %gather3A_384, %gather3A_385] : memref<4x2x32x128xf32, #tpu.memory_space<vmem>> -> memref<1x1x32x128xf32, #tpu.memory_space<vmem>>
      %gather3A_387 = tpu.memref_squeeze %gather3A_386 : memref<1x1x32x128xf32, #tpu.memory_space<vmem>> -> memref<32x128xf32, #tpu.memory_space<vmem>>
      %gather3A_388 = tpu.vector_load_idx %gather3A_387[%iota3A, %broadcast_in_dim3A_368] : memref<32x128xf32, #tpu.memory_space<vmem>>[vector<16xi32>, vector<16xi32>], vector<16xf32>,
      %gather3A_389 = arith.constant 0 : i32
      %gather3A_390 = arith.constant 0 : i32
      %gather3A_391 = arith.constant 0 : i32
      %gather3A_392 = arith.constant 0 : i32
      %gather3A_393 = tpu.memref_slice %arg11[%gather3A_389, %gather3A_390, %gather3A_391, %gather3A_392] : memref<4x2x32x128xf32, #tpu.memory_space<vmem>> -> memref<1x1x32x128xf32, #tpu.memory_space<vmem>>
      %gather3A_394 = tpu.memref_squeeze %gather3A_393 : memref<1x1x32x128xf32, #tpu.memory_space<vmem>> -> memref<32x128xf32, #tpu.memory_space<vmem>>
      %gather3A_395 = tpu.vector_load_idx %gather3A_394[%add3A_8, %broadcast_in_dim3A_368] : memref<32x128xf32, #tpu.memory_space<vmem>>[vector<16xi32>, vector<16xi32>], vector<16xf32>,
      %mul3A_396 = arith.mulf %gather3A_374, %gather3A_388 : vector<16xf32>
      %mul3A_397 = arith.mulf %mul3A_396, %get3A_3 : vector<16xf32>
      %mul3A_398 = arith.mulf %gather3A_381, %gather3A_395 : vector<16xf32>
      %mul3A_399 = arith.mulf %mul3A_398, %get3A_5 : vector<16xf32>
      %add3A_400 = arith.addf %mul3A_397, %mul3A_399 : vector<16xf32>
      %reduce_sum3A = arith.constant true
      %reduce_sum3A_401 = vector.broadcast %reduce_sum3A : i1 to vector<16xi1>
      %reduce_sum3A_402 = tpu.scan <sum>, %add3A_400 masked %reduce_sum3A_401 : vector<16xf32>, vector<16xi1> -> vector<16xf32>
      %reduce_sum3A_403 = vector.extract %reduce_sum3A_402[15] : f32 from vector<16xf32>
      %eq3A = arith.constant 0 : i32
      %eq3A_404 = vector.broadcast %eq3A : i32 to vector<16xi32>
      %eq3A_405 = arith.cmpi eq, %iota3A, %eq3A_404 : vector<16xi32>
      %broadcast_in_dim3A_406 = vector.broadcast %reduce_sum3A_403 : f32 to vector<16xf32>
      %select_n3A = arith.select %eq3A_405, %broadcast_in_dim3A_406, %broadcast_in_dim3A_253 : vector<16xi1>, vector<16xf32>
      %slice3A_407 = vector.extract_strided_slice %and3A_249 {offsets = [1], sizes = [1], strides = [1]} : vector<16xi32> to vector<1xi32>
      %squeeze3A_408 = vector.extract %slice3A_407[0] : i32 from vector<1xi32>
      %broadcast_in_dim3A_409 = vector.broadcast %squeeze3A_408 : i32 to vector<16xi32>
      %slice3A_410 = vector.extract_strided_slice %and3A_252 {offsets = [1], sizes = [1], strides = [1]} : vector<16xi32> to vector<1xi32>
      %squeeze3A_411 = vector.extract %slice3A_410[0] : i32 from vector<1xi32>
      %broadcast_in_dim3A_412 = vector.broadcast %squeeze3A_411 : i32 to vector<16xi32>
      %gather3A_413 = arith.constant 0 : i32
      %gather3A_414 = arith.constant 1 : i32
      %gather3A_415 = arith.constant 0 : i32
      %gather3A_416 = arith.constant 0 : i32
      %gather3A_417 = tpu.memref_slice %arg10[%gather3A_413, %gather3A_414, %gather3A_415, %gather3A_416] : memref<4x2x32x128xf32, #tpu.memory_space<vmem>> -> memref<1x1x32x128xf32, #tpu.memory_space<vmem>>
      %gather3A_418 = tpu.memref_squeeze %gather3A_417 : memref<1x1x32x128xf32, #tpu.memory_space<vmem>> -> memref<32x128xf32, #tpu.memory_space<vmem>>
      %gather3A_419 = tpu.vector_load_idx %gather3A_418[%iota3A, %broadcast_in_dim3A_409] : memref<32x128xf32, #tpu.memory_space<vmem>>[vector<16xi32>, vector<16xi32>], vector<16xf32>,
      %gather3A_420 = arith.constant 0 : i32
      %gather3A_421 = arith.constant 1 : i32
      %gather3A_422 = arith.constant 0 : i32
      %gather3A_423 = arith.constant 0 : i32
      %gather3A_424 = tpu.memref_slice %arg10[%gather3A_420, %gather3A_421, %gather3A_422, %gather3A_423] : memref<4x2x32x128xf32, #tpu.memory_space<vmem>> -> memref<1x1x32x128xf32, #tpu.memory_space<vmem>>
      %gather3A_425 = tpu.memref_squeeze %gather3A_424 : memref<1x1x32x128xf32, #tpu.memory_space<vmem>> -> memref<32x128xf32, #tpu.memory_space<vmem>>
      %gather3A_426 = tpu.vector_load_idx %gather3A_425[%add3A_8, %broadcast_in_dim3A_409] : memref<32x128xf32, #tpu.memory_space<vmem>>[vector<16xi32>, vector<16xi32>], vector<16xf32>,
      %gather3A_427 = arith.constant 0 : i32
      %gather3A_428 = arith.constant 1 : i32
      %gather3A_429 = arith.constant 0 : i32
      %gather3A_430 = arith.constant 0 : i32
      %gather3A_431 = tpu.memref_slice %arg11[%gather3A_427, %gather3A_428, %gather3A_429, %gather3A_430] : memref<4x2x32x128xf32, #tpu.memory_space<vmem>> -> memref<1x1x32x128xf32, #tpu.memory_space<vmem>>
      %gather3A_432 = tpu.memref_squeeze %gather3A_431 : memref<1x1x32x128xf32, #tpu.memory_space<vmem>> -> memref<32x128xf32, #tpu.memory_space<vmem>>
      %gather3A_433 = tpu.vector_load_idx %gather3A_432[%iota3A, %broadcast_in_dim3A_412] : memref<32x128xf32, #tpu.memory_space<vmem>>[vector<16xi32>, vector<16xi32>], vector<16xf32>,
      %gather3A_434 = arith.constant 0 : i32
      %gather3A_435 = arith.constant 1 : i32
      %gather3A_436 = arith.constant 0 : i32
      %gather3A_437 = arith.constant 0 : i32
      %gather3A_438 = tpu.memref_slice %arg11[%gather3A_434, %gather3A_435, %gather3A_436, %gather3A_437] : memref<4x2x32x128xf32, #tpu.memory_space<vmem>> -> memref<1x1x32x128xf32, #tpu.memory_space<vmem>>
      %gather3A_439 = tpu.memref_squeeze %gather3A_438 : memref<1x1x32x128xf32, #tpu.memory_space<vmem>> -> memref<32x128xf32, #tpu.memory_space<vmem>>
      %gather3A_440 = tpu.vector_load_idx %gather3A_439[%add3A_8, %broadcast_in_dim3A_412] : memref<32x128xf32, #tpu.memory_space<vmem>>[vector<16xi32>, vector<16xi32>], vector<16xf32>,
      %mul3A_441 = arith.mulf %gather3A_419, %gather3A_433 : vector<16xf32>
      %mul3A_442 = arith.mulf %mul3A_441, %get3A_3 : vector<16xf32>
      %mul3A_443 = arith.mulf %gather3A_426, %gather3A_440 : vector<16xf32>
      %mul3A_444 = arith.mulf %mul3A_443, %get3A_5 : vector<16xf32>
      %add3A_445 = arith.addf %mul3A_442, %mul3A_444 : vector<16xf32>
      %reduce_sum3A_446 = arith.constant true
      %reduce_sum3A_447 = vector.broadcast %reduce_sum3A_446 : i1 to vector<16xi1>
      %reduce_sum3A_448 = tpu.scan <sum>, %add3A_445 masked %reduce_sum3A_447 : vector<16xf32>, vector<16xi1> -> vector<16xf32>
      %reduce_sum3A_449 = vector.extract %reduce_sum3A_448[15] : f32 from vector<16xf32>
      %eq3A_450 = arith.constant 1 : i32
      %eq3A_451 = vector.broadcast %eq3A_450 : i32 to vector<16xi32>
      %eq3A_452 = arith.cmpi eq, %iota3A, %eq3A_451 : vector<16xi32>
      %broadcast_in_dim3A_453 = vector.broadcast %reduce_sum3A_449 : f32 to vector<16xf32>
      %select_n3A_454 = arith.select %eq3A_452, %broadcast_in_dim3A_453, %select_n3A : vector<16xi1>, vector<16xf32>
      %slice3A_455 = vector.extract_strided_slice %get3A_244 {offsets = [8], sizes = [1], strides = [1]} : vector<16xi32> to vector<1xi32>
      %squeeze3A_456 = vector.extract %slice3A_455[0] : i32 from vector<1xi32>
      %and3A_457 = arith.constant -128 : i32
      %and3A_458 = arith.andi %squeeze3A_456, %and3A_457 : i32
      %slice3A_459 = vector.extract_strided_slice %get3A_246 {offsets = [8], sizes = [1], strides = [1]} : vector<16xi32> to vector<1xi32>
      %squeeze3A_460 = vector.extract %slice3A_459[0] : i32 from vector<1xi32>
      %and3A_461 = arith.constant -128 : i32
      %and3A_462 = arith.andi %squeeze3A_460, %and3A_461 : i32
      %multiple_of3A_463 = tpu.assume_multiple %and3A_458, 128 : i32
      %dma_start3A_464 = arith.constant 0 : i32
      %dma_start3A_465 = arith.constant 0 : i32
      %dma_start3A_466 = arith.constant 0 : i32
      %dma_start3A_467 = arith.constant 0 : i32
      %dma_start3A_468 = tpu.memref_slice %arg10[%dma_start3A_464, %dma_start3A_465, %dma_start3A_466, %dma_start3A_467] : memref<4x2x32x128xf32, #tpu.memory_space<vmem>> -> memref<1x1x32x128xf32, #tpu.memory_space<vmem>>
      %dma_start3A_469 = tpu.memref_squeeze %dma_start3A_468 : memref<1x1x32x128xf32, #tpu.memory_space<vmem>> -> memref<32x128xf32, #tpu.memory_space<vmem>>
      %dma_start3A_470 = arith.constant 0 : i32
      %dma_start3A_471 = tpu.memref_slice %arg4[%dma_start3A_470, %multiple_of3A_463] : memref<32x1000000xf32, #tpu.memory_space<hbm>> -> memref<32x128xf32, #tpu.memory_space<hbm>>
      %dma_start3A_472 = arith.constant 0 : i32
      %dma_start3A_473 = arith.constant 0 : i32
      %dma_start3A_474 = tpu.memref_slice %arg10[%dma_start3A_464, %dma_start3A_465, %dma_start3A_472, %dma_start3A_473] : memref<4x2x32x128xf32, #tpu.memory_space<vmem>> -> memref<1x1x32x128xf32, #tpu.memory_space<vmem>>
      %dma_start3A_475 = tpu.memref_squeeze %dma_start3A_474 : memref<1x1x32x128xf32, #tpu.memory_space<vmem>> -> memref<32x128xf32, #tpu.memory_space<vmem>>
      %dma_start3A_476 = arith.constant 0 : i32
      %dma_start3A_477 = tpu.memref_slice %arg4[%dma_start3A_476, %multiple_of3A_463] : memref<32x1000000xf32, #tpu.memory_space<hbm>> -> memref<32x128xf32, #tpu.memory_space<hbm>>
      tpu.enqueue_dma source(%dma_start3A_477 : memref<32x128xf32, #tpu.memory_space<hbm>>) target(%dma_start3A_475 : memref<32x128xf32, #tpu.memory_space<vmem>>) target_semaphore(%arg14 : memref<!tpu.dma_semaphore, #tpu.memory_space<semaphore_mem>>)
      %multiple_of3A_478 = tpu.assume_multiple %and3A_462, 128 : i32
      %dma_start3A_479 = arith.constant 0 : i32
      %dma_start3A_480 = arith.constant 0 : i32
      %dma_start3A_481 = arith.constant 0 : i32
      %dma_start3A_482 = arith.constant 0 : i32
      %dma_start3A_483 = tpu.memref_slice %arg11[%dma_start3A_479, %dma_start3A_480, %dma_start3A_481, %dma_start3A_482] : memref<4x2x32x128xf32, #tpu.memory_space<vmem>> -> memref<1x1x32x128xf32, #tpu.memory_space<vmem>>
      %dma_start3A_484 = tpu.memref_squeeze %dma_start3A_483 : memref<1x1x32x128xf32, #tpu.memory_space<vmem>> -> memref<32x128xf32, #tpu.memory_space<vmem>>
      %dma_start3A_485 = arith.constant 0 : i32
      %dma_start3A_486 = tpu.memref_slice %arg5[%dma_start3A_485, %multiple_of3A_478] : memref<32x1000000xf32, #tpu.memory_space<hbm>> -> memref<32x128xf32, #tpu.memory_space<hbm>>
      %dma_start3A_487 = arith.constant 0 : i32
      %dma_start3A_488 = arith.constant 0 : i32
      %dma_start3A_489 = tpu.memref_slice %arg11[%dma_start3A_479, %dma_start3A_480, %dma_start3A_487, %dma_start3A_488] : memref<4x2x32x128xf32, #tpu.memory_space<vmem>> -> memref<1x1x32x128xf32, #tpu.memory_space<vmem>>
      %dma_start3A_490 = tpu.memref_squeeze %dma_start3A_489 : memref<1x1x32x128xf32, #tpu.memory_space<vmem>> -> memref<32x128xf32, #tpu.memory_space<vmem>>
      %dma_start3A_491 = arith.constant 0 : i32
      %dma_start3A_492 = tpu.memref_slice %arg5[%dma_start3A_491, %multiple_of3A_478] : memref<32x1000000xf32, #tpu.memory_space<hbm>> -> memref<32x128xf32, #tpu.memory_space<hbm>>
      tpu.enqueue_dma source(%dma_start3A_492 : memref<32x128xf32, #tpu.memory_space<hbm>>) target(%dma_start3A_490 : memref<32x128xf32, #tpu.memory_space<vmem>>) target_semaphore(%arg18 : memref<!tpu.dma_semaphore, #tpu.memory_space<semaphore_mem>>)
      %slice3A_493 = vector.extract_strided_slice %get3A_244 {offsets = [9], sizes = [1], strides = [1]} : vector<16xi32> to vector<1xi32>
      %squeeze3A_494 = vector.extract %slice3A_493[0] : i32 from vector<1xi32>
      %and3A_495 = arith.constant -128 : i32
      %and3A_496 = arith.andi %squeeze3A_494, %and3A_495 : i32
      %slice3A_497 = vector.extract_strided_slice %get3A_246 {offsets = [9], sizes = [1], strides = [1]} : vector<16xi32> to vector<1xi32>
      %squeeze3A_498 = vector.extract %slice3A_497[0] : i32 from vector<1xi32>
      %and3A_499 = arith.constant -128 : i32
      %and3A_500 = arith.andi %squeeze3A_498, %and3A_499 : i32
      %multiple_of3A_501 = tpu.assume_multiple %and3A_496, 128 : i32
      %dma_start3A_502 = arith.constant 0 : i32
      %dma_start3A_503 = arith.constant 1 : i32
      %dma_start3A_504 = arith.constant 0 : i32
      %dma_start3A_505 = arith.constant 0 : i32
      %dma_start3A_506 = tpu.memref_slice %arg10[%dma_start3A_502, %dma_start3A_503, %dma_start3A_504, %dma_start3A_505] : memref<4x2x32x128xf32, #tpu.memory_space<vmem>> -> memref<1x1x32x128xf32, #tpu.memory_space<vmem>>
      %dma_start3A_507 = tpu.memref_squeeze %dma_start3A_506 : memref<1x1x32x128xf32, #tpu.memory_space<vmem>> -> memref<32x128xf32, #tpu.memory_space<vmem>>
      %dma_start3A_508 = arith.constant 0 : i32
      %dma_start3A_509 = tpu.memref_slice %arg4[%dma_start3A_508, %multiple_of3A_501] : memref<32x1000000xf32, #tpu.memory_space<hbm>> -> memref<32x128xf32, #tpu.memory_space<hbm>>
      %dma_start3A_510 = arith.constant 0 : i32
      %dma_start3A_511 = arith.constant 0 : i32
      %dma_start3A_512 = tpu.memref_slice %arg10[%dma_start3A_502, %dma_start3A_503, %dma_start3A_510, %dma_start3A_511] : memref<4x2x32x128xf32, #tpu.memory_space<vmem>> -> memref<1x1x32x128xf32, #tpu.memory_space<vmem>>
      %dma_start3A_513 = tpu.memref_squeeze %dma_start3A_512 : memref<1x1x32x128xf32, #tpu.memory_space<vmem>> -> memref<32x128xf32, #tpu.memory_space<vmem>>
      %dma_start3A_514 = arith.constant 0 : i32
      %dma_start3A_515 = tpu.memref_slice %arg4[%dma_start3A_514, %multiple_of3A_501] : memref<32x1000000xf32, #tpu.memory_space<hbm>> -> memref<32x128xf32, #tpu.memory_space<hbm>>
      tpu.enqueue_dma source(%dma_start3A_515 : memref<32x128xf32, #tpu.memory_space<hbm>>) target(%dma_start3A_513 : memref<32x128xf32, #tpu.memory_space<vmem>>) target_semaphore(%arg14 : memref<!tpu.dma_semaphore, #tpu.memory_space<semaphore_mem>>)
      %multiple_of3A_516 = tpu.assume_multiple %and3A_500, 128 : i32
      %dma_start3A_517 = arith.constant 0 : i32
      %dma_start3A_518 = arith.constant 1 : i32
      %dma_start3A_519 = arith.constant 0 : i32
      %dma_start3A_520 = arith.constant 0 : i32
      %dma_start3A_521 = tpu.memref_slice %arg11[%dma_start3A_517, %dma_start3A_518, %dma_start3A_519, %dma_start3A_520] : memref<4x2x32x128xf32, #tpu.memory_space<vmem>> -> memref<1x1x32x128xf32, #tpu.memory_space<vmem>>
      %dma_start3A_522 = tpu.memref_squeeze %dma_start3A_521 : memref<1x1x32x128xf32, #tpu.memory_space<vmem>> -> memref<32x128xf32, #tpu.memory_space<vmem>>
      %dma_start3A_523 = arith.constant 0 : i32
      %dma_start3A_524 = tpu.memref_slice %arg5[%dma_start3A_523, %multiple_of3A_516] : memref<32x1000000xf32, #tpu.memory_space<hbm>> -> memref<32x128xf32, #tpu.memory_space<hbm>>
      %dma_start3A_525 = arith.constant 0 : i32
      %dma_start3A_526 = arith.constant 0 : i32
      %dma_start3A_527 = tpu.memref_slice %arg11[%dma_start3A_517, %dma_start3A_518, %dma_start3A_525, %dma_start3A_526] : memref<4x2x32x128xf32, #tpu.memory_space<vmem>> -> memref<1x1x32x128xf32, #tpu.memory_space<vmem>>
      %dma_start3A_528 = tpu.memref_squeeze %dma_start3A_527 : memref<1x1x32x128xf32, #tpu.memory_space<vmem>> -> memref<32x128xf32, #tpu.memory_space<vmem>>
      %dma_start3A_529 = arith.constant 0 : i32
      %dma_start3A_530 = tpu.memref_slice %arg5[%dma_start3A_529, %multiple_of3A_516] : memref<32x1000000xf32, #tpu.memory_space<hbm>> -> memref<32x128xf32, #tpu.memory_space<hbm>>
      tpu.enqueue_dma source(%dma_start3A_530 : memref<32x128xf32, #tpu.memory_space<hbm>>) target(%dma_start3A_528 : memref<32x128xf32, #tpu.memory_space<vmem>>) target_semaphore(%arg18 : memref<!tpu.dma_semaphore, #tpu.memory_space<semaphore_mem>>)
      %dma_wait3A_531 = arith.constant 1 : i32
      %dma_wait3A_532 = arith.constant 0 : i32
      %dma_wait3A_533 = arith.constant 0 : i32
      %dma_wait3A_534 = arith.constant 0 : i32
      %dma_wait3A_535 = tpu.memref_slice %arg10[%dma_wait3A_531, %dma_wait3A_532, %dma_wait3A_533, %dma_wait3A_534] : memref<4x2x32x128xf32, #tpu.memory_space<vmem>> -> memref<1x2x32x128xf32, #tpu.memory_space<vmem>>
      %dma_wait3A_536 = tpu.memref_squeeze %dma_wait3A_535 : memref<1x2x32x128xf32, #tpu.memory_space<vmem>> -> memref<2x32x128xf32, #tpu.memory_space<vmem>>
      %dma_wait3A_537 = arith.constant 0 : i32
      %dma_wait3A_538 = arith.constant 0 : i32
      %dma_wait3A_539 = tpu.memref_slice %arg4[%dma_wait3A_537, %dma_wait3A_538] : memref<32x1000000xf32, #tpu.memory_space<hbm>> -> memref<32x256xf32, #tpu.memory_space<hbm>>
      %dma_wait3A_540 = arith.constant 0 : i32
      %dma_wait3A_541 = arith.constant 0 : i32
      %dma_wait3A_542 = arith.constant 0 : i32
      %dma_wait3A_543 = tpu.memref_slice %arg10[%dma_wait3A_531, %dma_wait3A_540, %dma_wait3A_541, %dma_wait3A_542] : memref<4x2x32x128xf32, #tpu.memory_space<vmem>> -> memref<1x2x32x128xf32, #tpu.memory_space<vmem>>
      %dma_wait3A_544 = tpu.memref_squeeze %dma_wait3A_543 : memref<1x2x32x128xf32, #tpu.memory_space<vmem>> -> memref<2x32x128xf32, #tpu.memory_space<vmem>>
      %dma_wait3A_545 = arith.constant 0 : i32
      %dma_wait3A_546 = arith.constant 0 : i32
      %dma_wait3A_547 = tpu.memref_slice %arg4[%dma_wait3A_545, %dma_wait3A_546] : memref<32x1000000xf32, #tpu.memory_space<hbm>> -> memref<32x256xf32, #tpu.memory_space<hbm>>
      tpu.wait_dma2 semaphore(%arg15 : memref<!tpu.dma_semaphore, #tpu.memory_space<semaphore_mem>>) src(%dma_wait3A_547 : memref<32x256xf32, #tpu.memory_space<hbm>>) dst(%dma_wait3A_544 : memref<2x32x128xf32, #tpu.memory_space<vmem>>)
      %dma_wait3A_548 = arith.constant 1 : i32
      %dma_wait3A_549 = arith.constant 0 : i32
      %dma_wait3A_550 = arith.constant 0 : i32
      %dma_wait3A_551 = arith.constant 0 : i32
      %dma_wait3A_552 = tpu.memref_slice %arg11[%dma_wait3A_548, %dma_wait3A_549, %dma_wait3A_550, %dma_wait3A_551] : memref<4x2x32x128xf32, #tpu.memory_space<vmem>> -> memref<1x2x32x128xf32, #tpu.memory_space<vmem>>
      %dma_wait3A_553 = tpu.memref_squeeze %dma_wait3A_552 : memref<1x2x32x128xf32, #tpu.memory_space<vmem>> -> memref<2x32x128xf32, #tpu.memory_space<vmem>>
      %dma_wait3A_554 = arith.constant 0 : i32
      %dma_wait3A_555 = arith.constant 0 : i32
      %dma_wait3A_556 = tpu.memref_slice %arg5[%dma_wait3A_554, %dma_wait3A_555] : memref<32x1000000xf32, #tpu.memory_space<hbm>> -> memref<32x256xf32, #tpu.memory_space<hbm>>
      %dma_wait3A_557 = arith.constant 0 : i32
      %dma_wait3A_558 = arith.constant 0 : i32
      %dma_wait3A_559 = arith.constant 0 : i32
      %dma_wait3A_560 = tpu.memref_slice %arg11[%dma_wait3A_548, %dma_wait3A_557, %dma_wait3A_558, %dma_wait3A_559] : memref<4x2x32x128xf32, #tpu.memory_space<vmem>> -> memref<1x2x32x128xf32, #tpu.memory_space<vmem>>
      %dma_wait3A_561 = tpu.memref_squeeze %dma_wait3A_560 : memref<1x2x32x128xf32, #tpu.memory_space<vmem>> -> memref<2x32x128xf32, #tpu.memory_space<vmem>>
      %dma_wait3A_562 = arith.constant 0 : i32
      %dma_wait3A_563 = arith.constant 0 : i32
      %dma_wait3A_564 = tpu.memref_slice %arg5[%dma_wait3A_562, %dma_wait3A_563] : memref<32x1000000xf32, #tpu.memory_space<hbm>> -> memref<32x256xf32, #tpu.memory_space<hbm>>
      tpu.wait_dma2 semaphore(%arg19 : memref<!tpu.dma_semaphore, #tpu.memory_space<semaphore_mem>>) src(%dma_wait3A_564 : memref<32x256xf32, #tpu.memory_space<hbm>>) dst(%dma_wait3A_561 : memref<2x32x128xf32, #tpu.memory_space<vmem>>)
      %slice3A_565 = vector.extract_strided_slice %and3A_249 {offsets = [2], sizes = [1], strides = [1]} : vector<16xi32> to vector<1xi32>
      %squeeze3A_566 = vector.extract %slice3A_565[0] : i32 from vector<1xi32>
      %broadcast_in_dim3A_567 = vector.broadcast %squeeze3A_566 : i32 to vector<16xi32>
      %slice3A_568 = vector.extract_strided_slice %and3A_252 {offsets = [2], sizes = [1], strides = [1]} : vector<16xi32> to vector<1xi32>
      %squeeze3A_569 = vector.extract %slice3A_568[0] : i32 from vector<1xi32>
      %broadcast_in_dim3A_570 = vector.broadcast %squeeze3A_569 : i32 to vector<16xi32>
      %gather3A_571 = arith.constant 1 : i32
      %gather3A_572 = arith.constant 0 : i32
      %gather3A_573 = arith.constant 0 : i32
      %gather3A_574 = arith.constant 0 : i32
      %gather3A_575 = tpu.memref_slice %arg10[%gather3A_571, %gather3A_572, %gather3A_573, %gather3A_574] : memref<4x2x32x128xf32, #tpu.memory_space<vmem>> -> memref<1x1x32x128xf32, #tpu.memory_space<vmem>>
      %gather3A_576 = tpu.memref_squeeze %gather3A_575 : memref<1x1x32x128xf32, #tpu.memory_space<vmem>> -> memref<32x128xf32, #tpu.memory_space<vmem>>
      %gather3A_577 = tpu.vector_load_idx %gather3A_576[%iota3A, %broadcast_in_dim3A_567] : memref<32x128xf32, #tpu.memory_space<vmem>>[vector<16xi32>, vector<16xi32>], vector<16xf32>,
      %gather3A_578 = arith.constant 1 : i32
      %gather3A_579 = arith.constant 0 : i32
      %gather3A_580 = arith.constant 0 : i32
      %gather3A_581 = arith.constant 0 : i32
      %gather3A_582 = tpu.memref_slice %arg10[%gather3A_578, %gather3A_579, %gather3A_580, %gather3A_581] : memref<4x2x32x128xf32, #tpu.memory_space<vmem>> -> memref<1x1x32x128xf32, #tpu.memory_space<vmem>>
      %gather3A_583 = tpu.memref_squeeze %gather3A_582 : memref<1x1x32x128xf32, #tpu.memory_space<vmem>> -> memref<32x128xf32, #tpu.memory_space<vmem>>
      %gather3A_584 = tpu.vector_load_idx %gather3A_583[%add3A_8, %broadcast_in_dim3A_567] : memref<32x128xf32, #tpu.memory_space<vmem>>[vector<16xi32>, vector<16xi32>], vector<16xf32>,
      %gather3A_585 = arith.constant 1 : i32
      %gather3A_586 = arith.constant 0 : i32
      %gather3A_587 = arith.constant 0 : i32
      %gather3A_588 = arith.constant 0 : i32
      %gather3A_589 = tpu.memref_slice %arg11[%gather3A_585, %gather3A_586, %gather3A_587, %gather3A_588] : memref<4x2x32x128xf32, #tpu.memory_space<vmem>> -> memref<1x1x32x128xf32, #tpu.memory_space<vmem>>
      %gather3A_590 = tpu.memref_squeeze %gather3A_589 : memref<1x1x32x128xf32, #tpu.memory_space<vmem>> -> memref<32x128xf32, #tpu.memory_space<vmem>>
      %gather3A_591 = tpu.vector_load_idx %gather3A_590[%iota3A, %broadcast_in_dim3A_570] : memref<32x128xf32, #tpu.memory_space<vmem>>[vector<16xi32>, vector<16xi32>], vector<16xf32>,
      %gather3A_592 = arith.constant 1 : i32
      %gather3A_593 = arith.constant 0 : i32
      %gather3A_594 = arith.constant 0 : i32
      %gather3A_595 = arith.constant 0 : i32
      %gather3A_596 = tpu.memref_slice %arg11[%gather3A_592, %gather3A_593, %gather3A_594, %gather3A_595] : memref<4x2x32x128xf32, #tpu.memory_space<vmem>> -> memref<1x1x32x128xf32, #tpu.memory_space<vmem>>
      %gather3A_597 = tpu.memref_squeeze %gather3A_596 : memref<1x1x32x128xf32, #tpu.memory_space<vmem>> -> memref<32x128xf32, #tpu.memory_space<vmem>>
      %gather3A_598 = tpu.vector_load_idx %gather3A_597[%add3A_8, %broadcast_in_dim3A_570] : memref<32x128xf32, #tpu.memory_space<vmem>>[vector<16xi32>, vector<16xi32>], vector<16xf32>,
      %mul3A_599 = arith.mulf %gather3A_577, %gather3A_591 : vector<16xf32>
      %mul3A_600 = arith.mulf %mul3A_599, %get3A_3 : vector<16xf32>
      %mul3A_601 = arith.mulf %gather3A_584, %gather3A_598 : vector<16xf32>
      %mul3A_602 = arith.mulf %mul3A_601, %get3A_5 : vector<16xf32>
      %add3A_603 = arith.addf %mul3A_600, %mul3A_602 : vector<16xf32>
      %reduce_sum3A_604 = arith.constant true
      %reduce_sum3A_605 = vector.broadcast %reduce_sum3A_604 : i1 to vector<16xi1>
      %reduce_sum3A_606 = tpu.scan <sum>, %add3A_603 masked %reduce_sum3A_605 : vector<16xf32>, vector<16xi1> -> vector<16xf32>
      %reduce_sum3A_607 = vector.extract %reduce_sum3A_606[15] : f32 from vector<16xf32>
      %eq3A_608 = arith.constant 2 : i32
      %eq3A_609 = vector.broadcast %eq3A_608 : i32 to vector<16xi32>
      %eq3A_610 = arith.cmpi eq, %iota3A, %eq3A_609 : vector<16xi32>
      %broadcast_in_dim3A_611 = vector.broadcast %reduce_sum3A_607 : f32 to vector<16xf32>
      %select_n3A_612 = arith.select %eq3A_610, %broadcast_in_dim3A_611, %select_n3A_454 : vector<16xi1>, vector<16xf32>
      %slice3A_613 = vector.extract_strided_slice %and3A_249 {offsets = [3], sizes = [1], strides = [1]} : vector<16xi32> to vector<1xi32>
      %squeeze3A_614 = vector.extract %slice3A_613[0] : i32 from vector<1xi32>
      %broadcast_in_dim3A_615 = vector.broadcast %squeeze3A_614 : i32 to vector<16xi32>
      %slice3A_616 = vector.extract_strided_slice %and3A_252 {offsets = [3], sizes = [1], strides = [1]} : vector<16xi32> to vector<1xi32>
      %squeeze3A_617 = vector.extract %slice3A_616[0] : i32 from vector<1xi32>
      %broadcast_in_dim3A_618 = vector.broadcast %squeeze3A_617 : i32 to vector<16xi32>
      %gather3A_619 = arith.constant 1 : i32
      %gather3A_620 = arith.constant 1 : i32
      %gather3A_621 = arith.constant 0 : i32
      %gather3A_622 = arith.constant 0 : i32
      %gather3A_623 = tpu.memref_slice %arg10[%gather3A_619, %gather3A_620, %gather3A_621, %gather3A_622] : memref<4x2x32x128xf32, #tpu.memory_space<vmem>> -> memref<1x1x32x128xf32, #tpu.memory_space<vmem>>
      %gather3A_624 = tpu.memref_squeeze %gather3A_623 : memref<1x1x32x128xf32, #tpu.memory_space<vmem>> -> memref<32x128xf32, #tpu.memory_space<vmem>>
      %gather3A_625 = tpu.vector_load_idx %gather3A_624[%iota3A, %broadcast_in_dim3A_615] : memref<32x128xf32, #tpu.memory_space<vmem>>[vector<16xi32>, vector<16xi32>], vector<16xf32>,
      %gather3A_626 = arith.constant 1 : i32
      %gather3A_627 = arith.constant 1 : i32
      %gather3A_628 = arith.constant 0 : i32
      %gather3A_629 = arith.constant 0 : i32
      %gather3A_630 = tpu.memref_slice %arg10[%gather3A_626, %gather3A_627, %gather3A_628, %gather3A_629] : memref<4x2x32x128xf32, #tpu.memory_space<vmem>> -> memref<1x1x32x128xf32, #tpu.memory_space<vmem>>
      %gather3A_631 = tpu.memref_squeeze %gather3A_630 : memref<1x1x32x128xf32, #tpu.memory_space<vmem>> -> memref<32x128xf32, #tpu.memory_space<vmem>>
      %gather3A_632 = tpu.vector_load_idx %gather3A_631[%add3A_8, %broadcast_in_dim3A_615] : memref<32x128xf32, #tpu.memory_space<vmem>>[vector<16xi32>, vector<16xi32>], vector<16xf32>,
      %gather3A_633 = arith.constant 1 : i32
      %gather3A_634 = arith.constant 1 : i32
      %gather3A_635 = arith.constant 0 : i32
      %gather3A_636 = arith.constant 0 : i32
      %gather3A_637 = tpu.memref_slice %arg11[%gather3A_633, %gather3A_634, %gather3A_635, %gather3A_636] : memref<4x2x32x128xf32, #tpu.memory_space<vmem>> -> memref<1x1x32x128xf32, #tpu.memory_space<vmem>>
      %gather3A_638 = tpu.memref_squeeze %gather3A_637 : memref<1x1x32x128xf32, #tpu.memory_space<vmem>> -> memref<32x128xf32, #tpu.memory_space<vmem>>
      %gather3A_639 = tpu.vector_load_idx %gather3A_638[%iota3A, %broadcast_in_dim3A_618] : memref<32x128xf32, #tpu.memory_space<vmem>>[vector<16xi32>, vector<16xi32>], vector<16xf32>,
      %gather3A_640 = arith.constant 1 : i32
      %gather3A_641 = arith.constant 1 : i32
      %gather3A_642 = arith.constant 0 : i32
      %gather3A_643 = arith.constant 0 : i32
      %gather3A_644 = tpu.memref_slice %arg11[%gather3A_640, %gather3A_641, %gather3A_642, %gather3A_643] : memref<4x2x32x128xf32, #tpu.memory_space<vmem>> -> memref<1x1x32x128xf32, #tpu.memory_space<vmem>>
      %gather3A_645 = tpu.memref_squeeze %gather3A_644 : memref<1x1x32x128xf32, #tpu.memory_space<vmem>> -> memref<32x128xf32, #tpu.memory_space<vmem>>
      %gather3A_646 = tpu.vector_load_idx %gather3A_645[%add3A_8, %broadcast_in_dim3A_618] : memref<32x128xf32, #tpu.memory_space<vmem>>[vector<16xi32>, vector<16xi32>], vector<16xf32>,
      %mul3A_647 = arith.mulf %gather3A_625, %gather3A_639 : vector<16xf32>
      %mul3A_648 = arith.mulf %mul3A_647, %get3A_3 : vector<16xf32>
      %mul3A_649 = arith.mulf %gather3A_632, %gather3A_646 : vector<16xf32>
      %mul3A_650 = arith.mulf %mul3A_649, %get3A_5 : vector<16xf32>
      %add3A_651 = arith.addf %mul3A_648, %mul3A_650 : vector<16xf32>
      %reduce_sum3A_652 = arith.constant true
      %reduce_sum3A_653 = vector.broadcast %reduce_sum3A_652 : i1 to vector<16xi1>
      %reduce_sum3A_654 = tpu.scan <sum>, %add3A_651 masked %reduce_sum3A_653 : vector<16xf32>, vector<16xi1> -> vector<16xf32>
      %reduce_sum3A_655 = vector.extract %reduce_sum3A_654[15] : f32 from vector<16xf32>
      %eq3A_656 = arith.constant 3 : i32
      %eq3A_657 = vector.broadcast %eq3A_656 : i32 to vector<16xi32>
      %eq3A_658 = arith.cmpi eq, %iota3A, %eq3A_657 : vector<16xi32>
      %broadcast_in_dim3A_659 = vector.broadcast %reduce_sum3A_655 : f32 to vector<16xf32>
      %select_n3A_660 = arith.select %eq3A_658, %broadcast_in_dim3A_659, %select_n3A_612 : vector<16xi1>, vector<16xf32>
      %slice3A_661 = vector.extract_strided_slice %get3A_244 {offsets = [10], sizes = [1], strides = [1]} : vector<16xi32> to vector<1xi32>
      %squeeze3A_662 = vector.extract %slice3A_661[0] : i32 from vector<1xi32>
      %and3A_663 = arith.constant -128 : i32
      %and3A_664 = arith.andi %squeeze3A_662, %and3A_663 : i32
      %slice3A_665 = vector.extract_strided_slice %get3A_246 {offsets = [10], sizes = [1], strides = [1]} : vector<16xi32> to vector<1xi32>
      %squeeze3A_666 = vector.extract %slice3A_665[0] : i32 from vector<1xi32>
      %and3A_667 = arith.constant -128 : i32
      %and3A_668 = arith.andi %squeeze3A_666, %and3A_667 : i32
      %multiple_of3A_669 = tpu.assume_multiple %and3A_664, 128 : i32
      %dma_start3A_670 = arith.constant 1 : i32
      %dma_start3A_671 = arith.constant 0 : i32
      %dma_start3A_672 = arith.constant 0 : i32
      %dma_start3A_673 = arith.constant 0 : i32
      %dma_start3A_674 = tpu.memref_slice %arg10[%dma_start3A_670, %dma_start3A_671, %dma_start3A_672, %dma_start3A_673] : memref<4x2x32x128xf32, #tpu.memory_space<vmem>> -> memref<1x1x32x128xf32, #tpu.memory_space<vmem>>
      %dma_start3A_675 = tpu.memref_squeeze %dma_start3A_674 : memref<1x1x32x128xf32, #tpu.memory_space<vmem>> -> memref<32x128xf32, #tpu.memory_space<vmem>>
      %dma_start3A_676 = arith.constant 0 : i32
      %dma_start3A_677 = tpu.memref_slice %arg4[%dma_start3A_676, %multiple_of3A_669] : memref<32x1000000xf32, #tpu.memory_space<hbm>> -> memref<32x128xf32, #tpu.memory_space<hbm>>
      %dma_start3A_678 = arith.constant 0 : i32
      %dma_start3A_679 = arith.constant 0 : i32
      %dma_start3A_680 = tpu.memref_slice %arg10[%dma_start3A_670, %dma_start3A_671, %dma_start3A_678, %dma_start3A_679] : memref<4x2x32x128xf32, #tpu.memory_space<vmem>> -> memref<1x1x32x128xf32, #tpu.memory_space<vmem>>
      %dma_start3A_681 = tpu.memref_squeeze %dma_start3A_680 : memref<1x1x32x128xf32, #tpu.memory_space<vmem>> -> memref<32x128xf32, #tpu.memory_space<vmem>>
      %dma_start3A_682 = arith.constant 0 : i32
      %dma_start3A_683 = tpu.memref_slice %arg4[%dma_start3A_682, %multiple_of3A_669] : memref<32x1000000xf32, #tpu.memory_space<hbm>> -> memref<32x128xf32, #tpu.memory_space<hbm>>
      tpu.enqueue_dma source(%dma_start3A_683 : memref<32x128xf32, #tpu.memory_space<hbm>>) target(%dma_start3A_681 : memref<32x128xf32, #tpu.memory_space<vmem>>) target_semaphore(%arg15 : memref<!tpu.dma_semaphore, #tpu.memory_space<semaphore_mem>>)
      %multiple_of3A_684 = tpu.assume_multiple %and3A_668, 128 : i32
      %dma_start3A_685 = arith.constant 1 : i32
      %dma_start3A_686 = arith.constant 0 : i32
      %dma_start3A_687 = arith.constant 0 : i32
      %dma_start3A_688 = arith.constant 0 : i32
      %dma_start3A_689 = tpu.memref_slice %arg11[%dma_start3A_685, %dma_start3A_686, %dma_start3A_687, %dma_start3A_688] : memref<4x2x32x128xf32, #tpu.memory_space<vmem>> -> memref<1x1x32x128xf32, #tpu.memory_space<vmem>>
      %dma_start3A_690 = tpu.memref_squeeze %dma_start3A_689 : memref<1x1x32x128xf32, #tpu.memory_space<vmem>> -> memref<32x128xf32, #tpu.memory_space<vmem>>
      %dma_start3A_691 = arith.constant 0 : i32
      %dma_start3A_692 = tpu.memref_slice %arg5[%dma_start3A_691, %multiple_of3A_684] : memref<32x1000000xf32, #tpu.memory_space<hbm>> -> memref<32x128xf32, #tpu.memory_space<hbm>>
      %dma_start3A_693 = arith.constant 0 : i32
      %dma_start3A_694 = arith.constant 0 : i32
      %dma_start3A_695 = tpu.memref_slice %arg11[%dma_start3A_685, %dma_start3A_686, %dma_start3A_693, %dma_start3A_694] : memref<4x2x32x128xf32, #tpu.memory_space<vmem>> -> memref<1x1x32x128xf32, #tpu.memory_space<vmem>>
      %dma_start3A_696 = tpu.memref_squeeze %dma_start3A_695 : memref<1x1x32x128xf32, #tpu.memory_space<vmem>> -> memref<32x128xf32, #tpu.memory_space<vmem>>
      %dma_start3A_697 = arith.constant 0 : i32
      %dma_start3A_698 = tpu.memref_slice %arg5[%dma_start3A_697, %multiple_of3A_684] : memref<32x1000000xf32, #tpu.memory_space<hbm>> -> memref<32x128xf32, #tpu.memory_space<hbm>>
      tpu.enqueue_dma source(%dma_start3A_698 : memref<32x128xf32, #tpu.memory_space<hbm>>) target(%dma_start3A_696 : memref<32x128xf32, #tpu.memory_space<vmem>>) target_semaphore(%arg19 : memref<!tpu.dma_semaphore, #tpu.memory_space<semaphore_mem>>)
      %slice3A_699 = vector.extract_strided_slice %get3A_244 {offsets = [11], sizes = [1], strides = [1]} : vector<16xi32> to vector<1xi32>
      %squeeze3A_700 = vector.extract %slice3A_699[0] : i32 from vector<1xi32>
      %and3A_701 = arith.constant -128 : i32
      %and3A_702 = arith.andi %squeeze3A_700, %and3A_701 : i32
      %slice3A_703 = vector.extract_strided_slice %get3A_246 {offsets = [11], sizes = [1], strides = [1]} : vector<16xi32> to vector<1xi32>
      %squeeze3A_704 = vector.extract %slice3A_703[0] : i32 from vector<1xi32>
      %and3A_705 = arith.constant -128 : i32
      %and3A_706 = arith.andi %squeeze3A_704, %and3A_705 : i32
      %multiple_of3A_707 = tpu.assume_multiple %and3A_702, 128 : i32
      %dma_start3A_708 = arith.constant 1 : i32
      %dma_start3A_709 = arith.constant 1 : i32
      %dma_start3A_710 = arith.constant 0 : i32
      %dma_start3A_711 = arith.constant 0 : i32
      %dma_start3A_712 = tpu.memref_slice %arg10[%dma_start3A_708, %dma_start3A_709, %dma_start3A_710, %dma_start3A_711] : memref<4x2x32x128xf32, #tpu.memory_space<vmem>> -> memref<1x1x32x128xf32, #tpu.memory_space<vmem>>
      %dma_start3A_713 = tpu.memref_squeeze %dma_start3A_712 : memref<1x1x32x128xf32, #tpu.memory_space<vmem>> -> memref<32x128xf32, #tpu.memory_space<vmem>>
      %dma_start3A_714 = arith.constant 0 : i32
      %dma_start3A_715 = tpu.memref_slice %arg4[%dma_start3A_714, %multiple_of3A_707] : memref<32x1000000xf32, #tpu.memory_space<hbm>> -> memref<32x128xf32, #tpu.memory_space<hbm>>
      %dma_start3A_716 = arith.constant 0 : i32
      %dma_start3A_717 = arith.constant 0 : i32
      %dma_start3A_718 = tpu.memref_slice %arg10[%dma_start3A_708, %dma_start3A_709, %dma_start3A_716, %dma_start3A_717] : memref<4x2x32x128xf32, #tpu.memory_space<vmem>> -> memref<1x1x32x128xf32, #tpu.memory_space<vmem>>
      %dma_start3A_719 = tpu.memref_squeeze %dma_start3A_718 : memref<1x1x32x128xf32, #tpu.memory_space<vmem>> -> memref<32x128xf32, #tpu.memory_space<vmem>>
      %dma_start3A_720 = arith.constant 0 : i32
      %dma_start3A_721 = tpu.memref_slice %arg4[%dma_start3A_720, %multiple_of3A_707] : memref<32x1000000xf32, #tpu.memory_space<hbm>> -> memref<32x128xf32, #tpu.memory_space<hbm>>
      tpu.enqueue_dma source(%dma_start3A_721 : memref<32x128xf32, #tpu.memory_space<hbm>>) target(%dma_start3A_719 : memref<32x128xf32, #tpu.memory_space<vmem>>) target_semaphore(%arg15 : memref<!tpu.dma_semaphore, #tpu.memory_space<semaphore_mem>>)
      %multiple_of3A_722 = tpu.assume_multiple %and3A_706, 128 : i32
      %dma_start3A_723 = arith.constant 1 : i32
      %dma_start3A_724 = arith.constant 1 : i32
      %dma_start3A_725 = arith.constant 0 : i32
      %dma_start3A_726 = arith.constant 0 : i32
      %dma_start3A_727 = tpu.memref_slice %arg11[%dma_start3A_723, %dma_start3A_724, %dma_start3A_725, %dma_start3A_726] : memref<4x2x32x128xf32, #tpu.memory_space<vmem>> -> memref<1x1x32x128xf32, #tpu.memory_space<vmem>>
      %dma_start3A_728 = tpu.memref_squeeze %dma_start3A_727 : memref<1x1x32x128xf32, #tpu.memory_space<vmem>> -> memref<32x128xf32, #tpu.memory_space<vmem>>
      %dma_start3A_729 = arith.constant 0 : i32
      %dma_start3A_730 = tpu.memref_slice %arg5[%dma_start3A_729, %multiple_of3A_722] : memref<32x1000000xf32, #tpu.memory_space<hbm>> -> memref<32x128xf32, #tpu.memory_space<hbm>>
      %dma_start3A_731 = arith.constant 0 : i32
      %dma_start3A_732 = arith.constant 0 : i32
      %dma_start3A_733 = tpu.memref_slice %arg11[%dma_start3A_723, %dma_start3A_724, %dma_start3A_731, %dma_start3A_732] : memref<4x2x32x128xf32, #tpu.memory_space<vmem>> -> memref<1x1x32x128xf32, #tpu.memory_space<vmem>>
      %dma_start3A_734 = tpu.memref_squeeze %dma_start3A_733 : memref<1x1x32x128xf32, #tpu.memory_space<vmem>> -> memref<32x128xf32, #tpu.memory_space<vmem>>
      %dma_start3A_735 = arith.constant 0 : i32
      %dma_start3A_736 = tpu.memref_slice %arg5[%dma_start3A_735, %multiple_of3A_722] : memref<32x1000000xf32, #tpu.memory_space<hbm>> -> memref<32x128xf32, #tpu.memory_space<hbm>>
      tpu.enqueue_dma source(%dma_start3A_736 : memref<32x128xf32, #tpu.memory_space<hbm>>) target(%dma_start3A_734 : memref<32x128xf32, #tpu.memory_space<vmem>>) target_semaphore(%arg19 : memref<!tpu.dma_semaphore, #tpu.memory_space<semaphore_mem>>)
      %dma_wait3A_737 = arith.constant 2 : i32
      %dma_wait3A_738 = arith.constant 0 : i32
      %dma_wait3A_739 = arith.constant 0 : i32
      %dma_wait3A_740 = arith.constant 0 : i32
      %dma_wait3A_741 = tpu.memref_slice %arg10[%dma_wait3A_737, %dma_wait3A_738, %dma_wait3A_739, %dma_wait3A_740] : memref<4x2x32x128xf32, #tpu.memory_space<vmem>> -> memref<1x2x32x128xf32, #tpu.memory_space<vmem>>
      %dma_wait3A_742 = tpu.memref_squeeze %dma_wait3A_741 : memref<1x2x32x128xf32, #tpu.memory_space<vmem>> -> memref<2x32x128xf32, #tpu.memory_space<vmem>>
      %dma_wait3A_743 = arith.constant 0 : i32
      %dma_wait3A_744 = arith.constant 0 : i32
      %dma_wait3A_745 = tpu.memref_slice %arg4[%dma_wait3A_743, %dma_wait3A_744] : memref<32x1000000xf32, #tpu.memory_space<hbm>> -> memref<32x256xf32, #tpu.memory_space<hbm>>
      %dma_wait3A_746 = arith.constant 0 : i32
      %dma_wait3A_747 = arith.constant 0 : i32
      %dma_wait3A_748 = arith.constant 0 : i32
      %dma_wait3A_749 = tpu.memref_slice %arg10[%dma_wait3A_737, %dma_wait3A_746, %dma_wait3A_747, %dma_wait3A_748] : memref<4x2x32x128xf32, #tpu.memory_space<vmem>> -> memref<1x2x32x128xf32, #tpu.memory_space<vmem>>
      %dma_wait3A_750 = tpu.memref_squeeze %dma_wait3A_749 : memref<1x2x32x128xf32, #tpu.memory_space<vmem>> -> memref<2x32x128xf32, #tpu.memory_space<vmem>>
      %dma_wait3A_751 = arith.constant 0 : i32
      %dma_wait3A_752 = arith.constant 0 : i32
      %dma_wait3A_753 = tpu.memref_slice %arg4[%dma_wait3A_751, %dma_wait3A_752] : memref<32x1000000xf32, #tpu.memory_space<hbm>> -> memref<32x256xf32, #tpu.memory_space<hbm>>
      tpu.wait_dma2 semaphore(%arg16 : memref<!tpu.dma_semaphore, #tpu.memory_space<semaphore_mem>>) src(%dma_wait3A_753 : memref<32x256xf32, #tpu.memory_space<hbm>>) dst(%dma_wait3A_750 : memref<2x32x128xf32, #tpu.memory_space<vmem>>)
      %dma_wait3A_754 = arith.constant 2 : i32
      %dma_wait3A_755 = arith.constant 0 : i32
      %dma_wait3A_756 = arith.constant 0 : i32
      %dma_wait3A_757 = arith.constant 0 : i32
      %dma_wait3A_758 = tpu.memref_slice %arg11[%dma_wait3A_754, %dma_wait3A_755, %dma_wait3A_756, %dma_wait3A_757] : memref<4x2x32x128xf32, #tpu.memory_space<vmem>> -> memref<1x2x32x128xf32, #tpu.memory_space<vmem>>
      %dma_wait3A_759 = tpu.memref_squeeze %dma_wait3A_758 : memref<1x2x32x128xf32, #tpu.memory_space<vmem>> -> memref<2x32x128xf32, #tpu.memory_space<vmem>>
      %dma_wait3A_760 = arith.constant 0 : i32
      %dma_wait3A_761 = arith.constant 0 : i32
      %dma_wait3A_762 = tpu.memref_slice %arg5[%dma_wait3A_760, %dma_wait3A_761] : memref<32x1000000xf32, #tpu.memory_space<hbm>> -> memref<32x256xf32, #tpu.memory_space<hbm>>
      %dma_wait3A_763 = arith.constant 0 : i32
      %dma_wait3A_764 = arith.constant 0 : i32
      %dma_wait3A_765 = arith.constant 0 : i32
      %dma_wait3A_766 = tpu.memref_slice %arg11[%dma_wait3A_754, %dma_wait3A_763, %dma_wait3A_764, %dma_wait3A_765] : memref<4x2x32x128xf32, #tpu.memory_space<vmem>> -> memref<1x2x32x128xf32, #tpu.memory_space<vmem>>
      %dma_wait3A_767 = tpu.memref_squeeze %dma_wait3A_766 : memref<1x2x32x128xf32, #tpu.memory_space<vmem>> -> memref<2x32x128xf32, #tpu.memory_space<vmem>>
      %dma_wait3A_768 = arith.constant 0 : i32
      %dma_wait3A_769 = arith.constant 0 : i32
      %dma_wait3A_770 = tpu.memref_slice %arg5[%dma_wait3A_768, %dma_wait3A_769] : memref<32x1000000xf32, #tpu.memory_space<hbm>> -> memref<32x256xf32, #tpu.memory_space<hbm>>
      tpu.wait_dma2 semaphore(%arg20 : memref<!tpu.dma_semaphore, #tpu.memory_space<semaphore_mem>>) src(%dma_wait3A_770 : memref<32x256xf32, #tpu.memory_space<hbm>>) dst(%dma_wait3A_767 : memref<2x32x128xf32, #tpu.memory_space<vmem>>)
      %slice3A_771 = vector.extract_strided_slice %and3A_249 {offsets = [4], sizes = [1], strides = [1]} : vector<16xi32> to vector<1xi32>
      %squeeze3A_772 = vector.extract %slice3A_771[0] : i32 from vector<1xi32>
      %broadcast_in_dim3A_773 = vector.broadcast %squeeze3A_772 : i32 to vector<16xi32>
      %slice3A_774 = vector.extract_strided_slice %and3A_252 {offsets = [4], sizes = [1], strides = [1]} : vector<16xi32> to vector<1xi32>
      %squeeze3A_775 = vector.extract %slice3A_774[0] : i32 from vector<1xi32>
      %broadcast_in_dim3A_776 = vector.broadcast %squeeze3A_775 : i32 to vector<16xi32>
      %gather3A_777 = arith.constant 2 : i32
      %gather3A_778 = arith.constant 0 : i32
      %gather3A_779 = arith.constant 0 : i32
      %gather3A_780 = arith.constant 0 : i32
      %gather3A_781 = tpu.memref_slice %arg10[%gather3A_777, %gather3A_778, %gather3A_779, %gather3A_780] : memref<4x2x32x128xf32, #tpu.memory_space<vmem>> -> memref<1x1x32x128xf32, #tpu.memory_space<vmem>>
      %gather3A_782 = tpu.memref_squeeze %gather3A_781 : memref<1x1x32x128xf32, #tpu.memory_space<vmem>> -> memref<32x128xf32, #tpu.memory_space<vmem>>
      %gather3A_783 = tpu.vector_load_idx %gather3A_782[%iota3A, %broadcast_in_dim3A_773] : memref<32x128xf32, #tpu.memory_space<vmem>>[vector<16xi32>, vector<16xi32>], vector<16xf32>,
      %gather3A_784 = arith.constant 2 : i32
      %gather3A_785 = arith.constant 0 : i32
      %gather3A_786 = arith.constant 0 : i32
      %gather3A_787 = arith.constant 0 : i32
      %gather3A_788 = tpu.memref_slice %arg10[%gather3A_784, %gather3A_785, %gather3A_786, %gather3A_787] : memref<4x2x32x128xf32, #tpu.memory_space<vmem>> -> memref<1x1x32x128xf32, #tpu.memory_space<vmem>>
      %gather3A_789 = tpu.memref_squeeze %gather3A_788 : memref<1x1x32x128xf32, #tpu.memory_space<vmem>> -> memref<32x128xf32, #tpu.memory_space<vmem>>
      %gather3A_790 = tpu.vector_load_idx %gather3A_789[%add3A_8, %broadcast_in_dim3A_773] : memref<32x128xf32, #tpu.memory_space<vmem>>[vector<16xi32>, vector<16xi32>], vector<16xf32>,
      %gather3A_791 = arith.constant 2 : i32
      %gather3A_792 = arith.constant 0 : i32
      %gather3A_793 = arith.constant 0 : i32
      %gather3A_794 = arith.constant 0 : i32
      %gather3A_795 = tpu.memref_slice %arg11[%gather3A_791, %gather3A_792, %gather3A_793, %gather3A_794] : memref<4x2x32x128xf32, #tpu.memory_space<vmem>> -> memref<1x1x32x128xf32, #tpu.memory_space<vmem>>
      %gather3A_796 = tpu.memref_squeeze %gather3A_795 : memref<1x1x32x128xf32, #tpu.memory_space<vmem>> -> memref<32x128xf32, #tpu.memory_space<vmem>>
      %gather3A_797 = tpu.vector_load_idx %gather3A_796[%iota3A, %broadcast_in_dim3A_776] : memref<32x128xf32, #tpu.memory_space<vmem>>[vector<16xi32>, vector<16xi32>], vector<16xf32>,
      %gather3A_798 = arith.constant 2 : i32
      %gather3A_799 = arith.constant 0 : i32
      %gather3A_800 = arith.constant 0 : i32
      %gather3A_801 = arith.constant 0 : i32
      %gather3A_802 = tpu.memref_slice %arg11[%gather3A_798, %gather3A_799, %gather3A_800, %gather3A_801] : memref<4x2x32x128xf32, #tpu.memory_space<vmem>> -> memref<1x1x32x128xf32, #tpu.memory_space<vmem>>
      %gather3A_803 = tpu.memref_squeeze %gather3A_802 : memref<1x1x32x128xf32, #tpu.memory_space<vmem>> -> memref<32x128xf32, #tpu.memory_space<vmem>>
      %gather3A_804 = tpu.vector_load_idx %gather3A_803[%add3A_8, %broadcast_in_dim3A_776] : memref<32x128xf32, #tpu.memory_space<vmem>>[vector<16xi32>, vector<16xi32>], vector<16xf32>,
      %mul3A_805 = arith.mulf %gather3A_783, %gather3A_797 : vector<16xf32>
      %mul3A_806 = arith.mulf %mul3A_805, %get3A_3 : vector<16xf32>
      %mul3A_807 = arith.mulf %gather3A_790, %gather3A_804 : vector<16xf32>
      %mul3A_808 = arith.mulf %mul3A_807, %get3A_5 : vector<16xf32>
      %add3A_809 = arith.addf %mul3A_806, %mul3A_808 : vector<16xf32>
      %reduce_sum3A_810 = arith.constant true
      %reduce_sum3A_811 = vector.broadcast %reduce_sum3A_810 : i1 to vector<16xi1>
      %reduce_sum3A_812 = tpu.scan <sum>, %add3A_809 masked %reduce_sum3A_811 : vector<16xf32>, vector<16xi1> -> vector<16xf32>
      %reduce_sum3A_813 = vector.extract %reduce_sum3A_812[15] : f32 from vector<16xf32>
      %eq3A_814 = arith.constant 4 : i32
      %eq3A_815 = vector.broadcast %eq3A_814 : i32 to vector<16xi32>
      %eq3A_816 = arith.cmpi eq, %iota3A, %eq3A_815 : vector<16xi32>
      %broadcast_in_dim3A_817 = vector.broadcast %reduce_sum3A_813 : f32 to vector<16xf32>
      %select_n3A_818 = arith.select %eq3A_816, %broadcast_in_dim3A_817, %select_n3A_660 : vector<16xi1>, vector<16xf32>
      %slice3A_819 = vector.extract_strided_slice %and3A_249 {offsets = [5], sizes = [1], strides = [1]} : vector<16xi32> to vector<1xi32>
      %squeeze3A_820 = vector.extract %slice3A_819[0] : i32 from vector<1xi32>
      %broadcast_in_dim3A_821 = vector.broadcast %squeeze3A_820 : i32 to vector<16xi32>
      %slice3A_822 = vector.extract_strided_slice %and3A_252 {offsets = [5], sizes = [1], strides = [1]} : vector<16xi32> to vector<1xi32>
      %squeeze3A_823 = vector.extract %slice3A_822[0] : i32 from vector<1xi32>
      %broadcast_in_dim3A_824 = vector.broadcast %squeeze3A_823 : i32 to vector<16xi32>
      %gather3A_825 = arith.constant 2 : i32
      %gather3A_826 = arith.constant 1 : i32
      %gather3A_827 = arith.constant 0 : i32
      %gather3A_828 = arith.constant 0 : i32
      %gather3A_829 = tpu.memref_slice %arg10[%gather3A_825, %gather3A_826, %gather3A_827, %gather3A_828] : memref<4x2x32x128xf32, #tpu.memory_space<vmem>> -> memref<1x1x32x128xf32, #tpu.memory_space<vmem>>
      %gather3A_830 = tpu.memref_squeeze %gather3A_829 : memref<1x1x32x128xf32, #tpu.memory_space<vmem>> -> memref<32x128xf32, #tpu.memory_space<vmem>>
      %gather3A_831 = tpu.vector_load_idx %gather3A_830[%iota3A, %broadcast_in_dim3A_821] : memref<32x128xf32, #tpu.memory_space<vmem>>[vector<16xi32>, vector<16xi32>], vector<16xf32>,
      %gather3A_832 = arith.constant 2 : i32
      %gather3A_833 = arith.constant 1 : i32
      %gather3A_834 = arith.constant 0 : i32
      %gather3A_835 = arith.constant 0 : i32
      %gather3A_836 = tpu.memref_slice %arg10[%gather3A_832, %gather3A_833, %gather3A_834, %gather3A_835] : memref<4x2x32x128xf32, #tpu.memory_space<vmem>> -> memref<1x1x32x128xf32, #tpu.memory_space<vmem>>
      %gather3A_837 = tpu.memref_squeeze %gather3A_836 : memref<1x1x32x128xf32, #tpu.memory_space<vmem>> -> memref<32x128xf32, #tpu.memory_space<vmem>>
      %gather3A_838 = tpu.vector_load_idx %gather3A_837[%add3A_8, %broadcast_in_dim3A_821] : memref<32x128xf32, #tpu.memory_space<vmem>>[vector<16xi32>, vector<16xi32>], vector<16xf32>,
      %gather3A_839 = arith.constant 2 : i32
      %gather3A_840 = arith.constant 1 : i32
      %gather3A_841 = arith.constant 0 : i32
      %gather3A_842 = arith.constant 0 : i32
      %gather3A_843 = tpu.memref_slice %arg11[%gather3A_839, %gather3A_840, %gather3A_841, %gather3A_842] : memref<4x2x32x128xf32, #tpu.memory_space<vmem>> -> memref<1x1x32x128xf32, #tpu.memory_space<vmem>>
      %gather3A_844 = tpu.memref_squeeze %gather3A_843 : memref<1x1x32x128xf32, #tpu.memory_space<vmem>> -> memref<32x128xf32, #tpu.memory_space<vmem>>
      %gather3A_845 = tpu.vector_load_idx %gather3A_844[%iota3A, %broadcast_in_dim3A_824] : memref<32x128xf32, #tpu.memory_space<vmem>>[vector<16xi32>, vector<16xi32>], vector<16xf32>,
      %gather3A_846 = arith.constant 2 : i32
      %gather3A_847 = arith.constant 1 : i32
      %gather3A_848 = arith.constant 0 : i32
      %gather3A_849 = arith.constant 0 : i32
      %gather3A_850 = tpu.memref_slice %arg11[%gather3A_846, %gather3A_847, %gather3A_848, %gather3A_849] : memref<4x2x32x128xf32, #tpu.memory_space<vmem>> -> memref<1x1x32x128xf32, #tpu.memory_space<vmem>>
      %gather3A_851 = tpu.memref_squeeze %gather3A_850 : memref<1x1x32x128xf32, #tpu.memory_space<vmem>> -> memref<32x128xf32, #tpu.memory_space<vmem>>
      %gather3A_852 = tpu.vector_load_idx %gather3A_851[%add3A_8, %broadcast_in_dim3A_824] : memref<32x128xf32, #tpu.memory_space<vmem>>[vector<16xi32>, vector<16xi32>], vector<16xf32>,
      %mul3A_853 = arith.mulf %gather3A_831, %gather3A_845 : vector<16xf32>
      %mul3A_854 = arith.mulf %mul3A_853, %get3A_3 : vector<16xf32>
      %mul3A_855 = arith.mulf %gather3A_838, %gather3A_852 : vector<16xf32>
      %mul3A_856 = arith.mulf %mul3A_855, %get3A_5 : vector<16xf32>
      %add3A_857 = arith.addf %mul3A_854, %mul3A_856 : vector<16xf32>
      %reduce_sum3A_858 = arith.constant true
      %reduce_sum3A_859 = vector.broadcast %reduce_sum3A_858 : i1 to vector<16xi1>
      %reduce_sum3A_860 = tpu.scan <sum>, %add3A_857 masked %reduce_sum3A_859 : vector<16xf32>, vector<16xi1> -> vector<16xf32>
      %reduce_sum3A_861 = vector.extract %reduce_sum3A_860[15] : f32 from vector<16xf32>
      %eq3A_862 = arith.constant 5 : i32
      %eq3A_863 = vector.broadcast %eq3A_862 : i32 to vector<16xi32>
      %eq3A_864 = arith.cmpi eq, %iota3A, %eq3A_863 : vector<16xi32>
      %broadcast_in_dim3A_865 = vector.broadcast %reduce_sum3A_861 : f32 to vector<16xf32>
      %select_n3A_866 = arith.select %eq3A_864, %broadcast_in_dim3A_865, %select_n3A_818 : vector<16xi1>, vector<16xf32>
      %slice3A_867 = vector.extract_strided_slice %get3A_244 {offsets = [12], sizes = [1], strides = [1]} : vector<16xi32> to vector<1xi32>
      %squeeze3A_868 = vector.extract %slice3A_867[0] : i32 from vector<1xi32>
      %and3A_869 = arith.constant -128 : i32
      %and3A_870 = arith.andi %squeeze3A_868, %and3A_869 : i32
      %slice3A_871 = vector.extract_strided_slice %get3A_246 {offsets = [12], sizes = [1], strides = [1]} : vector<16xi32> to vector<1xi32>
      %squeeze3A_872 = vector.extract %slice3A_871[0] : i32 from vector<1xi32>
      %and3A_873 = arith.constant -128 : i32
      %and3A_874 = arith.andi %squeeze3A_872, %and3A_873 : i32
      %multiple_of3A_875 = tpu.assume_multiple %and3A_870, 128 : i32
      %dma_start3A_876 = arith.constant 2 : i32
      %dma_start3A_877 = arith.constant 0 : i32
      %dma_start3A_878 = arith.constant 0 : i32
      %dma_start3A_879 = arith.constant 0 : i32
      %dma_start3A_880 = tpu.memref_slice %arg10[%dma_start3A_876, %dma_start3A_877, %dma_start3A_878, %dma_start3A_879] : memref<4x2x32x128xf32, #tpu.memory_space<vmem>> -> memref<1x1x32x128xf32, #tpu.memory_space<vmem>>
      %dma_start3A_881 = tpu.memref_squeeze %dma_start3A_880 : memref<1x1x32x128xf32, #tpu.memory_space<vmem>> -> memref<32x128xf32, #tpu.memory_space<vmem>>
      %dma_start3A_882 = arith.constant 0 : i32
      %dma_start3A_883 = tpu.memref_slice %arg4[%dma_start3A_882, %multiple_of3A_875] : memref<32x1000000xf32, #tpu.memory_space<hbm>> -> memref<32x128xf32, #tpu.memory_space<hbm>>
      %dma_start3A_884 = arith.constant 0 : i32
      %dma_start3A_885 = arith.constant 0 : i32
      %dma_start3A_886 = tpu.memref_slice %arg10[%dma_start3A_876, %dma_start3A_877, %dma_start3A_884, %dma_start3A_885] : memref<4x2x32x128xf32, #tpu.memory_space<vmem>> -> memref<1x1x32x128xf32, #tpu.memory_space<vmem>>
      %dma_start3A_887 = tpu.memref_squeeze %dma_start3A_886 : memref<1x1x32x128xf32, #tpu.memory_space<vmem>> -> memref<32x128xf32, #tpu.memory_space<vmem>>
      %dma_start3A_888 = arith.constant 0 : i32
      %dma_start3A_889 = tpu.memref_slice %arg4[%dma_start3A_888, %multiple_of3A_875] : memref<32x1000000xf32, #tpu.memory_space<hbm>> -> memref<32x128xf32, #tpu.memory_space<hbm>>
      tpu.enqueue_dma source(%dma_start3A_889 : memref<32x128xf32, #tpu.memory_space<hbm>>) target(%dma_start3A_887 : memref<32x128xf32, #tpu.memory_space<vmem>>) target_semaphore(%arg16 : memref<!tpu.dma_semaphore, #tpu.memory_space<semaphore_mem>>)
      %multiple_of3A_890 = tpu.assume_multiple %and3A_874, 128 : i32
      %dma_start3A_891 = arith.constant 2 : i32
      %dma_start3A_892 = arith.constant 0 : i32
      %dma_start3A_893 = arith.constant 0 : i32
      %dma_start3A_894 = arith.constant 0 : i32
      %dma_start3A_895 = tpu.memref_slice %arg11[%dma_start3A_891, %dma_start3A_892, %dma_start3A_893, %dma_start3A_894] : memref<4x2x32x128xf32, #tpu.memory_space<vmem>> -> memref<1x1x32x128xf32, #tpu.memory_space<vmem>>
      %dma_start3A_896 = tpu.memref_squeeze %dma_start3A_895 : memref<1x1x32x128xf32, #tpu.memory_space<vmem>> -> memref<32x128xf32, #tpu.memory_space<vmem>>
      %dma_start3A_897 = arith.constant 0 : i32
      %dma_start3A_898 = tpu.memref_slice %arg5[%dma_start3A_897, %multiple_of3A_890] : memref<32x1000000xf32, #tpu.memory_space<hbm>> -> memref<32x128xf32, #tpu.memory_space<hbm>>
      %dma_start3A_899 = arith.constant 0 : i32
      %dma_start3A_900 = arith.constant 0 : i32
      %dma_start3A_901 = tpu.memref_slice %arg11[%dma_start3A_891, %dma_start3A_892, %dma_start3A_899, %dma_start3A_900] : memref<4x2x32x128xf32, #tpu.memory_space<vmem>> -> memref<1x1x32x128xf32, #tpu.memory_space<vmem>>
      %dma_start3A_902 = tpu.memref_squeeze %dma_start3A_901 : memref<1x1x32x128xf32, #tpu.memory_space<vmem>> -> memref<32x128xf32, #tpu.memory_space<vmem>>
      %dma_start3A_903 = arith.constant 0 : i32
      %dma_start3A_904 = tpu.memref_slice %arg5[%dma_start3A_903, %multiple_of3A_890] : memref<32x1000000xf32, #tpu.memory_space<hbm>> -> memref<32x128xf32, #tpu.memory_space<hbm>>
      tpu.enqueue_dma source(%dma_start3A_904 : memref<32x128xf32, #tpu.memory_space<hbm>>) target(%dma_start3A_902 : memref<32x128xf32, #tpu.memory_space<vmem>>) target_semaphore(%arg20 : memref<!tpu.dma_semaphore, #tpu.memory_space<semaphore_mem>>)
      %slice3A_905 = vector.extract_strided_slice %get3A_244 {offsets = [13], sizes = [1], strides = [1]} : vector<16xi32> to vector<1xi32>
      %squeeze3A_906 = vector.extract %slice3A_905[0] : i32 from vector<1xi32>
      %and3A_907 = arith.constant -128 : i32
      %and3A_908 = arith.andi %squeeze3A_906, %and3A_907 : i32
      %slice3A_909 = vector.extract_strided_slice %get3A_246 {offsets = [13], sizes = [1], strides = [1]} : vector<16xi32> to vector<1xi32>
      %squeeze3A_910 = vector.extract %slice3A_909[0] : i32 from vector<1xi32>
      %and3A_911 = arith.constant -128 : i32
      %and3A_912 = arith.andi %squeeze3A_910, %and3A_911 : i32
      %multiple_of3A_913 = tpu.assume_multiple %and3A_908, 128 : i32
      %dma_start3A_914 = arith.constant 2 : i32
      %dma_start3A_915 = arith.constant 1 : i32
      %dma_start3A_916 = arith.constant 0 : i32
      %dma_start3A_917 = arith.constant 0 : i32
      %dma_start3A_918 = tpu.memref_slice %arg10[%dma_start3A_914, %dma_start3A_915, %dma_start3A_916, %dma_start3A_917] : memref<4x2x32x128xf32, #tpu.memory_space<vmem>> -> memref<1x1x32x128xf32, #tpu.memory_space<vmem>>
      %dma_start3A_919 = tpu.memref_squeeze %dma_start3A_918 : memref<1x1x32x128xf32, #tpu.memory_space<vmem>> -> memref<32x128xf32, #tpu.memory_space<vmem>>
      %dma_start3A_920 = arith.constant 0 : i32
      %dma_start3A_921 = tpu.memref_slice %arg4[%dma_start3A_920, %multiple_of3A_913] : memref<32x1000000xf32, #tpu.memory_space<hbm>> -> memref<32x128xf32, #tpu.memory_space<hbm>>
      %dma_start3A_922 = arith.constant 0 : i32
      %dma_start3A_923 = arith.constant 0 : i32
      %dma_start3A_924 = tpu.memref_slice %arg10[%dma_start3A_914, %dma_start3A_915, %dma_start3A_922, %dma_start3A_923] : memref<4x2x32x128xf32, #tpu.memory_space<vmem>> -> memref<1x1x32x128xf32, #tpu.memory_space<vmem>>
      %dma_start3A_925 = tpu.memref_squeeze %dma_start3A_924 : memref<1x1x32x128xf32, #tpu.memory_space<vmem>> -> memref<32x128xf32, #tpu.memory_space<vmem>>
      %dma_start3A_926 = arith.constant 0 : i32
      %dma_start3A_927 = tpu.memref_slice %arg4[%dma_start3A_926, %multiple_of3A_913] : memref<32x1000000xf32, #tpu.memory_space<hbm>> -> memref<32x128xf32, #tpu.memory_space<hbm>>
      tpu.enqueue_dma source(%dma_start3A_927 : memref<32x128xf32, #tpu.memory_space<hbm>>) target(%dma_start3A_925 : memref<32x128xf32, #tpu.memory_space<vmem>>) target_semaphore(%arg16 : memref<!tpu.dma_semaphore, #tpu.memory_space<semaphore_mem>>)
      %multiple_of3A_928 = tpu.assume_multiple %and3A_912, 128 : i32
      %dma_start3A_929 = arith.constant 2 : i32
      %dma_start3A_930 = arith.constant 1 : i32
      %dma_start3A_931 = arith.constant 0 : i32
      %dma_start3A_932 = arith.constant 0 : i32
      %dma_start3A_933 = tpu.memref_slice %arg11[%dma_start3A_929, %dma_start3A_930, %dma_start3A_931, %dma_start3A_932] : memref<4x2x32x128xf32, #tpu.memory_space<vmem>> -> memref<1x1x32x128xf32, #tpu.memory_space<vmem>>
      %dma_start3A_934 = tpu.memref_squeeze %dma_start3A_933 : memref<1x1x32x128xf32, #tpu.memory_space<vmem>> -> memref<32x128xf32, #tpu.memory_space<vmem>>
      %dma_start3A_935 = arith.constant 0 : i32
      %dma_start3A_936 = tpu.memref_slice %arg5[%dma_start3A_935, %multiple_of3A_928] : memref<32x1000000xf32, #tpu.memory_space<hbm>> -> memref<32x128xf32, #tpu.memory_space<hbm>>
      %dma_start3A_937 = arith.constant 0 : i32
      %dma_start3A_938 = arith.constant 0 : i32
      %dma_start3A_939 = tpu.memref_slice %arg11[%dma_start3A_929, %dma_start3A_930, %dma_start3A_937, %dma_start3A_938] : memref<4x2x32x128xf32, #tpu.memory_space<vmem>> -> memref<1x1x32x128xf32, #tpu.memory_space<vmem>>
      %dma_start3A_940 = tpu.memref_squeeze %dma_start3A_939 : memref<1x1x32x128xf32, #tpu.memory_space<vmem>> -> memref<32x128xf32, #tpu.memory_space<vmem>>
      %dma_start3A_941 = arith.constant 0 : i32
      %dma_start3A_942 = tpu.memref_slice %arg5[%dma_start3A_941, %multiple_of3A_928] : memref<32x1000000xf32, #tpu.memory_space<hbm>> -> memref<32x128xf32, #tpu.memory_space<hbm>>
      tpu.enqueue_dma source(%dma_start3A_942 : memref<32x128xf32, #tpu.memory_space<hbm>>) target(%dma_start3A_940 : memref<32x128xf32, #tpu.memory_space<vmem>>) target_semaphore(%arg20 : memref<!tpu.dma_semaphore, #tpu.memory_space<semaphore_mem>>)
      %dma_wait3A_943 = arith.constant 3 : i32
      %dma_wait3A_944 = arith.constant 0 : i32
      %dma_wait3A_945 = arith.constant 0 : i32
      %dma_wait3A_946 = arith.constant 0 : i32
      %dma_wait3A_947 = tpu.memref_slice %arg10[%dma_wait3A_943, %dma_wait3A_944, %dma_wait3A_945, %dma_wait3A_946] : memref<4x2x32x128xf32, #tpu.memory_space<vmem>> -> memref<1x2x32x128xf32, #tpu.memory_space<vmem>>
      %dma_wait3A_948 = tpu.memref_squeeze %dma_wait3A_947 : memref<1x2x32x128xf32, #tpu.memory_space<vmem>> -> memref<2x32x128xf32, #tpu.memory_space<vmem>>
      %dma_wait3A_949 = arith.constant 0 : i32
      %dma_wait3A_950 = arith.constant 0 : i32
      %dma_wait3A_951 = tpu.memref_slice %arg4[%dma_wait3A_949, %dma_wait3A_950] : memref<32x1000000xf32, #tpu.memory_space<hbm>> -> memref<32x256xf32, #tpu.memory_space<hbm>>
      %dma_wait3A_952 = arith.constant 0 : i32
      %dma_wait3A_953 = arith.constant 0 : i32
      %dma_wait3A_954 = arith.constant 0 : i32
      %dma_wait3A_955 = tpu.memref_slice %arg10[%dma_wait3A_943, %dma_wait3A_952, %dma_wait3A_953, %dma_wait3A_954] : memref<4x2x32x128xf32, #tpu.memory_space<vmem>> -> memref<1x2x32x128xf32, #tpu.memory_space<vmem>>
      %dma_wait3A_956 = tpu.memref_squeeze %dma_wait3A_955 : memref<1x2x32x128xf32, #tpu.memory_space<vmem>> -> memref<2x32x128xf32, #tpu.memory_space<vmem>>
      %dma_wait3A_957 = arith.constant 0 : i32
      %dma_wait3A_958 = arith.constant 0 : i32
      %dma_wait3A_959 = tpu.memref_slice %arg4[%dma_wait3A_957, %dma_wait3A_958] : memref<32x1000000xf32, #tpu.memory_space<hbm>> -> memref<32x256xf32, #tpu.memory_space<hbm>>
      tpu.wait_dma2 semaphore(%arg17 : memref<!tpu.dma_semaphore, #tpu.memory_space<semaphore_mem>>) src(%dma_wait3A_959 : memref<32x256xf32, #tpu.memory_space<hbm>>) dst(%dma_wait3A_956 : memref<2x32x128xf32, #tpu.memory_space<vmem>>)
      %dma_wait3A_960 = arith.constant 3 : i32
      %dma_wait3A_961 = arith.constant 0 : i32
      %dma_wait3A_962 = arith.constant 0 : i32
      %dma_wait3A_963 = arith.constant 0 : i32
      %dma_wait3A_964 = tpu.memref_slice %arg11[%dma_wait3A_960, %dma_wait3A_961, %dma_wait3A_962, %dma_wait3A_963] : memref<4x2x32x128xf32, #tpu.memory_space<vmem>> -> memref<1x2x32x128xf32, #tpu.memory_space<vmem>>
      %dma_wait3A_965 = tpu.memref_squeeze %dma_wait3A_964 : memref<1x2x32x128xf32, #tpu.memory_space<vmem>> -> memref<2x32x128xf32, #tpu.memory_space<vmem>>
      %dma_wait3A_966 = arith.constant 0 : i32
      %dma_wait3A_967 = arith.constant 0 : i32
      %dma_wait3A_968 = tpu.memref_slice %arg5[%dma_wait3A_966, %dma_wait3A_967] : memref<32x1000000xf32, #tpu.memory_space<hbm>> -> memref<32x256xf32, #tpu.memory_space<hbm>>
      %dma_wait3A_969 = arith.constant 0 : i32
      %dma_wait3A_970 = arith.constant 0 : i32
      %dma_wait3A_971 = arith.constant 0 : i32
      %dma_wait3A_972 = tpu.memref_slice %arg11[%dma_wait3A_960, %dma_wait3A_969, %dma_wait3A_970, %dma_wait3A_971] : memref<4x2x32x128xf32, #tpu.memory_space<vmem>> -> memref<1x2x32x128xf32, #tpu.memory_space<vmem>>
      %dma_wait3A_973 = tpu.memref_squeeze %dma_wait3A_972 : memref<1x2x32x128xf32, #tpu.memory_space<vmem>> -> memref<2x32x128xf32, #tpu.memory_space<vmem>>
      %dma_wait3A_974 = arith.constant 0 : i32
      %dma_wait3A_975 = arith.constant 0 : i32
      %dma_wait3A_976 = tpu.memref_slice %arg5[%dma_wait3A_974, %dma_wait3A_975] : memref<32x1000000xf32, #tpu.memory_space<hbm>> -> memref<32x256xf32, #tpu.memory_space<hbm>>
      tpu.wait_dma2 semaphore(%arg21 : memref<!tpu.dma_semaphore, #tpu.memory_space<semaphore_mem>>) src(%dma_wait3A_976 : memref<32x256xf32, #tpu.memory_space<hbm>>) dst(%dma_wait3A_973 : memref<2x32x128xf32, #tpu.memory_space<vmem>>)
      %slice3A_977 = vector.extract_strided_slice %and3A_249 {offsets = [6], sizes = [1], strides = [1]} : vector<16xi32> to vector<1xi32>
      %squeeze3A_978 = vector.extract %slice3A_977[0] : i32 from vector<1xi32>
      %broadcast_in_dim3A_979 = vector.broadcast %squeeze3A_978 : i32 to vector<16xi32>
      %slice3A_980 = vector.extract_strided_slice %and3A_252 {offsets = [6], sizes = [1], strides = [1]} : vector<16xi32> to vector<1xi32>
      %squeeze3A_981 = vector.extract %slice3A_980[0] : i32 from vector<1xi32>
      %broadcast_in_dim3A_982 = vector.broadcast %squeeze3A_981 : i32 to vector<16xi32>
      %gather3A_983 = arith.constant 3 : i32
      %gather3A_984 = arith.constant 0 : i32
      %gather3A_985 = arith.constant 0 : i32
      %gather3A_986 = arith.constant 0 : i32
      %gather3A_987 = tpu.memref_slice %arg10[%gather3A_983, %gather3A_984, %gather3A_985, %gather3A_986] : memref<4x2x32x128xf32, #tpu.memory_space<vmem>> -> memref<1x1x32x128xf32, #tpu.memory_space<vmem>>
      %gather3A_988 = tpu.memref_squeeze %gather3A_987 : memref<1x1x32x128xf32, #tpu.memory_space<vmem>> -> memref<32x128xf32, #tpu.memory_space<vmem>>
      %gather3A_989 = tpu.vector_load_idx %gather3A_988[%iota3A, %broadcast_in_dim3A_979] : memref<32x128xf32, #tpu.memory_space<vmem>>[vector<16xi32>, vector<16xi32>], vector<16xf32>,
      %gather3A_990 = arith.constant 3 : i32
      %gather3A_991 = arith.constant 0 : i32
      %gather3A_992 = arith.constant 0 : i32
      %gather3A_993 = arith.constant 0 : i32
      %gather3A_994 = tpu.memref_slice %arg10[%gather3A_990, %gather3A_991, %gather3A_992, %gather3A_993] : memref<4x2x32x128xf32, #tpu.memory_space<vmem>> -> memref<1x1x32x128xf32, #tpu.memory_space<vmem>>
      %gather3A_995 = tpu.memref_squeeze %gather3A_994 : memref<1x1x32x128xf32, #tpu.memory_space<vmem>> -> memref<32x128xf32, #tpu.memory_space<vmem>>
      %gather3A_996 = tpu.vector_load_idx %gather3A_995[%add3A_8, %broadcast_in_dim3A_979] : memref<32x128xf32, #tpu.memory_space<vmem>>[vector<16xi32>, vector<16xi32>], vector<16xf32>,
      %gather3A_997 = arith.constant 3 : i32
      %gather3A_998 = arith.constant 0 : i32
      %gather3A_999 = arith.constant 0 : i32
      %gather3A_1000 = arith.constant 0 : i32
      %gather3A_1001 = tpu.memref_slice %arg11[%gather3A_997, %gather3A_998, %gather3A_999, %gather3A_1000] : memref<4x2x32x128xf32, #tpu.memory_space<vmem>> -> memref<1x1x32x128xf32, #tpu.memory_space<vmem>>
      %gather3A_1002 = tpu.memref_squeeze %gather3A_1001 : memref<1x1x32x128xf32, #tpu.memory_space<vmem>> -> memref<32x128xf32, #tpu.memory_space<vmem>>
      %gather3A_1003 = tpu.vector_load_idx %gather3A_1002[%iota3A, %broadcast_in_dim3A_982] : memref<32x128xf32, #tpu.memory_space<vmem>>[vector<16xi32>, vector<16xi32>], vector<16xf32>,
      %gather3A_1004 = arith.constant 3 : i32
      %gather3A_1005 = arith.constant 0 : i32
      %gather3A_1006 = arith.constant 0 : i32
      %gather3A_1007 = arith.constant 0 : i32
      %gather3A_1008 = tpu.memref_slice %arg11[%gather3A_1004, %gather3A_1005, %gather3A_1006, %gather3A_1007] : memref<4x2x32x128xf32, #tpu.memory_space<vmem>> -> memref<1x1x32x128xf32, #tpu.memory_space<vmem>>
      %gather3A_1009 = tpu.memref_squeeze %gather3A_1008 : memref<1x1x32x128xf32, #tpu.memory_space<vmem>> -> memref<32x128xf32, #tpu.memory_space<vmem>>
      %gather3A_1010 = tpu.vector_load_idx %gather3A_1009[%add3A_8, %broadcast_in_dim3A_982] : memref<32x128xf32, #tpu.memory_space<vmem>>[vector<16xi32>, vector<16xi32>], vector<16xf32>,
      %mul3A_1011 = arith.mulf %gather3A_989, %gather3A_1003 : vector<16xf32>
      %mul3A_1012 = arith.mulf %mul3A_1011, %get3A_3 : vector<16xf32>
      %mul3A_1013 = arith.mulf %gather3A_996, %gather3A_1010 : vector<16xf32>
      %mul3A_1014 = arith.mulf %mul3A_1013, %get3A_5 : vector<16xf32>
      %add3A_1015 = arith.addf %mul3A_1012, %mul3A_1014 : vector<16xf32>
      %reduce_sum3A_1016 = arith.constant true
      %reduce_sum3A_1017 = vector.broadcast %reduce_sum3A_1016 : i1 to vector<16xi1>
      %reduce_sum3A_1018 = tpu.scan <sum>, %add3A_1015 masked %reduce_sum3A_1017 : vector<16xf32>, vector<16xi1> -> vector<16xf32>
      %reduce_sum3A_1019 = vector.extract %reduce_sum3A_1018[15] : f32 from vector<16xf32>
      %eq3A_1020 = arith.constant 6 : i32
      %eq3A_1021 = vector.broadcast %eq3A_1020 : i32 to vector<16xi32>
      %eq3A_1022 = arith.cmpi eq, %iota3A, %eq3A_1021 : vector<16xi32>
      %broadcast_in_dim3A_1023 = vector.broadcast %reduce_sum3A_1019 : f32 to vector<16xf32>
      %select_n3A_1024 = arith.select %eq3A_1022, %broadcast_in_dim3A_1023, %select_n3A_866 : vector<16xi1>, vector<16xf32>
      %slice3A_1025 = vector.extract_strided_slice %and3A_249 {offsets = [7], sizes = [1], strides = [1]} : vector<16xi32> to vector<1xi32>
      %squeeze3A_1026 = vector.extract %slice3A_1025[0] : i32 from vector<1xi32>
      %broadcast_in_dim3A_1027 = vector.broadcast %squeeze3A_1026 : i32 to vector<16xi32>
      %slice3A_1028 = vector.extract_strided_slice %and3A_252 {offsets = [7], sizes = [1], strides = [1]} : vector<16xi32> to vector<1xi32>
      %squeeze3A_1029 = vector.extract %slice3A_1028[0] : i32 from vector<1xi32>
      %broadcast_in_dim3A_1030 = vector.broadcast %squeeze3A_1029 : i32 to vector<16xi32>
      %gather3A_1031 = arith.constant 3 : i32
      %gather3A_1032 = arith.constant 1 : i32
      %gather3A_1033 = arith.constant 0 : i32
      %gather3A_1034 = arith.constant 0 : i32
      %gather3A_1035 = tpu.memref_slice %arg10[%gather3A_1031, %gather3A_1032, %gather3A_1033, %gather3A_1034] : memref<4x2x32x128xf32, #tpu.memory_space<vmem>> -> memref<1x1x32x128xf32, #tpu.memory_space<vmem>>
      %gather3A_1036 = tpu.memref_squeeze %gather3A_1035 : memref<1x1x32x128xf32, #tpu.memory_space<vmem>> -> memref<32x128xf32, #tpu.memory_space<vmem>>
      %gather3A_1037 = tpu.vector_load_idx %gather3A_1036[%iota3A, %broadcast_in_dim3A_1027] : memref<32x128xf32, #tpu.memory_space<vmem>>[vector<16xi32>, vector<16xi32>], vector<16xf32>,
      %gather3A_1038 = arith.constant 3 : i32
      %gather3A_1039 = arith.constant 1 : i32
      %gather3A_1040 = arith.constant 0 : i32
      %gather3A_1041 = arith.constant 0 : i32
      %gather3A_1042 = tpu.memref_slice %arg10[%gather3A_1038, %gather3A_1039, %gather3A_1040, %gather3A_1041] : memref<4x2x32x128xf32, #tpu.memory_space<vmem>> -> memref<1x1x32x128xf32, #tpu.memory_space<vmem>>
      %gather3A_1043 = tpu.memref_squeeze %gather3A_1042 : memref<1x1x32x128xf32, #tpu.memory_space<vmem>> -> memref<32x128xf32, #tpu.memory_space<vmem>>
      %gather3A_1044 = tpu.vector_load_idx %gather3A_1043[%add3A_8, %broadcast_in_dim3A_1027] : memref<32x128xf32, #tpu.memory_space<vmem>>[vector<16xi32>, vector<16xi32>], vector<16xf32>,
      %gather3A_1045 = arith.constant 3 : i32
      %gather3A_1046 = arith.constant 1 : i32
      %gather3A_1047 = arith.constant 0 : i32
      %gather3A_1048 = arith.constant 0 : i32
      %gather3A_1049 = tpu.memref_slice %arg11[%gather3A_1045, %gather3A_1046, %gather3A_1047, %gather3A_1048] : memref<4x2x32x128xf32, #tpu.memory_space<vmem>> -> memref<1x1x32x128xf32, #tpu.memory_space<vmem>>
      %gather3A_1050 = tpu.memref_squeeze %gather3A_1049 : memref<1x1x32x128xf32, #tpu.memory_space<vmem>> -> memref<32x128xf32, #tpu.memory_space<vmem>>
      %gather3A_1051 = tpu.vector_load_idx %gather3A_1050[%iota3A, %broadcast_in_dim3A_1030] : memref<32x128xf32, #tpu.memory_space<vmem>>[vector<16xi32>, vector<16xi32>], vector<16xf32>,
      %gather3A_1052 = arith.constant 3 : i32
      %gather3A_1053 = arith.constant 1 : i32
      %gather3A_1054 = arith.constant 0 : i32
      %gather3A_1055 = arith.constant 0 : i32
      %gather3A_1056 = tpu.memref_slice %arg11[%gather3A_1052, %gather3A_1053, %gather3A_1054, %gather3A_1055] : memref<4x2x32x128xf32, #tpu.memory_space<vmem>> -> memref<1x1x32x128xf32, #tpu.memory_space<vmem>>
      %gather3A_1057 = tpu.memref_squeeze %gather3A_1056 : memref<1x1x32x128xf32, #tpu.memory_space<vmem>> -> memref<32x128xf32, #tpu.memory_space<vmem>>
      %gather3A_1058 = tpu.vector_load_idx %gather3A_1057[%add3A_8, %broadcast_in_dim3A_1030] : memref<32x128xf32, #tpu.memory_space<vmem>>[vector<16xi32>, vector<16xi32>], vector<16xf32>,
      %mul3A_1059 = arith.mulf %gather3A_1037, %gather3A_1051 : vector<16xf32>
      %mul3A_1060 = arith.mulf %mul3A_1059, %get3A_3 : vector<16xf32>
      %mul3A_1061 = arith.mulf %gather3A_1044, %gather3A_1058 : vector<16xf32>
      %mul3A_1062 = arith.mulf %mul3A_1061, %get3A_5 : vector<16xf32>
      %add3A_1063 = arith.addf %mul3A_1060, %mul3A_1062 : vector<16xf32>
      %reduce_sum3A_1064 = arith.constant true
      %reduce_sum3A_1065 = vector.broadcast %reduce_sum3A_1064 : i1 to vector<16xi1>
      %reduce_sum3A_1066 = tpu.scan <sum>, %add3A_1063 masked %reduce_sum3A_1065 : vector<16xf32>, vector<16xi1> -> vector<16xf32>
      %reduce_sum3A_1067 = vector.extract %reduce_sum3A_1066[15] : f32 from vector<16xf32>
      %eq3A_1068 = arith.constant 7 : i32
      %eq3A_1069 = vector.broadcast %eq3A_1068 : i32 to vector<16xi32>
      %eq3A_1070 = arith.cmpi eq, %iota3A, %eq3A_1069 : vector<16xi32>
      %broadcast_in_dim3A_1071 = vector.broadcast %reduce_sum3A_1067 : f32 to vector<16xf32>
      %select_n3A_1072 = arith.select %eq3A_1070, %broadcast_in_dim3A_1071, %select_n3A_1024 : vector<16xi1>, vector<16xf32>
      %slice3A_1073 = vector.extract_strided_slice %get3A_244 {offsets = [14], sizes = [1], strides = [1]} : vector<16xi32> to vector<1xi32>
      %squeeze3A_1074 = vector.extract %slice3A_1073[0] : i32 from vector<1xi32>
      %and3A_1075 = arith.constant -128 : i32
      %and3A_1076 = arith.andi %squeeze3A_1074, %and3A_1075 : i32
      %slice3A_1077 = vector.extract_strided_slice %get3A_246 {offsets = [14], sizes = [1], strides = [1]} : vector<16xi32> to vector<1xi32>
      %squeeze3A_1078 = vector.extract %slice3A_1077[0] : i32 from vector<1xi32>
      %and3A_1079 = arith.constant -128 : i32
      %and3A_1080 = arith.andi %squeeze3A_1078, %and3A_1079 : i32
      %multiple_of3A_1081 = tpu.assume_multiple %and3A_1076, 128 : i32
      %dma_start3A_1082 = arith.constant 3 : i32
      %dma_start3A_1083 = arith.constant 0 : i32
      %dma_start3A_1084 = arith.constant 0 : i32
      %dma_start3A_1085 = arith.constant 0 : i32
      %dma_start3A_1086 = tpu.memref_slice %arg10[%dma_start3A_1082, %dma_start3A_1083, %dma_start3A_1084, %dma_start3A_1085] : memref<4x2x32x128xf32, #tpu.memory_space<vmem>> -> memref<1x1x32x128xf32, #tpu.memory_space<vmem>>
      %dma_start3A_1087 = tpu.memref_squeeze %dma_start3A_1086 : memref<1x1x32x128xf32, #tpu.memory_space<vmem>> -> memref<32x128xf32, #tpu.memory_space<vmem>>
      %dma_start3A_1088 = arith.constant 0 : i32
      %dma_start3A_1089 = tpu.memref_slice %arg4[%dma_start3A_1088, %multiple_of3A_1081] : memref<32x1000000xf32, #tpu.memory_space<hbm>> -> memref<32x128xf32, #tpu.memory_space<hbm>>
      %dma_start3A_1090 = arith.constant 0 : i32
      %dma_start3A_1091 = arith.constant 0 : i32
      %dma_start3A_1092 = tpu.memref_slice %arg10[%dma_start3A_1082, %dma_start3A_1083, %dma_start3A_1090, %dma_start3A_1091] : memref<4x2x32x128xf32, #tpu.memory_space<vmem>> -> memref<1x1x32x128xf32, #tpu.memory_space<vmem>>
      %dma_start3A_1093 = tpu.memref_squeeze %dma_start3A_1092 : memref<1x1x32x128xf32, #tpu.memory_space<vmem>> -> memref<32x128xf32, #tpu.memory_space<vmem>>
      %dma_start3A_1094 = arith.constant 0 : i32
      %dma_start3A_1095 = tpu.memref_slice %arg4[%dma_start3A_1094, %multiple_of3A_1081] : memref<32x1000000xf32, #tpu.memory_space<hbm>> -> memref<32x128xf32, #tpu.memory_space<hbm>>
      tpu.enqueue_dma source(%dma_start3A_1095 : memref<32x128xf32, #tpu.memory_space<hbm>>) target(%dma_start3A_1093 : memref<32x128xf32, #tpu.memory_space<vmem>>) target_semaphore(%arg17 : memref<!tpu.dma_semaphore, #tpu.memory_space<semaphore_mem>>)
      %multiple_of3A_1096 = tpu.assume_multiple %and3A_1080, 128 : i32
      %dma_start3A_1097 = arith.constant 3 : i32
      %dma_start3A_1098 = arith.constant 0 : i32
      %dma_start3A_1099 = arith.constant 0 : i32
      %dma_start3A_1100 = arith.constant 0 : i32
      %dma_start3A_1101 = tpu.memref_slice %arg11[%dma_start3A_1097, %dma_start3A_1098, %dma_start3A_1099, %dma_start3A_1100] : memref<4x2x32x128xf32, #tpu.memory_space<vmem>> -> memref<1x1x32x128xf32, #tpu.memory_space<vmem>>
      %dma_start3A_1102 = tpu.memref_squeeze %dma_start3A_1101 : memref<1x1x32x128xf32, #tpu.memory_space<vmem>> -> memref<32x128xf32, #tpu.memory_space<vmem>>
      %dma_start3A_1103 = arith.constant 0 : i32
      %dma_start3A_1104 = tpu.memref_slice %arg5[%dma_start3A_1103, %multiple_of3A_1096] : memref<32x1000000xf32, #tpu.memory_space<hbm>> -> memref<32x128xf32, #tpu.memory_space<hbm>>
      %dma_start3A_1105 = arith.constant 0 : i32
      %dma_start3A_1106 = arith.constant 0 : i32
      %dma_start3A_1107 = tpu.memref_slice %arg11[%dma_start3A_1097, %dma_start3A_1098, %dma_start3A_1105, %dma_start3A_1106] : memref<4x2x32x128xf32, #tpu.memory_space<vmem>> -> memref<1x1x32x128xf32, #tpu.memory_space<vmem>>
      %dma_start3A_1108 = tpu.memref_squeeze %dma_start3A_1107 : memref<1x1x32x128xf32, #tpu.memory_space<vmem>> -> memref<32x128xf32, #tpu.memory_space<vmem>>
      %dma_start3A_1109 = arith.constant 0 : i32
      %dma_start3A_1110 = tpu.memref_slice %arg5[%dma_start3A_1109, %multiple_of3A_1096] : memref<32x1000000xf32, #tpu.memory_space<hbm>> -> memref<32x128xf32, #tpu.memory_space<hbm>>
      tpu.enqueue_dma source(%dma_start3A_1110 : memref<32x128xf32, #tpu.memory_space<hbm>>) target(%dma_start3A_1108 : memref<32x128xf32, #tpu.memory_space<vmem>>) target_semaphore(%arg21 : memref<!tpu.dma_semaphore, #tpu.memory_space<semaphore_mem>>)
      %slice3A_1111 = vector.extract_strided_slice %get3A_244 {offsets = [15], sizes = [1], strides = [1]} : vector<16xi32> to vector<1xi32>
      %squeeze3A_1112 = vector.extract %slice3A_1111[0] : i32 from vector<1xi32>
      %and3A_1113 = arith.constant -128 : i32
      %and3A_1114 = arith.andi %squeeze3A_1112, %and3A_1113 : i32
      %slice3A_1115 = vector.extract_strided_slice %get3A_246 {offsets = [15], sizes = [1], strides = [1]} : vector<16xi32> to vector<1xi32>
      %squeeze3A_1116 = vector.extract %slice3A_1115[0] : i32 from vector<1xi32>
      %and3A_1117 = arith.constant -128 : i32
      %and3A_1118 = arith.andi %squeeze3A_1116, %and3A_1117 : i32
      %multiple_of3A_1119 = tpu.assume_multiple %and3A_1114, 128 : i32
      %dma_start3A_1120 = arith.constant 3 : i32
      %dma_start3A_1121 = arith.constant 1 : i32
      %dma_start3A_1122 = arith.constant 0 : i32
      %dma_start3A_1123 = arith.constant 0 : i32
      %dma_start3A_1124 = tpu.memref_slice %arg10[%dma_start3A_1120, %dma_start3A_1121, %dma_start3A_1122, %dma_start3A_1123] : memref<4x2x32x128xf32, #tpu.memory_space<vmem>> -> memref<1x1x32x128xf32, #tpu.memory_space<vmem>>
      %dma_start3A_1125 = tpu.memref_squeeze %dma_start3A_1124 : memref<1x1x32x128xf32, #tpu.memory_space<vmem>> -> memref<32x128xf32, #tpu.memory_space<vmem>>
      %dma_start3A_1126 = arith.constant 0 : i32
      %dma_start3A_1127 = tpu.memref_slice %arg4[%dma_start3A_1126, %multiple_of3A_1119] : memref<32x1000000xf32, #tpu.memory_space<hbm>> -> memref<32x128xf32, #tpu.memory_space<hbm>>
      %dma_start3A_1128 = arith.constant 0 : i32
      %dma_start3A_1129 = arith.constant 0 : i32
      %dma_start3A_1130 = tpu.memref_slice %arg10[%dma_start3A_1120, %dma_start3A_1121, %dma_start3A_1128, %dma_start3A_1129] : memref<4x2x32x128xf32, #tpu.memory_space<vmem>> -> memref<1x1x32x128xf32, #tpu.memory_space<vmem>>
      %dma_start3A_1131 = tpu.memref_squeeze %dma_start3A_1130 : memref<1x1x32x128xf32, #tpu.memory_space<vmem>> -> memref<32x128xf32, #tpu.memory_space<vmem>>
      %dma_start3A_1132 = arith.constant 0 : i32
      %dma_start3A_1133 = tpu.memref_slice %arg4[%dma_start3A_1132, %multiple_of3A_1119] : memref<32x1000000xf32, #tpu.memory_space<hbm>> -> memref<32x128xf32, #tpu.memory_space<hbm>>
      tpu.enqueue_dma source(%dma_start3A_1133 : memref<32x128xf32, #tpu.memory_space<hbm>>) target(%dma_start3A_1131 : memref<32x128xf32, #tpu.memory_space<vmem>>) target_semaphore(%arg17 : memref<!tpu.dma_semaphore, #tpu.memory_space<semaphore_mem>>)
      %multiple_of3A_1134 = tpu.assume_multiple %and3A_1118, 128 : i32
      %dma_start3A_1135 = arith.constant 3 : i32
      %dma_start3A_1136 = arith.constant 1 : i32
      %dma_start3A_1137 = arith.constant 0 : i32
      %dma_start3A_1138 = arith.constant 0 : i32
      %dma_start3A_1139 = tpu.memref_slice %arg11[%dma_start3A_1135, %dma_start3A_1136, %dma_start3A_1137, %dma_start3A_1138] : memref<4x2x32x128xf32, #tpu.memory_space<vmem>> -> memref<1x1x32x128xf32, #tpu.memory_space<vmem>>
      %dma_start3A_1140 = tpu.memref_squeeze %dma_start3A_1139 : memref<1x1x32x128xf32, #tpu.memory_space<vmem>> -> memref<32x128xf32, #tpu.memory_space<vmem>>
      %dma_start3A_1141 = arith.constant 0 : i32
      %dma_start3A_1142 = tpu.memref_slice %arg5[%dma_start3A_1141, %multiple_of3A_1134] : memref<32x1000000xf32, #tpu.memory_space<hbm>> -> memref<32x128xf32, #tpu.memory_space<hbm>>
      %dma_start3A_1143 = arith.constant 0 : i32
      %dma_start3A_1144 = arith.constant 0 : i32
      %dma_start3A_1145 = tpu.memref_slice %arg11[%dma_start3A_1135, %dma_start3A_1136, %dma_start3A_1143, %dma_start3A_1144] : memref<4x2x32x128xf32, #tpu.memory_space<vmem>> -> memref<1x1x32x128xf32, #tpu.memory_space<vmem>>
      %dma_start3A_1146 = tpu.memref_squeeze %dma_start3A_1145 : memref<1x1x32x128xf32, #tpu.memory_space<vmem>> -> memref<32x128xf32, #tpu.memory_space<vmem>>
      %dma_start3A_1147 = arith.constant 0 : i32
      %dma_start3A_1148 = tpu.memref_slice %arg5[%dma_start3A_1147, %multiple_of3A_1134] : memref<32x1000000xf32, #tpu.memory_space<hbm>> -> memref<32x128xf32, #tpu.memory_space<hbm>>
      tpu.enqueue_dma source(%dma_start3A_1148 : memref<32x128xf32, #tpu.memory_space<hbm>>) target(%dma_start3A_1146 : memref<32x128xf32, #tpu.memory_space<vmem>>) target_semaphore(%arg21 : memref<!tpu.dma_semaphore, #tpu.memory_space<semaphore_mem>>)
      %dma_wait3A_1149 = arith.constant 0 : i32
      %dma_wait3A_1150 = arith.constant 0 : i32
      %dma_wait3A_1151 = arith.constant 0 : i32
      %dma_wait3A_1152 = arith.constant 0 : i32
      %dma_wait3A_1153 = tpu.memref_slice %arg10[%dma_wait3A_1149, %dma_wait3A_1150, %dma_wait3A_1151, %dma_wait3A_1152] : memref<4x2x32x128xf32, #tpu.memory_space<vmem>> -> memref<1x2x32x128xf32, #tpu.memory_space<vmem>>
      %dma_wait3A_1154 = tpu.memref_squeeze %dma_wait3A_1153 : memref<1x2x32x128xf32, #tpu.memory_space<vmem>> -> memref<2x32x128xf32, #tpu.memory_space<vmem>>
      %dma_wait3A_1155 = arith.constant 0 : i32
      %dma_wait3A_1156 = arith.constant 0 : i32
      %dma_wait3A_1157 = tpu.memref_slice %arg4[%dma_wait3A_1155, %dma_wait3A_1156] : memref<32x1000000xf32, #tpu.memory_space<hbm>> -> memref<32x256xf32, #tpu.memory_space<hbm>>
      %dma_wait3A_1158 = arith.constant 0 : i32
      %dma_wait3A_1159 = arith.constant 0 : i32
      %dma_wait3A_1160 = arith.constant 0 : i32
      %dma_wait3A_1161 = tpu.memref_slice %arg10[%dma_wait3A_1149, %dma_wait3A_1158, %dma_wait3A_1159, %dma_wait3A_1160] : memref<4x2x32x128xf32, #tpu.memory_space<vmem>> -> memref<1x2x32x128xf32, #tpu.memory_space<vmem>>
      %dma_wait3A_1162 = tpu.memref_squeeze %dma_wait3A_1161 : memref<1x2x32x128xf32, #tpu.memory_space<vmem>> -> memref<2x32x128xf32, #tpu.memory_space<vmem>>
      %dma_wait3A_1163 = arith.constant 0 : i32
      %dma_wait3A_1164 = arith.constant 0 : i32
      %dma_wait3A_1165 = tpu.memref_slice %arg4[%dma_wait3A_1163, %dma_wait3A_1164] : memref<32x1000000xf32, #tpu.memory_space<hbm>> -> memref<32x256xf32, #tpu.memory_space<hbm>>
      tpu.wait_dma2 semaphore(%arg14 : memref<!tpu.dma_semaphore, #tpu.memory_space<semaphore_mem>>) src(%dma_wait3A_1165 : memref<32x256xf32, #tpu.memory_space<hbm>>) dst(%dma_wait3A_1162 : memref<2x32x128xf32, #tpu.memory_space<vmem>>)
      %dma_wait3A_1166 = arith.constant 0 : i32
      %dma_wait3A_1167 = arith.constant 0 : i32
      %dma_wait3A_1168 = arith.constant 0 : i32
      %dma_wait3A_1169 = arith.constant 0 : i32
      %dma_wait3A_1170 = tpu.memref_slice %arg11[%dma_wait3A_1166, %dma_wait3A_1167, %dma_wait3A_1168, %dma_wait3A_1169] : memref<4x2x32x128xf32, #tpu.memory_space<vmem>> -> memref<1x2x32x128xf32, #tpu.memory_space<vmem>>
      %dma_wait3A_1171 = tpu.memref_squeeze %dma_wait3A_1170 : memref<1x2x32x128xf32, #tpu.memory_space<vmem>> -> memref<2x32x128xf32, #tpu.memory_space<vmem>>
      %dma_wait3A_1172 = arith.constant 0 : i32
      %dma_wait3A_1173 = arith.constant 0 : i32
      %dma_wait3A_1174 = tpu.memref_slice %arg5[%dma_wait3A_1172, %dma_wait3A_1173] : memref<32x1000000xf32, #tpu.memory_space<hbm>> -> memref<32x256xf32, #tpu.memory_space<hbm>>
      %dma_wait3A_1175 = arith.constant 0 : i32
      %dma_wait3A_1176 = arith.constant 0 : i32
      %dma_wait3A_1177 = arith.constant 0 : i32
      %dma_wait3A_1178 = tpu.memref_slice %arg11[%dma_wait3A_1166, %dma_wait3A_1175, %dma_wait3A_1176, %dma_wait3A_1177] : memref<4x2x32x128xf32, #tpu.memory_space<vmem>> -> memref<1x2x32x128xf32, #tpu.memory_space<vmem>>
      %dma_wait3A_1179 = tpu.memref_squeeze %dma_wait3A_1178 : memref<1x2x32x128xf32, #tpu.memory_space<vmem>> -> memref<2x32x128xf32, #tpu.memory_space<vmem>>
      %dma_wait3A_1180 = arith.constant 0 : i32
      %dma_wait3A_1181 = arith.constant 0 : i32
      %dma_wait3A_1182 = tpu.memref_slice %arg5[%dma_wait3A_1180, %dma_wait3A_1181] : memref<32x1000000xf32, #tpu.memory_space<hbm>> -> memref<32x256xf32, #tpu.memory_space<hbm>>
      tpu.wait_dma2 semaphore(%arg18 : memref<!tpu.dma_semaphore, #tpu.memory_space<semaphore_mem>>) src(%dma_wait3A_1182 : memref<32x256xf32, #tpu.memory_space<hbm>>) dst(%dma_wait3A_1179 : memref<2x32x128xf32, #tpu.memory_space<vmem>>)
      %slice3A_1183 = vector.extract_strided_slice %and3A_249 {offsets = [8], sizes = [1], strides = [1]} : vector<16xi32> to vector<1xi32>
      %squeeze3A_1184 = vector.extract %slice3A_1183[0] : i32 from vector<1xi32>
      %broadcast_in_dim3A_1185 = vector.broadcast %squeeze3A_1184 : i32 to vector<16xi32>
      %slice3A_1186 = vector.extract_strided_slice %and3A_252 {offsets = [8], sizes = [1], strides = [1]} : vector<16xi32> to vector<1xi32>
      %squeeze3A_1187 = vector.extract %slice3A_1186[0] : i32 from vector<1xi32>
      %broadcast_in_dim3A_1188 = vector.broadcast %squeeze3A_1187 : i32 to vector<16xi32>
      %gather3A_1189 = arith.constant 0 : i32
      %gather3A_1190 = arith.constant 0 : i32
      %gather3A_1191 = arith.constant 0 : i32
      %gather3A_1192 = arith.constant 0 : i32
      %gather3A_1193 = tpu.memref_slice %arg10[%gather3A_1189, %gather3A_1190, %gather3A_1191, %gather3A_1192] : memref<4x2x32x128xf32, #tpu.memory_space<vmem>> -> memref<1x1x32x128xf32, #tpu.memory_space<vmem>>
      %gather3A_1194 = tpu.memref_squeeze %gather3A_1193 : memref<1x1x32x128xf32, #tpu.memory_space<vmem>> -> memref<32x128xf32, #tpu.memory_space<vmem>>
      %gather3A_1195 = tpu.vector_load_idx %gather3A_1194[%iota3A, %broadcast_in_dim3A_1185] : memref<32x128xf32, #tpu.memory_space<vmem>>[vector<16xi32>, vector<16xi32>], vector<16xf32>,
      %gather3A_1196 = arith.constant 0 : i32
      %gather3A_1197 = arith.constant 0 : i32
      %gather3A_1198 = arith.constant 0 : i32
      %gather3A_1199 = arith.constant 0 : i32
      %gather3A_1200 = tpu.memref_slice %arg10[%gather3A_1196, %gather3A_1197, %gather3A_1198, %gather3A_1199] : memref<4x2x32x128xf32, #tpu.memory_space<vmem>> -> memref<1x1x32x128xf32, #tpu.memory_space<vmem>>
      %gather3A_1201 = tpu.memref_squeeze %gather3A_1200 : memref<1x1x32x128xf32, #tpu.memory_space<vmem>> -> memref<32x128xf32, #tpu.memory_space<vmem>>
      %gather3A_1202 = tpu.vector_load_idx %gather3A_1201[%add3A_8, %broadcast_in_dim3A_1185] : memref<32x128xf32, #tpu.memory_space<vmem>>[vector<16xi32>, vector<16xi32>], vector<16xf32>,
      %gather3A_1203 = arith.constant 0 : i32
      %gather3A_1204 = arith.constant 0 : i32
      %gather3A_1205 = arith.constant 0 : i32
      %gather3A_1206 = arith.constant 0 : i32
      %gather3A_1207 = tpu.memref_slice %arg11[%gather3A_1203, %gather3A_1204, %gather3A_1205, %gather3A_1206] : memref<4x2x32x128xf32, #tpu.memory_space<vmem>> -> memref<1x1x32x128xf32, #tpu.memory_space<vmem>>
      %gather3A_1208 = tpu.memref_squeeze %gather3A_1207 : memref<1x1x32x128xf32, #tpu.memory_space<vmem>> -> memref<32x128xf32, #tpu.memory_space<vmem>>
      %gather3A_1209 = tpu.vector_load_idx %gather3A_1208[%iota3A, %broadcast_in_dim3A_1188] : memref<32x128xf32, #tpu.memory_space<vmem>>[vector<16xi32>, vector<16xi32>], vector<16xf32>,
      %gather3A_1210 = arith.constant 0 : i32
      %gather3A_1211 = arith.constant 0 : i32
      %gather3A_1212 = arith.constant 0 : i32
      %gather3A_1213 = arith.constant 0 : i32
      %gather3A_1214 = tpu.memref_slice %arg11[%gather3A_1210, %gather3A_1211, %gather3A_1212, %gather3A_1213] : memref<4x2x32x128xf32, #tpu.memory_space<vmem>> -> memref<1x1x32x128xf32, #tpu.memory_space<vmem>>
      %gather3A_1215 = tpu.memref_squeeze %gather3A_1214 : memref<1x1x32x128xf32, #tpu.memory_space<vmem>> -> memref<32x128xf32, #tpu.memory_space<vmem>>
      %gather3A_1216 = tpu.vector_load_idx %gather3A_1215[%add3A_8, %broadcast_in_dim3A_1188] : memref<32x128xf32, #tpu.memory_space<vmem>>[vector<16xi32>, vector<16xi32>], vector<16xf32>,
      %mul3A_1217 = arith.mulf %gather3A_1195, %gather3A_1209 : vector<16xf32>
      %mul3A_1218 = arith.mulf %mul3A_1217, %get3A_3 : vector<16xf32>
      %mul3A_1219 = arith.mulf %gather3A_1202, %gather3A_1216 : vector<16xf32>
      %mul3A_1220 = arith.mulf %mul3A_1219, %get3A_5 : vector<16xf32>
      %add3A_1221 = arith.addf %mul3A_1218, %mul3A_1220 : vector<16xf32>
      %reduce_sum3A_1222 = arith.constant true
      %reduce_sum3A_1223 = vector.broadcast %reduce_sum3A_1222 : i1 to vector<16xi1>
      %reduce_sum3A_1224 = tpu.scan <sum>, %add3A_1221 masked %reduce_sum3A_1223 : vector<16xf32>, vector<16xi1> -> vector<16xf32>
      %reduce_sum3A_1225 = vector.extract %reduce_sum3A_1224[15] : f32 from vector<16xf32>
      %eq3A_1226 = arith.constant 8 : i32
      %eq3A_1227 = vector.broadcast %eq3A_1226 : i32 to vector<16xi32>
      %eq3A_1228 = arith.cmpi eq, %iota3A, %eq3A_1227 : vector<16xi32>
      %broadcast_in_dim3A_1229 = vector.broadcast %reduce_sum3A_1225 : f32 to vector<16xf32>
      %select_n3A_1230 = arith.select %eq3A_1228, %broadcast_in_dim3A_1229, %select_n3A_1072 : vector<16xi1>, vector<16xf32>
      %slice3A_1231 = vector.extract_strided_slice %and3A_249 {offsets = [9], sizes = [1], strides = [1]} : vector<16xi32> to vector<1xi32>
      %squeeze3A_1232 = vector.extract %slice3A_1231[0] : i32 from vector<1xi32>
      %broadcast_in_dim3A_1233 = vector.broadcast %squeeze3A_1232 : i32 to vector<16xi32>
      %slice3A_1234 = vector.extract_strided_slice %and3A_252 {offsets = [9], sizes = [1], strides = [1]} : vector<16xi32> to vector<1xi32>
      %squeeze3A_1235 = vector.extract %slice3A_1234[0] : i32 from vector<1xi32>
      %broadcast_in_dim3A_1236 = vector.broadcast %squeeze3A_1235 : i32 to vector<16xi32>
      %gather3A_1237 = arith.constant 0 : i32
      %gather3A_1238 = arith.constant 1 : i32
      %gather3A_1239 = arith.constant 0 : i32
      %gather3A_1240 = arith.constant 0 : i32
      %gather3A_1241 = tpu.memref_slice %arg10[%gather3A_1237, %gather3A_1238, %gather3A_1239, %gather3A_1240] : memref<4x2x32x128xf32, #tpu.memory_space<vmem>> -> memref<1x1x32x128xf32, #tpu.memory_space<vmem>>
      %gather3A_1242 = tpu.memref_squeeze %gather3A_1241 : memref<1x1x32x128xf32, #tpu.memory_space<vmem>> -> memref<32x128xf32, #tpu.memory_space<vmem>>
      %gather3A_1243 = tpu.vector_load_idx %gather3A_1242[%iota3A, %broadcast_in_dim3A_1233] : memref<32x128xf32, #tpu.memory_space<vmem>>[vector<16xi32>, vector<16xi32>], vector<16xf32>,
      %gather3A_1244 = arith.constant 0 : i32
      %gather3A_1245 = arith.constant 1 : i32
      %gather3A_1246 = arith.constant 0 : i32
      %gather3A_1247 = arith.constant 0 : i32
      %gather3A_1248 = tpu.memref_slice %arg10[%gather3A_1244, %gather3A_1245, %gather3A_1246, %gather3A_1247] : memref<4x2x32x128xf32, #tpu.memory_space<vmem>> -> memref<1x1x32x128xf32, #tpu.memory_space<vmem>>
      %gather3A_1249 = tpu.memref_squeeze %gather3A_1248 : memref<1x1x32x128xf32, #tpu.memory_space<vmem>> -> memref<32x128xf32, #tpu.memory_space<vmem>>
      %gather3A_1250 = tpu.vector_load_idx %gather3A_1249[%add3A_8, %broadcast_in_dim3A_1233] : memref<32x128xf32, #tpu.memory_space<vmem>>[vector<16xi32>, vector<16xi32>], vector<16xf32>,
      %gather3A_1251 = arith.constant 0 : i32
      %gather3A_1252 = arith.constant 1 : i32
      %gather3A_1253 = arith.constant 0 : i32
      %gather3A_1254 = arith.constant 0 : i32
      %gather3A_1255 = tpu.memref_slice %arg11[%gather3A_1251, %gather3A_1252, %gather3A_1253, %gather3A_1254] : memref<4x2x32x128xf32, #tpu.memory_space<vmem>> -> memref<1x1x32x128xf32, #tpu.memory_space<vmem>>
      %gather3A_1256 = tpu.memref_squeeze %gather3A_1255 : memref<1x1x32x128xf32, #tpu.memory_space<vmem>> -> memref<32x128xf32, #tpu.memory_space<vmem>>
      %gather3A_1257 = tpu.vector_load_idx %gather3A_1256[%iota3A, %broadcast_in_dim3A_1236] : memref<32x128xf32, #tpu.memory_space<vmem>>[vector<16xi32>, vector<16xi32>], vector<16xf32>,
      %gather3A_1258 = arith.constant 0 : i32
      %gather3A_1259 = arith.constant 1 : i32
      %gather3A_1260 = arith.constant 0 : i32
      %gather3A_1261 = arith.constant 0 : i32
      %gather3A_1262 = tpu.memref_slice %arg11[%gather3A_1258, %gather3A_1259, %gather3A_1260, %gather3A_1261] : memref<4x2x32x128xf32, #tpu.memory_space<vmem>> -> memref<1x1x32x128xf32, #tpu.memory_space<vmem>>
      %gather3A_1263 = tpu.memref_squeeze %gather3A_1262 : memref<1x1x32x128xf32, #tpu.memory_space<vmem>> -> memref<32x128xf32, #tpu.memory_space<vmem>>
      %gather3A_1264 = tpu.vector_load_idx %gather3A_1263[%add3A_8, %broadcast_in_dim3A_1236] : memref<32x128xf32, #tpu.memory_space<vmem>>[vector<16xi32>, vector<16xi32>], vector<16xf32>,
      %mul3A_1265 = arith.mulf %gather3A_1243, %gather3A_1257 : vector<16xf32>
      %mul3A_1266 = arith.mulf %mul3A_1265, %get3A_3 : vector<16xf32>
      %mul3A_1267 = arith.mulf %gather3A_1250, %gather3A_1264 : vector<16xf32>
      %mul3A_1268 = arith.mulf %mul3A_1267, %get3A_5 : vector<16xf32>
      %add3A_1269 = arith.addf %mul3A_1266, %mul3A_1268 : vector<16xf32>
      %reduce_sum3A_1270 = arith.constant true
      %reduce_sum3A_1271 = vector.broadcast %reduce_sum3A_1270 : i1 to vector<16xi1>
      %reduce_sum3A_1272 = tpu.scan <sum>, %add3A_1269 masked %reduce_sum3A_1271 : vector<16xf32>, vector<16xi1> -> vector<16xf32>
      %reduce_sum3A_1273 = vector.extract %reduce_sum3A_1272[15] : f32 from vector<16xf32>
      %eq3A_1274 = arith.constant 9 : i32
      %eq3A_1275 = vector.broadcast %eq3A_1274 : i32 to vector<16xi32>
      %eq3A_1276 = arith.cmpi eq, %iota3A, %eq3A_1275 : vector<16xi32>
      %broadcast_in_dim3A_1277 = vector.broadcast %reduce_sum3A_1273 : f32 to vector<16xf32>
      %select_n3A_1278 = arith.select %eq3A_1276, %broadcast_in_dim3A_1277, %select_n3A_1230 : vector<16xi1>, vector<16xf32>
      %lt3A = arith.constant 31 : i32
      %lt3A_1279 = arith.cmpi slt, %scan3A_240, %lt3A : i32
      %convert_element_type3A = arith.extui %lt3A_1279 : i1 to i32
      %cond3A = arith.constant 0 : i32
      %cond3A_1280 = arith.cmpi ne, %convert_element_type3A, %cond3A : i32
      scf.if %cond3A_1280 {
        %add3A_1682 = arith.constant 1 : i32
        %add3A_1683 = arith.addi %scan3A_240, %add3A_1682 : i32
        %mul3A_1684 = arith.constant 16 : i32
        %mul3A_1685 = arith.muli %add3A_1683, %mul3A_1684 : i32
        %get3A_1686 = arith.index_cast %mul3A_1685 : i32 to index
        %get3A_1687 = tpu.vector_load %arg8[%get3A_1686] {strides = array<i32>} : memref<512xi32, #tpu.memory_space<vmem>>, vector<16xi32>,
        %get3A_1688 = arith.index_cast %mul3A_1685 : i32 to index
        %get3A_1689 = tpu.vector_load %arg9[%get3A_1688] {strides = array<i32>} : memref<512xi32, #tpu.memory_space<vmem>>, vector<16xi32>,
        %slice3A_1690 = vector.extract_strided_slice %get3A_1687 {offsets = [0], sizes = [1], strides = [1]} : vector<16xi32> to vector<1xi32>
        %squeeze3A_1691 = vector.extract %slice3A_1690[0] : i32 from vector<1xi32>
        %and3A_1692 = arith.constant -128 : i32
        %and3A_1693 = arith.andi %squeeze3A_1691, %and3A_1692 : i32
        %slice3A_1694 = vector.extract_strided_slice %get3A_1689 {offsets = [0], sizes = [1], strides = [1]} : vector<16xi32> to vector<1xi32>
        %squeeze3A_1695 = vector.extract %slice3A_1694[0] : i32 from vector<1xi32>
        %and3A_1696 = arith.constant -128 : i32
        %and3A_1697 = arith.andi %squeeze3A_1695, %and3A_1696 : i32
        %multiple_of3A_1698 = tpu.assume_multiple %and3A_1693, 128 : i32
        %dma_start3A_1699 = arith.constant 0 : i32
        %dma_start3A_1700 = arith.constant 0 : i32
        %dma_start3A_1701 = arith.constant 0 : i32
        %dma_start3A_1702 = arith.constant 0 : i32
        %dma_start3A_1703 = tpu.memref_slice %arg10[%dma_start3A_1699, %dma_start3A_1700, %dma_start3A_1701, %dma_start3A_1702] : memref<4x2x32x128xf32, #tpu.memory_space<vmem>> -> memref<1x1x32x128xf32, #tpu.memory_space<vmem>>
        %dma_start3A_1704 = tpu.memref_squeeze %dma_start3A_1703 : memref<1x1x32x128xf32, #tpu.memory_space<vmem>> -> memref<32x128xf32, #tpu.memory_space<vmem>>
        %dma_start3A_1705 = arith.constant 0 : i32
        %dma_start3A_1706 = tpu.memref_slice %arg4[%dma_start3A_1705, %multiple_of3A_1698] : memref<32x1000000xf32, #tpu.memory_space<hbm>> -> memref<32x128xf32, #tpu.memory_space<hbm>>
        %dma_start3A_1707 = arith.constant 0 : i32
        %dma_start3A_1708 = arith.constant 0 : i32
        %dma_start3A_1709 = tpu.memref_slice %arg10[%dma_start3A_1699, %dma_start3A_1700, %dma_start3A_1707, %dma_start3A_1708] : memref<4x2x32x128xf32, #tpu.memory_space<vmem>> -> memref<1x1x32x128xf32, #tpu.memory_space<vmem>>
        %dma_start3A_1710 = tpu.memref_squeeze %dma_start3A_1709 : memref<1x1x32x128xf32, #tpu.memory_space<vmem>> -> memref<32x128xf32, #tpu.memory_space<vmem>>
        %dma_start3A_1711 = arith.constant 0 : i32
        %dma_start3A_1712 = tpu.memref_slice %arg4[%dma_start3A_1711, %multiple_of3A_1698] : memref<32x1000000xf32, #tpu.memory_space<hbm>> -> memref<32x128xf32, #tpu.memory_space<hbm>>
        tpu.enqueue_dma source(%dma_start3A_1712 : memref<32x128xf32, #tpu.memory_space<hbm>>) target(%dma_start3A_1710 : memref<32x128xf32, #tpu.memory_space<vmem>>) target_semaphore(%arg14 : memref<!tpu.dma_semaphore, #tpu.memory_space<semaphore_mem>>)
        %multiple_of3A_1713 = tpu.assume_multiple %and3A_1697, 128 : i32
        %dma_start3A_1714 = arith.constant 0 : i32
        %dma_start3A_1715 = arith.constant 0 : i32
        %dma_start3A_1716 = arith.constant 0 : i32
        %dma_start3A_1717 = arith.constant 0 : i32
        %dma_start3A_1718 = tpu.memref_slice %arg11[%dma_start3A_1714, %dma_start3A_1715, %dma_start3A_1716, %dma_start3A_1717] : memref<4x2x32x128xf32, #tpu.memory_space<vmem>> -> memref<1x1x32x128xf32, #tpu.memory_space<vmem>>
        %dma_start3A_1719 = tpu.memref_squeeze %dma_start3A_1718 : memref<1x1x32x128xf32, #tpu.memory_space<vmem>> -> memref<32x128xf32, #tpu.memory_space<vmem>>
        %dma_start3A_1720 = arith.constant 0 : i32
        %dma_start3A_1721 = tpu.memref_slice %arg5[%dma_start3A_1720, %multiple_of3A_1713] : memref<32x1000000xf32, #tpu.memory_space<hbm>> -> memref<32x128xf32, #tpu.memory_space<hbm>>
        %dma_start3A_1722 = arith.constant 0 : i32
        %dma_start3A_1723 = arith.constant 0 : i32
        %dma_start3A_1724 = tpu.memref_slice %arg11[%dma_start3A_1714, %dma_start3A_1715, %dma_start3A_1722, %dma_start3A_1723] : memref<4x2x32x128xf32, #tpu.memory_space<vmem>> -> memref<1x1x32x128xf32, #tpu.memory_space<vmem>>
        %dma_start3A_1725 = tpu.memref_squeeze %dma_start3A_1724 : memref<1x1x32x128xf32, #tpu.memory_space<vmem>> -> memref<32x128xf32, #tpu.memory_space<vmem>>
        %dma_start3A_1726 = arith.constant 0 : i32
        %dma_start3A_1727 = tpu.memref_slice %arg5[%dma_start3A_1726, %multiple_of3A_1713] : memref<32x1000000xf32, #tpu.memory_space<hbm>> -> memref<32x128xf32, #tpu.memory_space<hbm>>
        tpu.enqueue_dma source(%dma_start3A_1727 : memref<32x128xf32, #tpu.memory_space<hbm>>) target(%dma_start3A_1725 : memref<32x128xf32, #tpu.memory_space<vmem>>) target_semaphore(%arg18 : memref<!tpu.dma_semaphore, #tpu.memory_space<semaphore_mem>>)
        %slice3A_1728 = vector.extract_strided_slice %get3A_1687 {offsets = [1], sizes = [1], strides = [1]} : vector<16xi32> to vector<1xi32>
        %squeeze3A_1729 = vector.extract %slice3A_1728[0] : i32 from vector<1xi32>
        %and3A_1730 = arith.constant -128 : i32
        %and3A_1731 = arith.andi %squeeze3A_1729, %and3A_1730 : i32
        %slice3A_1732 = vector.extract_strided_slice %get3A_1689 {offsets = [1], sizes = [1], strides = [1]} : vector<16xi32> to vector<1xi32>
        %squeeze3A_1733 = vector.extract %slice3A_1732[0] : i32 from vector<1xi32>
        %and3A_1734 = arith.constant -128 : i32
        %and3A_1735 = arith.andi %squeeze3A_1733, %and3A_1734 : i32
        %multiple_of3A_1736 = tpu.assume_multiple %and3A_1731, 128 : i32
        %dma_start3A_1737 = arith.constant 0 : i32
        %dma_start3A_1738 = arith.constant 1 : i32
        %dma_start3A_1739 = arith.constant 0 : i32
        %dma_start3A_1740 = arith.constant 0 : i32
        %dma_start3A_1741 = tpu.memref_slice %arg10[%dma_start3A_1737, %dma_start3A_1738, %dma_start3A_1739, %dma_start3A_1740] : memref<4x2x32x128xf32, #tpu.memory_space<vmem>> -> memref<1x1x32x128xf32, #tpu.memory_space<vmem>>
        %dma_start3A_1742 = tpu.memref_squeeze %dma_start3A_1741 : memref<1x1x32x128xf32, #tpu.memory_space<vmem>> -> memref<32x128xf32, #tpu.memory_space<vmem>>
        %dma_start3A_1743 = arith.constant 0 : i32
        %dma_start3A_1744 = tpu.memref_slice %arg4[%dma_start3A_1743, %multiple_of3A_1736] : memref<32x1000000xf32, #tpu.memory_space<hbm>> -> memref<32x128xf32, #tpu.memory_space<hbm>>
        %dma_start3A_1745 = arith.constant 0 : i32
        %dma_start3A_1746 = arith.constant 0 : i32
        %dma_start3A_1747 = tpu.memref_slice %arg10[%dma_start3A_1737, %dma_start3A_1738, %dma_start3A_1745, %dma_start3A_1746] : memref<4x2x32x128xf32, #tpu.memory_space<vmem>> -> memref<1x1x32x128xf32, #tpu.memory_space<vmem>>
        %dma_start3A_1748 = tpu.memref_squeeze %dma_start3A_1747 : memref<1x1x32x128xf32, #tpu.memory_space<vmem>> -> memref<32x128xf32, #tpu.memory_space<vmem>>
        %dma_start3A_1749 = arith.constant 0 : i32
        %dma_start3A_1750 = tpu.memref_slice %arg4[%dma_start3A_1749, %multiple_of3A_1736] : memref<32x1000000xf32, #tpu.memory_space<hbm>> -> memref<32x128xf32, #tpu.memory_space<hbm>>
        tpu.enqueue_dma source(%dma_start3A_1750 : memref<32x128xf32, #tpu.memory_space<hbm>>) target(%dma_start3A_1748 : memref<32x128xf32, #tpu.memory_space<vmem>>) target_semaphore(%arg14 : memref<!tpu.dma_semaphore, #tpu.memory_space<semaphore_mem>>)
        %multiple_of3A_1751 = tpu.assume_multiple %and3A_1735, 128 : i32
        %dma_start3A_1752 = arith.constant 0 : i32
        %dma_start3A_1753 = arith.constant 1 : i32
        %dma_start3A_1754 = arith.constant 0 : i32
        %dma_start3A_1755 = arith.constant 0 : i32
        %dma_start3A_1756 = tpu.memref_slice %arg11[%dma_start3A_1752, %dma_start3A_1753, %dma_start3A_1754, %dma_start3A_1755] : memref<4x2x32x128xf32, #tpu.memory_space<vmem>> -> memref<1x1x32x128xf32, #tpu.memory_space<vmem>>
        %dma_start3A_1757 = tpu.memref_squeeze %dma_start3A_1756 : memref<1x1x32x128xf32, #tpu.memory_space<vmem>> -> memref<32x128xf32, #tpu.memory_space<vmem>>
        %dma_start3A_1758 = arith.constant 0 : i32
        %dma_start3A_1759 = tpu.memref_slice %arg5[%dma_start3A_1758, %multiple_of3A_1751] : memref<32x1000000xf32, #tpu.memory_space<hbm>> -> memref<32x128xf32, #tpu.memory_space<hbm>>
        %dma_start3A_1760 = arith.constant 0 : i32
        %dma_start3A_1761 = arith.constant 0 : i32
        %dma_start3A_1762 = tpu.memref_slice %arg11[%dma_start3A_1752, %dma_start3A_1753, %dma_start3A_1760, %dma_start3A_1761] : memref<4x2x32x128xf32, #tpu.memory_space<vmem>> -> memref<1x1x32x128xf32, #tpu.memory_space<vmem>>
        %dma_start3A_1763 = tpu.memref_squeeze %dma_start3A_1762 : memref<1x1x32x128xf32, #tpu.memory_space<vmem>> -> memref<32x128xf32, #tpu.memory_space<vmem>>
        %dma_start3A_1764 = arith.constant 0 : i32
        %dma_start3A_1765 = tpu.memref_slice %arg5[%dma_start3A_1764, %multiple_of3A_1751] : memref<32x1000000xf32, #tpu.memory_space<hbm>> -> memref<32x128xf32, #tpu.memory_space<hbm>>
        tpu.enqueue_dma source(%dma_start3A_1765 : memref<32x128xf32, #tpu.memory_space<hbm>>) target(%dma_start3A_1763 : memref<32x128xf32, #tpu.memory_space<vmem>>) target_semaphore(%arg18 : memref<!tpu.dma_semaphore, #tpu.memory_space<semaphore_mem>>)
      } else {
      }
      %dma_wait3A_1281 = arith.constant 1 : i32
      %dma_wait3A_1282 = arith.constant 0 : i32
      %dma_wait3A_1283 = arith.constant 0 : i32
      %dma_wait3A_1284 = arith.constant 0 : i32
      %dma_wait3A_1285 = tpu.memref_slice %arg10[%dma_wait3A_1281, %dma_wait3A_1282, %dma_wait3A_1283, %dma_wait3A_1284] : memref<4x2x32x128xf32, #tpu.memory_space<vmem>> -> memref<1x2x32x128xf32, #tpu.memory_space<vmem>>
      %dma_wait3A_1286 = tpu.memref_squeeze %dma_wait3A_1285 : memref<1x2x32x128xf32, #tpu.memory_space<vmem>> -> memref<2x32x128xf32, #tpu.memory_space<vmem>>
      %dma_wait3A_1287 = arith.constant 0 : i32
      %dma_wait3A_1288 = arith.constant 0 : i32
      %dma_wait3A_1289 = tpu.memref_slice %arg4[%dma_wait3A_1287, %dma_wait3A_1288] : memref<32x1000000xf32, #tpu.memory_space<hbm>> -> memref<32x256xf32, #tpu.memory_space<hbm>>
      %dma_wait3A_1290 = arith.constant 0 : i32
      %dma_wait3A_1291 = arith.constant 0 : i32
      %dma_wait3A_1292 = arith.constant 0 : i32
      %dma_wait3A_1293 = tpu.memref_slice %arg10[%dma_wait3A_1281, %dma_wait3A_1290, %dma_wait3A_1291, %dma_wait3A_1292] : memref<4x2x32x128xf32, #tpu.memory_space<vmem>> -> memref<1x2x32x128xf32, #tpu.memory_space<vmem>>
      %dma_wait3A_1294 = tpu.memref_squeeze %dma_wait3A_1293 : memref<1x2x32x128xf32, #tpu.memory_space<vmem>> -> memref<2x32x128xf32, #tpu.memory_space<vmem>>
      %dma_wait3A_1295 = arith.constant 0 : i32
      %dma_wait3A_1296 = arith.constant 0 : i32
      %dma_wait3A_1297 = tpu.memref_slice %arg4[%dma_wait3A_1295, %dma_wait3A_1296] : memref<32x1000000xf32, #tpu.memory_space<hbm>> -> memref<32x256xf32, #tpu.memory_space<hbm>>
      tpu.wait_dma2 semaphore(%arg15 : memref<!tpu.dma_semaphore, #tpu.memory_space<semaphore_mem>>) src(%dma_wait3A_1297 : memref<32x256xf32, #tpu.memory_space<hbm>>) dst(%dma_wait3A_1294 : memref<2x32x128xf32, #tpu.memory_space<vmem>>)
      %dma_wait3A_1298 = arith.constant 1 : i32
      %dma_wait3A_1299 = arith.constant 0 : i32
      %dma_wait3A_1300 = arith.constant 0 : i32
      %dma_wait3A_1301 = arith.constant 0 : i32
      %dma_wait3A_1302 = tpu.memref_slice %arg11[%dma_wait3A_1298, %dma_wait3A_1299, %dma_wait3A_1300, %dma_wait3A_1301] : memref<4x2x32x128xf32, #tpu.memory_space<vmem>> -> memref<1x2x32x128xf32, #tpu.memory_space<vmem>>
      %dma_wait3A_1303 = tpu.memref_squeeze %dma_wait3A_1302 : memref<1x2x32x128xf32, #tpu.memory_space<vmem>> -> memref<2x32x128xf32, #tpu.memory_space<vmem>>
      %dma_wait3A_1304 = arith.constant 0 : i32
      %dma_wait3A_1305 = arith.constant 0 : i32
      %dma_wait3A_1306 = tpu.memref_slice %arg5[%dma_wait3A_1304, %dma_wait3A_1305] : memref<32x1000000xf32, #tpu.memory_space<hbm>> -> memref<32x256xf32, #tpu.memory_space<hbm>>
      %dma_wait3A_1307 = arith.constant 0 : i32
      %dma_wait3A_1308 = arith.constant 0 : i32
      %dma_wait3A_1309 = arith.constant 0 : i32
      %dma_wait3A_1310 = tpu.memref_slice %arg11[%dma_wait3A_1298, %dma_wait3A_1307, %dma_wait3A_1308, %dma_wait3A_1309] : memref<4x2x32x128xf32, #tpu.memory_space<vmem>> -> memref<1x2x32x128xf32, #tpu.memory_space<vmem>>
      %dma_wait3A_1311 = tpu.memref_squeeze %dma_wait3A_1310 : memref<1x2x32x128xf32, #tpu.memory_space<vmem>> -> memref<2x32x128xf32, #tpu.memory_space<vmem>>
      %dma_wait3A_1312 = arith.constant 0 : i32
      %dma_wait3A_1313 = arith.constant 0 : i32
      %dma_wait3A_1314 = tpu.memref_slice %arg5[%dma_wait3A_1312, %dma_wait3A_1313] : memref<32x1000000xf32, #tpu.memory_space<hbm>> -> memref<32x256xf32, #tpu.memory_space<hbm>>
      tpu.wait_dma2 semaphore(%arg19 : memref<!tpu.dma_semaphore, #tpu.memory_space<semaphore_mem>>) src(%dma_wait3A_1314 : memref<32x256xf32, #tpu.memory_space<hbm>>) dst(%dma_wait3A_1311 : memref<2x32x128xf32, #tpu.memory_space<vmem>>)
      %slice3A_1315 = vector.extract_strided_slice %and3A_249 {offsets = [10], sizes = [1], strides = [1]} : vector<16xi32> to vector<1xi32>
      %squeeze3A_1316 = vector.extract %slice3A_1315[0] : i32 from vector<1xi32>
      %broadcast_in_dim3A_1317 = vector.broadcast %squeeze3A_1316 : i32 to vector<16xi32>
      %slice3A_1318 = vector.extract_strided_slice %and3A_252 {offsets = [10], sizes = [1], strides = [1]} : vector<16xi32> to vector<1xi32>
      %squeeze3A_1319 = vector.extract %slice3A_1318[0] : i32 from vector<1xi32>
      %broadcast_in_dim3A_1320 = vector.broadcast %squeeze3A_1319 : i32 to vector<16xi32>
      %gather3A_1321 = arith.constant 1 : i32
      %gather3A_1322 = arith.constant 0 : i32
      %gather3A_1323 = arith.constant 0 : i32
      %gather3A_1324 = arith.constant 0 : i32
      %gather3A_1325 = tpu.memref_slice %arg10[%gather3A_1321, %gather3A_1322, %gather3A_1323, %gather3A_1324] : memref<4x2x32x128xf32, #tpu.memory_space<vmem>> -> memref<1x1x32x128xf32, #tpu.memory_space<vmem>>
      %gather3A_1326 = tpu.memref_squeeze %gather3A_1325 : memref<1x1x32x128xf32, #tpu.memory_space<vmem>> -> memref<32x128xf32, #tpu.memory_space<vmem>>
      %gather3A_1327 = tpu.vector_load_idx %gather3A_1326[%iota3A, %broadcast_in_dim3A_1317] : memref<32x128xf32, #tpu.memory_space<vmem>>[vector<16xi32>, vector<16xi32>], vector<16xf32>,
      %gather3A_1328 = arith.constant 1 : i32
      %gather3A_1329 = arith.constant 0 : i32
      %gather3A_1330 = arith.constant 0 : i32
      %gather3A_1331 = arith.constant 0 : i32
      %gather3A_1332 = tpu.memref_slice %arg10[%gather3A_1328, %gather3A_1329, %gather3A_1330, %gather3A_1331] : memref<4x2x32x128xf32, #tpu.memory_space<vmem>> -> memref<1x1x32x128xf32, #tpu.memory_space<vmem>>
      %gather3A_1333 = tpu.memref_squeeze %gather3A_1332 : memref<1x1x32x128xf32, #tpu.memory_space<vmem>> -> memref<32x128xf32, #tpu.memory_space<vmem>>
      %gather3A_1334 = tpu.vector_load_idx %gather3A_1333[%add3A_8, %broadcast_in_dim3A_1317] : memref<32x128xf32, #tpu.memory_space<vmem>>[vector<16xi32>, vector<16xi32>], vector<16xf32>,
      %gather3A_1335 = arith.constant 1 : i32
      %gather3A_1336 = arith.constant 0 : i32
      %gather3A_1337 = arith.constant 0 : i32
      %gather3A_1338 = arith.constant 0 : i32
      %gather3A_1339 = tpu.memref_slice %arg11[%gather3A_1335, %gather3A_1336, %gather3A_1337, %gather3A_1338] : memref<4x2x32x128xf32, #tpu.memory_space<vmem>> -> memref<1x1x32x128xf32, #tpu.memory_space<vmem>>
      %gather3A_1340 = tpu.memref_squeeze %gather3A_1339 : memref<1x1x32x128xf32, #tpu.memory_space<vmem>> -> memref<32x128xf32, #tpu.memory_space<vmem>>
      %gather3A_1341 = tpu.vector_load_idx %gather3A_1340[%iota3A, %broadcast_in_dim3A_1320] : memref<32x128xf32, #tpu.memory_space<vmem>>[vector<16xi32>, vector<16xi32>], vector<16xf32>,
      %gather3A_1342 = arith.constant 1 : i32
      %gather3A_1343 = arith.constant 0 : i32
      %gather3A_1344 = arith.constant 0 : i32
      %gather3A_1345 = arith.constant 0 : i32
      %gather3A_1346 = tpu.memref_slice %arg11[%gather3A_1342, %gather3A_1343, %gather3A_1344, %gather3A_1345] : memref<4x2x32x128xf32, #tpu.memory_space<vmem>> -> memref<1x1x32x128xf32, #tpu.memory_space<vmem>>
      %gather3A_1347 = tpu.memref_squeeze %gather3A_1346 : memref<1x1x32x128xf32, #tpu.memory_space<vmem>> -> memref<32x128xf32, #tpu.memory_space<vmem>>
      %gather3A_1348 = tpu.vector_load_idx %gather3A_1347[%add3A_8, %broadcast_in_dim3A_1320] : memref<32x128xf32, #tpu.memory_space<vmem>>[vector<16xi32>, vector<16xi32>], vector<16xf32>,
      %mul3A_1349 = arith.mulf %gather3A_1327, %gather3A_1341 : vector<16xf32>
      %mul3A_1350 = arith.mulf %mul3A_1349, %get3A_3 : vector<16xf32>
      %mul3A_1351 = arith.mulf %gather3A_1334, %gather3A_1348 : vector<16xf32>
      %mul3A_1352 = arith.mulf %mul3A_1351, %get3A_5 : vector<16xf32>
      %add3A_1353 = arith.addf %mul3A_1350, %mul3A_1352 : vector<16xf32>
      %reduce_sum3A_1354 = arith.constant true
      %reduce_sum3A_1355 = vector.broadcast %reduce_sum3A_1354 : i1 to vector<16xi1>
      %reduce_sum3A_1356 = tpu.scan <sum>, %add3A_1353 masked %reduce_sum3A_1355 : vector<16xf32>, vector<16xi1> -> vector<16xf32>
      %reduce_sum3A_1357 = vector.extract %reduce_sum3A_1356[15] : f32 from vector<16xf32>
      %eq3A_1358 = arith.constant 10 : i32
      %eq3A_1359 = vector.broadcast %eq3A_1358 : i32 to vector<16xi32>
      %eq3A_1360 = arith.cmpi eq, %iota3A, %eq3A_1359 : vector<16xi32>
      %broadcast_in_dim3A_1361 = vector.broadcast %reduce_sum3A_1357 : f32 to vector<16xf32>
      %select_n3A_1362 = arith.select %eq3A_1360, %broadcast_in_dim3A_1361, %select_n3A_1278 : vector<16xi1>, vector<16xf32>
      %slice3A_1363 = vector.extract_strided_slice %and3A_249 {offsets = [11], sizes = [1], strides = [1]} : vector<16xi32> to vector<1xi32>
      %squeeze3A_1364 = vector.extract %slice3A_1363[0] : i32 from vector<1xi32>
      %broadcast_in_dim3A_1365 = vector.broadcast %squeeze3A_1364 : i32 to vector<16xi32>
      %slice3A_1366 = vector.extract_strided_slice %and3A_252 {offsets = [11], sizes = [1], strides = [1]} : vector<16xi32> to vector<1xi32>
      %squeeze3A_1367 = vector.extract %slice3A_1366[0] : i32 from vector<1xi32>
      %broadcast_in_dim3A_1368 = vector.broadcast %squeeze3A_1367 : i32 to vector<16xi32>
      %gather3A_1369 = arith.constant 1 : i32
      %gather3A_1370 = arith.constant 1 : i32
      %gather3A_1371 = arith.constant 0 : i32
      %gather3A_1372 = arith.constant 0 : i32
      %gather3A_1373 = tpu.memref_slice %arg10[%gather3A_1369, %gather3A_1370, %gather3A_1371, %gather3A_1372] : memref<4x2x32x128xf32, #tpu.memory_space<vmem>> -> memref<1x1x32x128xf32, #tpu.memory_space<vmem>>
      %gather3A_1374 = tpu.memref_squeeze %gather3A_1373 : memref<1x1x32x128xf32, #tpu.memory_space<vmem>> -> memref<32x128xf32, #tpu.memory_space<vmem>>
      %gather3A_1375 = tpu.vector_load_idx %gather3A_1374[%iota3A, %broadcast_in_dim3A_1365] : memref<32x128xf32, #tpu.memory_space<vmem>>[vector<16xi32>, vector<16xi32>], vector<16xf32>,
      %gather3A_1376 = arith.constant 1 : i32
      %gather3A_1377 = arith.constant 1 : i32
      %gather3A_1378 = arith.constant 0 : i32
      %gather3A_1379 = arith.constant 0 : i32
      %gather3A_1380 = tpu.memref_slice %arg10[%gather3A_1376, %gather3A_1377, %gather3A_1378, %gather3A_1379] : memref<4x2x32x128xf32, #tpu.memory_space<vmem>> -> memref<1x1x32x128xf32, #tpu.memory_space<vmem>>
      %gather3A_1381 = tpu.memref_squeeze %gather3A_1380 : memref<1x1x32x128xf32, #tpu.memory_space<vmem>> -> memref<32x128xf32, #tpu.memory_space<vmem>>
      %gather3A_1382 = tpu.vector_load_idx %gather3A_1381[%add3A_8, %broadcast_in_dim3A_1365] : memref<32x128xf32, #tpu.memory_space<vmem>>[vector<16xi32>, vector<16xi32>], vector<16xf32>,
      %gather3A_1383 = arith.constant 1 : i32
      %gather3A_1384 = arith.constant 1 : i32
      %gather3A_1385 = arith.constant 0 : i32
      %gather3A_1386 = arith.constant 0 : i32
      %gather3A_1387 = tpu.memref_slice %arg11[%gather3A_1383, %gather3A_1384, %gather3A_1385, %gather3A_1386] : memref<4x2x32x128xf32, #tpu.memory_space<vmem>> -> memref<1x1x32x128xf32, #tpu.memory_space<vmem>>
      %gather3A_1388 = tpu.memref_squeeze %gather3A_1387 : memref<1x1x32x128xf32, #tpu.memory_space<vmem>> -> memref<32x128xf32, #tpu.memory_space<vmem>>
      %gather3A_1389 = tpu.vector_load_idx %gather3A_1388[%iota3A, %broadcast_in_dim3A_1368] : memref<32x128xf32, #tpu.memory_space<vmem>>[vector<16xi32>, vector<16xi32>], vector<16xf32>,
      %gather3A_1390 = arith.constant 1 : i32
      %gather3A_1391 = arith.constant 1 : i32
      %gather3A_1392 = arith.constant 0 : i32
      %gather3A_1393 = arith.constant 0 : i32
      %gather3A_1394 = tpu.memref_slice %arg11[%gather3A_1390, %gather3A_1391, %gather3A_1392, %gather3A_1393] : memref<4x2x32x128xf32, #tpu.memory_space<vmem>> -> memref<1x1x32x128xf32, #tpu.memory_space<vmem>>
      %gather3A_1395 = tpu.memref_squeeze %gather3A_1394 : memref<1x1x32x128xf32, #tpu.memory_space<vmem>> -> memref<32x128xf32, #tpu.memory_space<vmem>>
      %gather3A_1396 = tpu.vector_load_idx %gather3A_1395[%add3A_8, %broadcast_in_dim3A_1368] : memref<32x128xf32, #tpu.memory_space<vmem>>[vector<16xi32>, vector<16xi32>], vector<16xf32>,
      %mul3A_1397 = arith.mulf %gather3A_1375, %gather3A_1389 : vector<16xf32>
      %mul3A_1398 = arith.mulf %mul3A_1397, %get3A_3 : vector<16xf32>
      %mul3A_1399 = arith.mulf %gather3A_1382, %gather3A_1396 : vector<16xf32>
      %mul3A_1400 = arith.mulf %mul3A_1399, %get3A_5 : vector<16xf32>
      %add3A_1401 = arith.addf %mul3A_1398, %mul3A_1400 : vector<16xf32>
      %reduce_sum3A_1402 = arith.constant true
      %reduce_sum3A_1403 = vector.broadcast %reduce_sum3A_1402 : i1 to vector<16xi1>
      %reduce_sum3A_1404 = tpu.scan <sum>, %add3A_1401 masked %reduce_sum3A_1403 : vector<16xf32>, vector<16xi1> -> vector<16xf32>
      %reduce_sum3A_1405 = vector.extract %reduce_sum3A_1404[15] : f32 from vector<16xf32>
      %eq3A_1406 = arith.constant 11 : i32
      %eq3A_1407 = vector.broadcast %eq3A_1406 : i32 to vector<16xi32>
      %eq3A_1408 = arith.cmpi eq, %iota3A, %eq3A_1407 : vector<16xi32>
      %broadcast_in_dim3A_1409 = vector.broadcast %reduce_sum3A_1405 : f32 to vector<16xf32>
      %select_n3A_1410 = arith.select %eq3A_1408, %broadcast_in_dim3A_1409, %select_n3A_1362 : vector<16xi1>, vector<16xf32>
      %lt3A_1411 = arith.constant 31 : i32
      %lt3A_1412 = arith.cmpi slt, %scan3A_240, %lt3A_1411 : i32
      %convert_element_type3A_1413 = arith.extui %lt3A_1412 : i1 to i32
      %cond3A_1414 = arith.constant 0 : i32
      %cond3A_1415 = arith.cmpi ne, %convert_element_type3A_1413, %cond3A_1414 : i32
      scf.if %cond3A_1415 {
        %add3A_1682 = arith.constant 1 : i32
        %add3A_1683 = arith.addi %scan3A_240, %add3A_1682 : i32
        %mul3A_1684 = arith.constant 16 : i32
        %mul3A_1685 = arith.muli %add3A_1683, %mul3A_1684 : i32
        %get3A_1686 = arith.index_cast %mul3A_1685 : i32 to index
        %get3A_1687 = tpu.vector_load %arg8[%get3A_1686] {strides = array<i32>} : memref<512xi32, #tpu.memory_space<vmem>>, vector<16xi32>,
        %get3A_1688 = arith.index_cast %mul3A_1685 : i32 to index
        %get3A_1689 = tpu.vector_load %arg9[%get3A_1688] {strides = array<i32>} : memref<512xi32, #tpu.memory_space<vmem>>, vector<16xi32>,
        %slice3A_1690 = vector.extract_strided_slice %get3A_1687 {offsets = [2], sizes = [1], strides = [1]} : vector<16xi32> to vector<1xi32>
        %squeeze3A_1691 = vector.extract %slice3A_1690[0] : i32 from vector<1xi32>
        %and3A_1692 = arith.constant -128 : i32
        %and3A_1693 = arith.andi %squeeze3A_1691, %and3A_1692 : i32
        %slice3A_1694 = vector.extract_strided_slice %get3A_1689 {offsets = [2], sizes = [1], strides = [1]} : vector<16xi32> to vector<1xi32>
        %squeeze3A_1695 = vector.extract %slice3A_1694[0] : i32 from vector<1xi32>
        %and3A_1696 = arith.constant -128 : i32
        %and3A_1697 = arith.andi %squeeze3A_1695, %and3A_1696 : i32
        %multiple_of3A_1698 = tpu.assume_multiple %and3A_1693, 128 : i32
        %dma_start3A_1699 = arith.constant 1 : i32
        %dma_start3A_1700 = arith.constant 0 : i32
        %dma_start3A_1701 = arith.constant 0 : i32
        %dma_start3A_1702 = arith.constant 0 : i32
        %dma_start3A_1703 = tpu.memref_slice %arg10[%dma_start3A_1699, %dma_start3A_1700, %dma_start3A_1701, %dma_start3A_1702] : memref<4x2x32x128xf32, #tpu.memory_space<vmem>> -> memref<1x1x32x128xf32, #tpu.memory_space<vmem>>
        %dma_start3A_1704 = tpu.memref_squeeze %dma_start3A_1703 : memref<1x1x32x128xf32, #tpu.memory_space<vmem>> -> memref<32x128xf32, #tpu.memory_space<vmem>>
        %dma_start3A_1705 = arith.constant 0 : i32
        %dma_start3A_1706 = tpu.memref_slice %arg4[%dma_start3A_1705, %multiple_of3A_1698] : memref<32x1000000xf32, #tpu.memory_space<hbm>> -> memref<32x128xf32, #tpu.memory_space<hbm>>
        %dma_start3A_1707 = arith.constant 0 : i32
        %dma_start3A_1708 = arith.constant 0 : i32
        %dma_start3A_1709 = tpu.memref_slice %arg10[%dma_start3A_1699, %dma_start3A_1700, %dma_start3A_1707, %dma_start3A_1708] : memref<4x2x32x128xf32, #tpu.memory_space<vmem>> -> memref<1x1x32x128xf32, #tpu.memory_space<vmem>>
        %dma_start3A_1710 = tpu.memref_squeeze %dma_start3A_1709 : memref<1x1x32x128xf32, #tpu.memory_space<vmem>> -> memref<32x128xf32, #tpu.memory_space<vmem>>
        %dma_start3A_1711 = arith.constant 0 : i32
        %dma_start3A_1712 = tpu.memref_slice %arg4[%dma_start3A_1711, %multiple_of3A_1698] : memref<32x1000000xf32, #tpu.memory_space<hbm>> -> memref<32x128xf32, #tpu.memory_space<hbm>>
        tpu.enqueue_dma source(%dma_start3A_1712 : memref<32x128xf32, #tpu.memory_space<hbm>>) target(%dma_start3A_1710 : memref<32x128xf32, #tpu.memory_space<vmem>>) target_semaphore(%arg15 : memref<!tpu.dma_semaphore, #tpu.memory_space<semaphore_mem>>)
        %multiple_of3A_1713 = tpu.assume_multiple %and3A_1697, 128 : i32
        %dma_start3A_1714 = arith.constant 1 : i32
        %dma_start3A_1715 = arith.constant 0 : i32
        %dma_start3A_1716 = arith.constant 0 : i32
        %dma_start3A_1717 = arith.constant 0 : i32
        %dma_start3A_1718 = tpu.memref_slice %arg11[%dma_start3A_1714, %dma_start3A_1715, %dma_start3A_1716, %dma_start3A_1717] : memref<4x2x32x128xf32, #tpu.memory_space<vmem>> -> memref<1x1x32x128xf32, #tpu.memory_space<vmem>>
        %dma_start3A_1719 = tpu.memref_squeeze %dma_start3A_1718 : memref<1x1x32x128xf32, #tpu.memory_space<vmem>> -> memref<32x128xf32, #tpu.memory_space<vmem>>
        %dma_start3A_1720 = arith.constant 0 : i32
        %dma_start3A_1721 = tpu.memref_slice %arg5[%dma_start3A_1720, %multiple_of3A_1713] : memref<32x1000000xf32, #tpu.memory_space<hbm>> -> memref<32x128xf32, #tpu.memory_space<hbm>>
        %dma_start3A_1722 = arith.constant 0 : i32
        %dma_start3A_1723 = arith.constant 0 : i32
        %dma_start3A_1724 = tpu.memref_slice %arg11[%dma_start3A_1714, %dma_start3A_1715, %dma_start3A_1722, %dma_start3A_1723] : memref<4x2x32x128xf32, #tpu.memory_space<vmem>> -> memref<1x1x32x128xf32, #tpu.memory_space<vmem>>
        %dma_start3A_1725 = tpu.memref_squeeze %dma_start3A_1724 : memref<1x1x32x128xf32, #tpu.memory_space<vmem>> -> memref<32x128xf32, #tpu.memory_space<vmem>>
        %dma_start3A_1726 = arith.constant 0 : i32
        %dma_start3A_1727 = tpu.memref_slice %arg5[%dma_start3A_1726, %multiple_of3A_1713] : memref<32x1000000xf32, #tpu.memory_space<hbm>> -> memref<32x128xf32, #tpu.memory_space<hbm>>
        tpu.enqueue_dma source(%dma_start3A_1727 : memref<32x128xf32, #tpu.memory_space<hbm>>) target(%dma_start3A_1725 : memref<32x128xf32, #tpu.memory_space<vmem>>) target_semaphore(%arg19 : memref<!tpu.dma_semaphore, #tpu.memory_space<semaphore_mem>>)
        %slice3A_1728 = vector.extract_strided_slice %get3A_1687 {offsets = [3], sizes = [1], strides = [1]} : vector<16xi32> to vector<1xi32>
        %squeeze3A_1729 = vector.extract %slice3A_1728[0] : i32 from vector<1xi32>
        %and3A_1730 = arith.constant -128 : i32
        %and3A_1731 = arith.andi %squeeze3A_1729, %and3A_1730 : i32
        %slice3A_1732 = vector.extract_strided_slice %get3A_1689 {offsets = [3], sizes = [1], strides = [1]} : vector<16xi32> to vector<1xi32>
        %squeeze3A_1733 = vector.extract %slice3A_1732[0] : i32 from vector<1xi32>
        %and3A_1734 = arith.constant -128 : i32
        %and3A_1735 = arith.andi %squeeze3A_1733, %and3A_1734 : i32
        %multiple_of3A_1736 = tpu.assume_multiple %and3A_1731, 128 : i32
        %dma_start3A_1737 = arith.constant 1 : i32
        %dma_start3A_1738 = arith.constant 1 : i32
        %dma_start3A_1739 = arith.constant 0 : i32
        %dma_start3A_1740 = arith.constant 0 : i32
        %dma_start3A_1741 = tpu.memref_slice %arg10[%dma_start3A_1737, %dma_start3A_1738, %dma_start3A_1739, %dma_start3A_1740] : memref<4x2x32x128xf32, #tpu.memory_space<vmem>> -> memref<1x1x32x128xf32, #tpu.memory_space<vmem>>
        %dma_start3A_1742 = tpu.memref_squeeze %dma_start3A_1741 : memref<1x1x32x128xf32, #tpu.memory_space<vmem>> -> memref<32x128xf32, #tpu.memory_space<vmem>>
        %dma_start3A_1743 = arith.constant 0 : i32
        %dma_start3A_1744 = tpu.memref_slice %arg4[%dma_start3A_1743, %multiple_of3A_1736] : memref<32x1000000xf32, #tpu.memory_space<hbm>> -> memref<32x128xf32, #tpu.memory_space<hbm>>
        %dma_start3A_1745 = arith.constant 0 : i32
        %dma_start3A_1746 = arith.constant 0 : i32
        %dma_start3A_1747 = tpu.memref_slice %arg10[%dma_start3A_1737, %dma_start3A_1738, %dma_start3A_1745, %dma_start3A_1746] : memref<4x2x32x128xf32, #tpu.memory_space<vmem>> -> memref<1x1x32x128xf32, #tpu.memory_space<vmem>>
        %dma_start3A_1748 = tpu.memref_squeeze %dma_start3A_1747 : memref<1x1x32x128xf32, #tpu.memory_space<vmem>> -> memref<32x128xf32, #tpu.memory_space<vmem>>
        %dma_start3A_1749 = arith.constant 0 : i32
        %dma_start3A_1750 = tpu.memref_slice %arg4[%dma_start3A_1749, %multiple_of3A_1736] : memref<32x1000000xf32, #tpu.memory_space<hbm>> -> memref<32x128xf32, #tpu.memory_space<hbm>>
        tpu.enqueue_dma source(%dma_start3A_1750 : memref<32x128xf32, #tpu.memory_space<hbm>>) target(%dma_start3A_1748 : memref<32x128xf32, #tpu.memory_space<vmem>>) target_semaphore(%arg15 : memref<!tpu.dma_semaphore, #tpu.memory_space<semaphore_mem>>)
        %multiple_of3A_1751 = tpu.assume_multiple %and3A_1735, 128 : i32
        %dma_start3A_1752 = arith.constant 1 : i32
        %dma_start3A_1753 = arith.constant 1 : i32
        %dma_start3A_1754 = arith.constant 0 : i32
        %dma_start3A_1755 = arith.constant 0 : i32
        %dma_start3A_1756 = tpu.memref_slice %arg11[%dma_start3A_1752, %dma_start3A_1753, %dma_start3A_1754, %dma_start3A_1755] : memref<4x2x32x128xf32, #tpu.memory_space<vmem>> -> memref<1x1x32x128xf32, #tpu.memory_space<vmem>>
        %dma_start3A_1757 = tpu.memref_squeeze %dma_start3A_1756 : memref<1x1x32x128xf32, #tpu.memory_space<vmem>> -> memref<32x128xf32, #tpu.memory_space<vmem>>
        %dma_start3A_1758 = arith.constant 0 : i32
        %dma_start3A_1759 = tpu.memref_slice %arg5[%dma_start3A_1758, %multiple_of3A_1751] : memref<32x1000000xf32, #tpu.memory_space<hbm>> -> memref<32x128xf32, #tpu.memory_space<hbm>>
        %dma_start3A_1760 = arith.constant 0 : i32
        %dma_start3A_1761 = arith.constant 0 : i32
        %dma_start3A_1762 = tpu.memref_slice %arg11[%dma_start3A_1752, %dma_start3A_1753, %dma_start3A_1760, %dma_start3A_1761] : memref<4x2x32x128xf32, #tpu.memory_space<vmem>> -> memref<1x1x32x128xf32, #tpu.memory_space<vmem>>
        %dma_start3A_1763 = tpu.memref_squeeze %dma_start3A_1762 : memref<1x1x32x128xf32, #tpu.memory_space<vmem>> -> memref<32x128xf32, #tpu.memory_space<vmem>>
        %dma_start3A_1764 = arith.constant 0 : i32
        %dma_start3A_1765 = tpu.memref_slice %arg5[%dma_start3A_1764, %multiple_of3A_1751] : memref<32x1000000xf32, #tpu.memory_space<hbm>> -> memref<32x128xf32, #tpu.memory_space<hbm>>
        tpu.enqueue_dma source(%dma_start3A_1765 : memref<32x128xf32, #tpu.memory_space<hbm>>) target(%dma_start3A_1763 : memref<32x128xf32, #tpu.memory_space<vmem>>) target_semaphore(%arg19 : memref<!tpu.dma_semaphore, #tpu.memory_space<semaphore_mem>>)
      } else {
      }
      %dma_wait3A_1416 = arith.constant 2 : i32
      %dma_wait3A_1417 = arith.constant 0 : i32
      %dma_wait3A_1418 = arith.constant 0 : i32
      %dma_wait3A_1419 = arith.constant 0 : i32
      %dma_wait3A_1420 = tpu.memref_slice %arg10[%dma_wait3A_1416, %dma_wait3A_1417, %dma_wait3A_1418, %dma_wait3A_1419] : memref<4x2x32x128xf32, #tpu.memory_space<vmem>> -> memref<1x2x32x128xf32, #tpu.memory_space<vmem>>
      %dma_wait3A_1421 = tpu.memref_squeeze %dma_wait3A_1420 : memref<1x2x32x128xf32, #tpu.memory_space<vmem>> -> memref<2x32x128xf32, #tpu.memory_space<vmem>>
      %dma_wait3A_1422 = arith.constant 0 : i32
      %dma_wait3A_1423 = arith.constant 0 : i32
      %dma_wait3A_1424 = tpu.memref_slice %arg4[%dma_wait3A_1422, %dma_wait3A_1423] : memref<32x1000000xf32, #tpu.memory_space<hbm>> -> memref<32x256xf32, #tpu.memory_space<hbm>>
      %dma_wait3A_1425 = arith.constant 0 : i32
      %dma_wait3A_1426 = arith.constant 0 : i32
      %dma_wait3A_1427 = arith.constant 0 : i32
      %dma_wait3A_1428 = tpu.memref_slice %arg10[%dma_wait3A_1416, %dma_wait3A_1425, %dma_wait3A_1426, %dma_wait3A_1427] : memref<4x2x32x128xf32, #tpu.memory_space<vmem>> -> memref<1x2x32x128xf32, #tpu.memory_space<vmem>>
      %dma_wait3A_1429 = tpu.memref_squeeze %dma_wait3A_1428 : memref<1x2x32x128xf32, #tpu.memory_space<vmem>> -> memref<2x32x128xf32, #tpu.memory_space<vmem>>
      %dma_wait3A_1430 = arith.constant 0 : i32
      %dma_wait3A_1431 = arith.constant 0 : i32
      %dma_wait3A_1432 = tpu.memref_slice %arg4[%dma_wait3A_1430, %dma_wait3A_1431] : memref<32x1000000xf32, #tpu.memory_space<hbm>> -> memref<32x256xf32, #tpu.memory_space<hbm>>
      tpu.wait_dma2 semaphore(%arg16 : memref<!tpu.dma_semaphore, #tpu.memory_space<semaphore_mem>>) src(%dma_wait3A_1432 : memref<32x256xf32, #tpu.memory_space<hbm>>) dst(%dma_wait3A_1429 : memref<2x32x128xf32, #tpu.memory_space<vmem>>)
      %dma_wait3A_1433 = arith.constant 2 : i32
      %dma_wait3A_1434 = arith.constant 0 : i32
      %dma_wait3A_1435 = arith.constant 0 : i32
      %dma_wait3A_1436 = arith.constant 0 : i32
      %dma_wait3A_1437 = tpu.memref_slice %arg11[%dma_wait3A_1433, %dma_wait3A_1434, %dma_wait3A_1435, %dma_wait3A_1436] : memref<4x2x32x128xf32, #tpu.memory_space<vmem>> -> memref<1x2x32x128xf32, #tpu.memory_space<vmem>>
      %dma_wait3A_1438 = tpu.memref_squeeze %dma_wait3A_1437 : memref<1x2x32x128xf32, #tpu.memory_space<vmem>> -> memref<2x32x128xf32, #tpu.memory_space<vmem>>
      %dma_wait3A_1439 = arith.constant 0 : i32
      %dma_wait3A_1440 = arith.constant 0 : i32
      %dma_wait3A_1441 = tpu.memref_slice %arg5[%dma_wait3A_1439, %dma_wait3A_1440] : memref<32x1000000xf32, #tpu.memory_space<hbm>> -> memref<32x256xf32, #tpu.memory_space<hbm>>
      %dma_wait3A_1442 = arith.constant 0 : i32
      %dma_wait3A_1443 = arith.constant 0 : i32
      %dma_wait3A_1444 = arith.constant 0 : i32
      %dma_wait3A_1445 = tpu.memref_slice %arg11[%dma_wait3A_1433, %dma_wait3A_1442, %dma_wait3A_1443, %dma_wait3A_1444] : memref<4x2x32x128xf32, #tpu.memory_space<vmem>> -> memref<1x2x32x128xf32, #tpu.memory_space<vmem>>
      %dma_wait3A_1446 = tpu.memref_squeeze %dma_wait3A_1445 : memref<1x2x32x128xf32, #tpu.memory_space<vmem>> -> memref<2x32x128xf32, #tpu.memory_space<vmem>>
      %dma_wait3A_1447 = arith.constant 0 : i32
      %dma_wait3A_1448 = arith.constant 0 : i32
      %dma_wait3A_1449 = tpu.memref_slice %arg5[%dma_wait3A_1447, %dma_wait3A_1448] : memref<32x1000000xf32, #tpu.memory_space<hbm>> -> memref<32x256xf32, #tpu.memory_space<hbm>>
      tpu.wait_dma2 semaphore(%arg20 : memref<!tpu.dma_semaphore, #tpu.memory_space<semaphore_mem>>) src(%dma_wait3A_1449 : memref<32x256xf32, #tpu.memory_space<hbm>>) dst(%dma_wait3A_1446 : memref<2x32x128xf32, #tpu.memory_space<vmem>>)
      %slice3A_1450 = vector.extract_strided_slice %and3A_249 {offsets = [12], sizes = [1], strides = [1]} : vector<16xi32> to vector<1xi32>
      %squeeze3A_1451 = vector.extract %slice3A_1450[0] : i32 from vector<1xi32>
      %broadcast_in_dim3A_1452 = vector.broadcast %squeeze3A_1451 : i32 to vector<16xi32>
      %slice3A_1453 = vector.extract_strided_slice %and3A_252 {offsets = [12], sizes = [1], strides = [1]} : vector<16xi32> to vector<1xi32>
      %squeeze3A_1454 = vector.extract %slice3A_1453[0] : i32 from vector<1xi32>
      %broadcast_in_dim3A_1455 = vector.broadcast %squeeze3A_1454 : i32 to vector<16xi32>
      %gather3A_1456 = arith.constant 2 : i32
      %gather3A_1457 = arith.constant 0 : i32
      %gather3A_1458 = arith.constant 0 : i32
      %gather3A_1459 = arith.constant 0 : i32
      %gather3A_1460 = tpu.memref_slice %arg10[%gather3A_1456, %gather3A_1457, %gather3A_1458, %gather3A_1459] : memref<4x2x32x128xf32, #tpu.memory_space<vmem>> -> memref<1x1x32x128xf32, #tpu.memory_space<vmem>>
      %gather3A_1461 = tpu.memref_squeeze %gather3A_1460 : memref<1x1x32x128xf32, #tpu.memory_space<vmem>> -> memref<32x128xf32, #tpu.memory_space<vmem>>
      %gather3A_1462 = tpu.vector_load_idx %gather3A_1461[%iota3A, %broadcast_in_dim3A_1452] : memref<32x128xf32, #tpu.memory_space<vmem>>[vector<16xi32>, vector<16xi32>], vector<16xf32>,
      %gather3A_1463 = arith.constant 2 : i32
      %gather3A_1464 = arith.constant 0 : i32
      %gather3A_1465 = arith.constant 0 : i32
      %gather3A_1466 = arith.constant 0 : i32
      %gather3A_1467 = tpu.memref_slice %arg10[%gather3A_1463, %gather3A_1464, %gather3A_1465, %gather3A_1466] : memref<4x2x32x128xf32, #tpu.memory_space<vmem>> -> memref<1x1x32x128xf32, #tpu.memory_space<vmem>>
      %gather3A_1468 = tpu.memref_squeeze %gather3A_1467 : memref<1x1x32x128xf32, #tpu.memory_space<vmem>> -> memref<32x128xf32, #tpu.memory_space<vmem>>
      %gather3A_1469 = tpu.vector_load_idx %gather3A_1468[%add3A_8, %broadcast_in_dim3A_1452] : memref<32x128xf32, #tpu.memory_space<vmem>>[vector<16xi32>, vector<16xi32>], vector<16xf32>,
      %gather3A_1470 = arith.constant 2 : i32
      %gather3A_1471 = arith.constant 0 : i32
      %gather3A_1472 = arith.constant 0 : i32
      %gather3A_1473 = arith.constant 0 : i32
      %gather3A_1474 = tpu.memref_slice %arg11[%gather3A_1470, %gather3A_1471, %gather3A_1472, %gather3A_1473] : memref<4x2x32x128xf32, #tpu.memory_space<vmem>> -> memref<1x1x32x128xf32, #tpu.memory_space<vmem>>
      %gather3A_1475 = tpu.memref_squeeze %gather3A_1474 : memref<1x1x32x128xf32, #tpu.memory_space<vmem>> -> memref<32x128xf32, #tpu.memory_space<vmem>>
      %gather3A_1476 = tpu.vector_load_idx %gather3A_1475[%iota3A, %broadcast_in_dim3A_1455] : memref<32x128xf32, #tpu.memory_space<vmem>>[vector<16xi32>, vector<16xi32>], vector<16xf32>,
      %gather3A_1477 = arith.constant 2 : i32
      %gather3A_1478 = arith.constant 0 : i32
      %gather3A_1479 = arith.constant 0 : i32
      %gather3A_1480 = arith.constant 0 : i32
      %gather3A_1481 = tpu.memref_slice %arg11[%gather3A_1477, %gather3A_1478, %gather3A_1479, %gather3A_1480] : memref<4x2x32x128xf32, #tpu.memory_space<vmem>> -> memref<1x1x32x128xf32, #tpu.memory_space<vmem>>
      %gather3A_1482 = tpu.memref_squeeze %gather3A_1481 : memref<1x1x32x128xf32, #tpu.memory_space<vmem>> -> memref<32x128xf32, #tpu.memory_space<vmem>>
      %gather3A_1483 = tpu.vector_load_idx %gather3A_1482[%add3A_8, %broadcast_in_dim3A_1455] : memref<32x128xf32, #tpu.memory_space<vmem>>[vector<16xi32>, vector<16xi32>], vector<16xf32>,
      %mul3A_1484 = arith.mulf %gather3A_1462, %gather3A_1476 : vector<16xf32>
      %mul3A_1485 = arith.mulf %mul3A_1484, %get3A_3 : vector<16xf32>
      %mul3A_1486 = arith.mulf %gather3A_1469, %gather3A_1483 : vector<16xf32>
      %mul3A_1487 = arith.mulf %mul3A_1486, %get3A_5 : vector<16xf32>
      %add3A_1488 = arith.addf %mul3A_1485, %mul3A_1487 : vector<16xf32>
      %reduce_sum3A_1489 = arith.constant true
      %reduce_sum3A_1490 = vector.broadcast %reduce_sum3A_1489 : i1 to vector<16xi1>
      %reduce_sum3A_1491 = tpu.scan <sum>, %add3A_1488 masked %reduce_sum3A_1490 : vector<16xf32>, vector<16xi1> -> vector<16xf32>
      %reduce_sum3A_1492 = vector.extract %reduce_sum3A_1491[15] : f32 from vector<16xf32>
      %eq3A_1493 = arith.constant 12 : i32
      %eq3A_1494 = vector.broadcast %eq3A_1493 : i32 to vector<16xi32>
      %eq3A_1495 = arith.cmpi eq, %iota3A, %eq3A_1494 : vector<16xi32>
      %broadcast_in_dim3A_1496 = vector.broadcast %reduce_sum3A_1492 : f32 to vector<16xf32>
      %select_n3A_1497 = arith.select %eq3A_1495, %broadcast_in_dim3A_1496, %select_n3A_1410 : vector<16xi1>, vector<16xf32>
      %slice3A_1498 = vector.extract_strided_slice %and3A_249 {offsets = [13], sizes = [1], strides = [1]} : vector<16xi32> to vector<1xi32>
      %squeeze3A_1499 = vector.extract %slice3A_1498[0] : i32 from vector<1xi32>
      %broadcast_in_dim3A_1500 = vector.broadcast %squeeze3A_1499 : i32 to vector<16xi32>
      %slice3A_1501 = vector.extract_strided_slice %and3A_252 {offsets = [13], sizes = [1], strides = [1]} : vector<16xi32> to vector<1xi32>
      %squeeze3A_1502 = vector.extract %slice3A_1501[0] : i32 from vector<1xi32>
      %broadcast_in_dim3A_1503 = vector.broadcast %squeeze3A_1502 : i32 to vector<16xi32>
      %gather3A_1504 = arith.constant 2 : i32
      %gather3A_1505 = arith.constant 1 : i32
      %gather3A_1506 = arith.constant 0 : i32
      %gather3A_1507 = arith.constant 0 : i32
      %gather3A_1508 = tpu.memref_slice %arg10[%gather3A_1504, %gather3A_1505, %gather3A_1506, %gather3A_1507] : memref<4x2x32x128xf32, #tpu.memory_space<vmem>> -> memref<1x1x32x128xf32, #tpu.memory_space<vmem>>
      %gather3A_1509 = tpu.memref_squeeze %gather3A_1508 : memref<1x1x32x128xf32, #tpu.memory_space<vmem>> -> memref<32x128xf32, #tpu.memory_space<vmem>>
      %gather3A_1510 = tpu.vector_load_idx %gather3A_1509[%iota3A, %broadcast_in_dim3A_1500] : memref<32x128xf32, #tpu.memory_space<vmem>>[vector<16xi32>, vector<16xi32>], vector<16xf32>,
      %gather3A_1511 = arith.constant 2 : i32
      %gather3A_1512 = arith.constant 1 : i32
      %gather3A_1513 = arith.constant 0 : i32
      %gather3A_1514 = arith.constant 0 : i32
      %gather3A_1515 = tpu.memref_slice %arg10[%gather3A_1511, %gather3A_1512, %gather3A_1513, %gather3A_1514] : memref<4x2x32x128xf32, #tpu.memory_space<vmem>> -> memref<1x1x32x128xf32, #tpu.memory_space<vmem>>
      %gather3A_1516 = tpu.memref_squeeze %gather3A_1515 : memref<1x1x32x128xf32, #tpu.memory_space<vmem>> -> memref<32x128xf32, #tpu.memory_space<vmem>>
      %gather3A_1517 = tpu.vector_load_idx %gather3A_1516[%add3A_8, %broadcast_in_dim3A_1500] : memref<32x128xf32, #tpu.memory_space<vmem>>[vector<16xi32>, vector<16xi32>], vector<16xf32>,
      %gather3A_1518 = arith.constant 2 : i32
      %gather3A_1519 = arith.constant 1 : i32
      %gather3A_1520 = arith.constant 0 : i32
      %gather3A_1521 = arith.constant 0 : i32
      %gather3A_1522 = tpu.memref_slice %arg11[%gather3A_1518, %gather3A_1519, %gather3A_1520, %gather3A_1521] : memref<4x2x32x128xf32, #tpu.memory_space<vmem>> -> memref<1x1x32x128xf32, #tpu.memory_space<vmem>>
      %gather3A_1523 = tpu.memref_squeeze %gather3A_1522 : memref<1x1x32x128xf32, #tpu.memory_space<vmem>> -> memref<32x128xf32, #tpu.memory_space<vmem>>
      %gather3A_1524 = tpu.vector_load_idx %gather3A_1523[%iota3A, %broadcast_in_dim3A_1503] : memref<32x128xf32, #tpu.memory_space<vmem>>[vector<16xi32>, vector<16xi32>], vector<16xf32>,
      %gather3A_1525 = arith.constant 2 : i32
      %gather3A_1526 = arith.constant 1 : i32
      %gather3A_1527 = arith.constant 0 : i32
      %gather3A_1528 = arith.constant 0 : i32
      %gather3A_1529 = tpu.memref_slice %arg11[%gather3A_1525, %gather3A_1526, %gather3A_1527, %gather3A_1528] : memref<4x2x32x128xf32, #tpu.memory_space<vmem>> -> memref<1x1x32x128xf32, #tpu.memory_space<vmem>>
      %gather3A_1530 = tpu.memref_squeeze %gather3A_1529 : memref<1x1x32x128xf32, #tpu.memory_space<vmem>> -> memref<32x128xf32, #tpu.memory_space<vmem>>
      %gather3A_1531 = tpu.vector_load_idx %gather3A_1530[%add3A_8, %broadcast_in_dim3A_1503] : memref<32x128xf32, #tpu.memory_space<vmem>>[vector<16xi32>, vector<16xi32>], vector<16xf32>,
      %mul3A_1532 = arith.mulf %gather3A_1510, %gather3A_1524 : vector<16xf32>
      %mul3A_1533 = arith.mulf %mul3A_1532, %get3A_3 : vector<16xf32>
      %mul3A_1534 = arith.mulf %gather3A_1517, %gather3A_1531 : vector<16xf32>
      %mul3A_1535 = arith.mulf %mul3A_1534, %get3A_5 : vector<16xf32>
      %add3A_1536 = arith.addf %mul3A_1533, %mul3A_1535 : vector<16xf32>
      %reduce_sum3A_1537 = arith.constant true
      %reduce_sum3A_1538 = vector.broadcast %reduce_sum3A_1537 : i1 to vector<16xi1>
      %reduce_sum3A_1539 = tpu.scan <sum>, %add3A_1536 masked %reduce_sum3A_1538 : vector<16xf32>, vector<16xi1> -> vector<16xf32>
      %reduce_sum3A_1540 = vector.extract %reduce_sum3A_1539[15] : f32 from vector<16xf32>
      %eq3A_1541 = arith.constant 13 : i32
      %eq3A_1542 = vector.broadcast %eq3A_1541 : i32 to vector<16xi32>
      %eq3A_1543 = arith.cmpi eq, %iota3A, %eq3A_1542 : vector<16xi32>
      %broadcast_in_dim3A_1544 = vector.broadcast %reduce_sum3A_1540 : f32 to vector<16xf32>
      %select_n3A_1545 = arith.select %eq3A_1543, %broadcast_in_dim3A_1544, %select_n3A_1497 : vector<16xi1>, vector<16xf32>
      %lt3A_1546 = arith.constant 31 : i32
      %lt3A_1547 = arith.cmpi slt, %scan3A_240, %lt3A_1546 : i32
      %convert_element_type3A_1548 = arith.extui %lt3A_1547 : i1 to i32
      %cond3A_1549 = arith.constant 0 : i32
      %cond3A_1550 = arith.cmpi ne, %convert_element_type3A_1548, %cond3A_1549 : i32
      scf.if %cond3A_1550 {
        %add3A_1682 = arith.constant 1 : i32
        %add3A_1683 = arith.addi %scan3A_240, %add3A_1682 : i32
        %mul3A_1684 = arith.constant 16 : i32
        %mul3A_1685 = arith.muli %add3A_1683, %mul3A_1684 : i32
        %get3A_1686 = arith.index_cast %mul3A_1685 : i32 to index
        %get3A_1687 = tpu.vector_load %arg8[%get3A_1686] {strides = array<i32>} : memref<512xi32, #tpu.memory_space<vmem>>, vector<16xi32>,
        %get3A_1688 = arith.index_cast %mul3A_1685 : i32 to index
        %get3A_1689 = tpu.vector_load %arg9[%get3A_1688] {strides = array<i32>} : memref<512xi32, #tpu.memory_space<vmem>>, vector<16xi32>,
        %slice3A_1690 = vector.extract_strided_slice %get3A_1687 {offsets = [4], sizes = [1], strides = [1]} : vector<16xi32> to vector<1xi32>
        %squeeze3A_1691 = vector.extract %slice3A_1690[0] : i32 from vector<1xi32>
        %and3A_1692 = arith.constant -128 : i32
        %and3A_1693 = arith.andi %squeeze3A_1691, %and3A_1692 : i32
        %slice3A_1694 = vector.extract_strided_slice %get3A_1689 {offsets = [4], sizes = [1], strides = [1]} : vector<16xi32> to vector<1xi32>
        %squeeze3A_1695 = vector.extract %slice3A_1694[0] : i32 from vector<1xi32>
        %and3A_1696 = arith.constant -128 : i32
        %and3A_1697 = arith.andi %squeeze3A_1695, %and3A_1696 : i32
        %multiple_of3A_1698 = tpu.assume_multiple %and3A_1693, 128 : i32
        %dma_start3A_1699 = arith.constant 2 : i32
        %dma_start3A_1700 = arith.constant 0 : i32
        %dma_start3A_1701 = arith.constant 0 : i32
        %dma_start3A_1702 = arith.constant 0 : i32
        %dma_start3A_1703 = tpu.memref_slice %arg10[%dma_start3A_1699, %dma_start3A_1700, %dma_start3A_1701, %dma_start3A_1702] : memref<4x2x32x128xf32, #tpu.memory_space<vmem>> -> memref<1x1x32x128xf32, #tpu.memory_space<vmem>>
        %dma_start3A_1704 = tpu.memref_squeeze %dma_start3A_1703 : memref<1x1x32x128xf32, #tpu.memory_space<vmem>> -> memref<32x128xf32, #tpu.memory_space<vmem>>
        %dma_start3A_1705 = arith.constant 0 : i32
        %dma_start3A_1706 = tpu.memref_slice %arg4[%dma_start3A_1705, %multiple_of3A_1698] : memref<32x1000000xf32, #tpu.memory_space<hbm>> -> memref<32x128xf32, #tpu.memory_space<hbm>>
        %dma_start3A_1707 = arith.constant 0 : i32
        %dma_start3A_1708 = arith.constant 0 : i32
        %dma_start3A_1709 = tpu.memref_slice %arg10[%dma_start3A_1699, %dma_start3A_1700, %dma_start3A_1707, %dma_start3A_1708] : memref<4x2x32x128xf32, #tpu.memory_space<vmem>> -> memref<1x1x32x128xf32, #tpu.memory_space<vmem>>
        %dma_start3A_1710 = tpu.memref_squeeze %dma_start3A_1709 : memref<1x1x32x128xf32, #tpu.memory_space<vmem>> -> memref<32x128xf32, #tpu.memory_space<vmem>>
        %dma_start3A_1711 = arith.constant 0 : i32
        %dma_start3A_1712 = tpu.memref_slice %arg4[%dma_start3A_1711, %multiple_of3A_1698] : memref<32x1000000xf32, #tpu.memory_space<hbm>> -> memref<32x128xf32, #tpu.memory_space<hbm>>
        tpu.enqueue_dma source(%dma_start3A_1712 : memref<32x128xf32, #tpu.memory_space<hbm>>) target(%dma_start3A_1710 : memref<32x128xf32, #tpu.memory_space<vmem>>) target_semaphore(%arg16 : memref<!tpu.dma_semaphore, #tpu.memory_space<semaphore_mem>>)
        %multiple_of3A_1713 = tpu.assume_multiple %and3A_1697, 128 : i32
        %dma_start3A_1714 = arith.constant 2 : i32
        %dma_start3A_1715 = arith.constant 0 : i32
        %dma_start3A_1716 = arith.constant 0 : i32
        %dma_start3A_1717 = arith.constant 0 : i32
        %dma_start3A_1718 = tpu.memref_slice %arg11[%dma_start3A_1714, %dma_start3A_1715, %dma_start3A_1716, %dma_start3A_1717] : memref<4x2x32x128xf32, #tpu.memory_space<vmem>> -> memref<1x1x32x128xf32, #tpu.memory_space<vmem>>
        %dma_start3A_1719 = tpu.memref_squeeze %dma_start3A_1718 : memref<1x1x32x128xf32, #tpu.memory_space<vmem>> -> memref<32x128xf32, #tpu.memory_space<vmem>>
        %dma_start3A_1720 = arith.constant 0 : i32
        %dma_start3A_1721 = tpu.memref_slice %arg5[%dma_start3A_1720, %multiple_of3A_1713] : memref<32x1000000xf32, #tpu.memory_space<hbm>> -> memref<32x128xf32, #tpu.memory_space<hbm>>
        %dma_start3A_1722 = arith.constant 0 : i32
        %dma_start3A_1723 = arith.constant 0 : i32
        %dma_start3A_1724 = tpu.memref_slice %arg11[%dma_start3A_1714, %dma_start3A_1715, %dma_start3A_1722, %dma_start3A_1723] : memref<4x2x32x128xf32, #tpu.memory_space<vmem>> -> memref<1x1x32x128xf32, #tpu.memory_space<vmem>>
        %dma_start3A_1725 = tpu.memref_squeeze %dma_start3A_1724 : memref<1x1x32x128xf32, #tpu.memory_space<vmem>> -> memref<32x128xf32, #tpu.memory_space<vmem>>
        %dma_start3A_1726 = arith.constant 0 : i32
        %dma_start3A_1727 = tpu.memref_slice %arg5[%dma_start3A_1726, %multiple_of3A_1713] : memref<32x1000000xf32, #tpu.memory_space<hbm>> -> memref<32x128xf32, #tpu.memory_space<hbm>>
        tpu.enqueue_dma source(%dma_start3A_1727 : memref<32x128xf32, #tpu.memory_space<hbm>>) target(%dma_start3A_1725 : memref<32x128xf32, #tpu.memory_space<vmem>>) target_semaphore(%arg20 : memref<!tpu.dma_semaphore, #tpu.memory_space<semaphore_mem>>)
        %slice3A_1728 = vector.extract_strided_slice %get3A_1687 {offsets = [5], sizes = [1], strides = [1]} : vector<16xi32> to vector<1xi32>
        %squeeze3A_1729 = vector.extract %slice3A_1728[0] : i32 from vector<1xi32>
        %and3A_1730 = arith.constant -128 : i32
        %and3A_1731 = arith.andi %squeeze3A_1729, %and3A_1730 : i32
        %slice3A_1732 = vector.extract_strided_slice %get3A_1689 {offsets = [5], sizes = [1], strides = [1]} : vector<16xi32> to vector<1xi32>
        %squeeze3A_1733 = vector.extract %slice3A_1732[0] : i32 from vector<1xi32>
        %and3A_1734 = arith.constant -128 : i32
        %and3A_1735 = arith.andi %squeeze3A_1733, %and3A_1734 : i32
        %multiple_of3A_1736 = tpu.assume_multiple %and3A_1731, 128 : i32
        %dma_start3A_1737 = arith.constant 2 : i32
        %dma_start3A_1738 = arith.constant 1 : i32
        %dma_start3A_1739 = arith.constant 0 : i32
        %dma_start3A_1740 = arith.constant 0 : i32
        %dma_start3A_1741 = tpu.memref_slice %arg10[%dma_start3A_1737, %dma_start3A_1738, %dma_start3A_1739, %dma_start3A_1740] : memref<4x2x32x128xf32, #tpu.memory_space<vmem>> -> memref<1x1x32x128xf32, #tpu.memory_space<vmem>>
        %dma_start3A_1742 = tpu.memref_squeeze %dma_start3A_1741 : memref<1x1x32x128xf32, #tpu.memory_space<vmem>> -> memref<32x128xf32, #tpu.memory_space<vmem>>
        %dma_start3A_1743 = arith.constant 0 : i32
        %dma_start3A_1744 = tpu.memref_slice %arg4[%dma_start3A_1743, %multiple_of3A_1736] : memref<32x1000000xf32, #tpu.memory_space<hbm>> -> memref<32x128xf32, #tpu.memory_space<hbm>>
        %dma_start3A_1745 = arith.constant 0 : i32
        %dma_start3A_1746 = arith.constant 0 : i32
        %dma_start3A_1747 = tpu.memref_slice %arg10[%dma_start3A_1737, %dma_start3A_1738, %dma_start3A_1745, %dma_start3A_1746] : memref<4x2x32x128xf32, #tpu.memory_space<vmem>> -> memref<1x1x32x128xf32, #tpu.memory_space<vmem>>
        %dma_start3A_1748 = tpu.memref_squeeze %dma_start3A_1747 : memref<1x1x32x128xf32, #tpu.memory_space<vmem>> -> memref<32x128xf32, #tpu.memory_space<vmem>>
        %dma_start3A_1749 = arith.constant 0 : i32
        %dma_start3A_1750 = tpu.memref_slice %arg4[%dma_start3A_1749, %multiple_of3A_1736] : memref<32x1000000xf32, #tpu.memory_space<hbm>> -> memref<32x128xf32, #tpu.memory_space<hbm>>
        tpu.enqueue_dma source(%dma_start3A_1750 : memref<32x128xf32, #tpu.memory_space<hbm>>) target(%dma_start3A_1748 : memref<32x128xf32, #tpu.memory_space<vmem>>) target_semaphore(%arg16 : memref<!tpu.dma_semaphore, #tpu.memory_space<semaphore_mem>>)
        %multiple_of3A_1751 = tpu.assume_multiple %and3A_1735, 128 : i32
        %dma_start3A_1752 = arith.constant 2 : i32
        %dma_start3A_1753 = arith.constant 1 : i32
        %dma_start3A_1754 = arith.constant 0 : i32
        %dma_start3A_1755 = arith.constant 0 : i32
        %dma_start3A_1756 = tpu.memref_slice %arg11[%dma_start3A_1752, %dma_start3A_1753, %dma_start3A_1754, %dma_start3A_1755] : memref<4x2x32x128xf32, #tpu.memory_space<vmem>> -> memref<1x1x32x128xf32, #tpu.memory_space<vmem>>
        %dma_start3A_1757 = tpu.memref_squeeze %dma_start3A_1756 : memref<1x1x32x128xf32, #tpu.memory_space<vmem>> -> memref<32x128xf32, #tpu.memory_space<vmem>>
        %dma_start3A_1758 = arith.constant 0 : i32
        %dma_start3A_1759 = tpu.memref_slice %arg5[%dma_start3A_1758, %multiple_of3A_1751] : memref<32x1000000xf32, #tpu.memory_space<hbm>> -> memref<32x128xf32, #tpu.memory_space<hbm>>
        %dma_start3A_1760 = arith.constant 0 : i32
        %dma_start3A_1761 = arith.constant 0 : i32
        %dma_start3A_1762 = tpu.memref_slice %arg11[%dma_start3A_1752, %dma_start3A_1753, %dma_start3A_1760, %dma_start3A_1761] : memref<4x2x32x128xf32, #tpu.memory_space<vmem>> -> memref<1x1x32x128xf32, #tpu.memory_space<vmem>>
        %dma_start3A_1763 = tpu.memref_squeeze %dma_start3A_1762 : memref<1x1x32x128xf32, #tpu.memory_space<vmem>> -> memref<32x128xf32, #tpu.memory_space<vmem>>
        %dma_start3A_1764 = arith.constant 0 : i32
        %dma_start3A_1765 = tpu.memref_slice %arg5[%dma_start3A_1764, %multiple_of3A_1751] : memref<32x1000000xf32, #tpu.memory_space<hbm>> -> memref<32x128xf32, #tpu.memory_space<hbm>>
        tpu.enqueue_dma source(%dma_start3A_1765 : memref<32x128xf32, #tpu.memory_space<hbm>>) target(%dma_start3A_1763 : memref<32x128xf32, #tpu.memory_space<vmem>>) target_semaphore(%arg20 : memref<!tpu.dma_semaphore, #tpu.memory_space<semaphore_mem>>)
      } else {
      }
      %dma_wait3A_1551 = arith.constant 3 : i32
      %dma_wait3A_1552 = arith.constant 0 : i32
      %dma_wait3A_1553 = arith.constant 0 : i32
      %dma_wait3A_1554 = arith.constant 0 : i32
      %dma_wait3A_1555 = tpu.memref_slice %arg10[%dma_wait3A_1551, %dma_wait3A_1552, %dma_wait3A_1553, %dma_wait3A_1554] : memref<4x2x32x128xf32, #tpu.memory_space<vmem>> -> memref<1x2x32x128xf32, #tpu.memory_space<vmem>>
      %dma_wait3A_1556 = tpu.memref_squeeze %dma_wait3A_1555 : memref<1x2x32x128xf32, #tpu.memory_space<vmem>> -> memref<2x32x128xf32, #tpu.memory_space<vmem>>
      %dma_wait3A_1557 = arith.constant 0 : i32
      %dma_wait3A_1558 = arith.constant 0 : i32
      %dma_wait3A_1559 = tpu.memref_slice %arg4[%dma_wait3A_1557, %dma_wait3A_1558] : memref<32x1000000xf32, #tpu.memory_space<hbm>> -> memref<32x256xf32, #tpu.memory_space<hbm>>
      %dma_wait3A_1560 = arith.constant 0 : i32
      %dma_wait3A_1561 = arith.constant 0 : i32
      %dma_wait3A_1562 = arith.constant 0 : i32
      %dma_wait3A_1563 = tpu.memref_slice %arg10[%dma_wait3A_1551, %dma_wait3A_1560, %dma_wait3A_1561, %dma_wait3A_1562] : memref<4x2x32x128xf32, #tpu.memory_space<vmem>> -> memref<1x2x32x128xf32, #tpu.memory_space<vmem>>
      %dma_wait3A_1564 = tpu.memref_squeeze %dma_wait3A_1563 : memref<1x2x32x128xf32, #tpu.memory_space<vmem>> -> memref<2x32x128xf32, #tpu.memory_space<vmem>>
      %dma_wait3A_1565 = arith.constant 0 : i32
      %dma_wait3A_1566 = arith.constant 0 : i32
      %dma_wait3A_1567 = tpu.memref_slice %arg4[%dma_wait3A_1565, %dma_wait3A_1566] : memref<32x1000000xf32, #tpu.memory_space<hbm>> -> memref<32x256xf32, #tpu.memory_space<hbm>>
      tpu.wait_dma2 semaphore(%arg17 : memref<!tpu.dma_semaphore, #tpu.memory_space<semaphore_mem>>) src(%dma_wait3A_1567 : memref<32x256xf32, #tpu.memory_space<hbm>>) dst(%dma_wait3A_1564 : memref<2x32x128xf32, #tpu.memory_space<vmem>>)
      %dma_wait3A_1568 = arith.constant 3 : i32
      %dma_wait3A_1569 = arith.constant 0 : i32
      %dma_wait3A_1570 = arith.constant 0 : i32
      %dma_wait3A_1571 = arith.constant 0 : i32
      %dma_wait3A_1572 = tpu.memref_slice %arg11[%dma_wait3A_1568, %dma_wait3A_1569, %dma_wait3A_1570, %dma_wait3A_1571] : memref<4x2x32x128xf32, #tpu.memory_space<vmem>> -> memref<1x2x32x128xf32, #tpu.memory_space<vmem>>
      %dma_wait3A_1573 = tpu.memref_squeeze %dma_wait3A_1572 : memref<1x2x32x128xf32, #tpu.memory_space<vmem>> -> memref<2x32x128xf32, #tpu.memory_space<vmem>>
      %dma_wait3A_1574 = arith.constant 0 : i32
      %dma_wait3A_1575 = arith.constant 0 : i32
      %dma_wait3A_1576 = tpu.memref_slice %arg5[%dma_wait3A_1574, %dma_wait3A_1575] : memref<32x1000000xf32, #tpu.memory_space<hbm>> -> memref<32x256xf32, #tpu.memory_space<hbm>>
      %dma_wait3A_1577 = arith.constant 0 : i32
      %dma_wait3A_1578 = arith.constant 0 : i32
      %dma_wait3A_1579 = arith.constant 0 : i32
      %dma_wait3A_1580 = tpu.memref_slice %arg11[%dma_wait3A_1568, %dma_wait3A_1577, %dma_wait3A_1578, %dma_wait3A_1579] : memref<4x2x32x128xf32, #tpu.memory_space<vmem>> -> memref<1x2x32x128xf32, #tpu.memory_space<vmem>>
      %dma_wait3A_1581 = tpu.memref_squeeze %dma_wait3A_1580 : memref<1x2x32x128xf32, #tpu.memory_space<vmem>> -> memref<2x32x128xf32, #tpu.memory_space<vmem>>
      %dma_wait3A_1582 = arith.constant 0 : i32
      %dma_wait3A_1583 = arith.constant 0 : i32
      %dma_wait3A_1584 = tpu.memref_slice %arg5[%dma_wait3A_1582, %dma_wait3A_1583] : memref<32x1000000xf32, #tpu.memory_space<hbm>> -> memref<32x256xf32, #tpu.memory_space<hbm>>
      tpu.wait_dma2 semaphore(%arg21 : memref<!tpu.dma_semaphore, #tpu.memory_space<semaphore_mem>>) src(%dma_wait3A_1584 : memref<32x256xf32, #tpu.memory_space<hbm>>) dst(%dma_wait3A_1581 : memref<2x32x128xf32, #tpu.memory_space<vmem>>)
      %slice3A_1585 = vector.extract_strided_slice %and3A_249 {offsets = [14], sizes = [1], strides = [1]} : vector<16xi32> to vector<1xi32>
      %squeeze3A_1586 = vector.extract %slice3A_1585[0] : i32 from vector<1xi32>
      %broadcast_in_dim3A_1587 = vector.broadcast %squeeze3A_1586 : i32 to vector<16xi32>
      %slice3A_1588 = vector.extract_strided_slice %and3A_252 {offsets = [14], sizes = [1], strides = [1]} : vector<16xi32> to vector<1xi32>
      %squeeze3A_1589 = vector.extract %slice3A_1588[0] : i32 from vector<1xi32>
      %broadcast_in_dim3A_1590 = vector.broadcast %squeeze3A_1589 : i32 to vector<16xi32>
      %gather3A_1591 = arith.constant 3 : i32
      %gather3A_1592 = arith.constant 0 : i32
      %gather3A_1593 = arith.constant 0 : i32
      %gather3A_1594 = arith.constant 0 : i32
      %gather3A_1595 = tpu.memref_slice %arg10[%gather3A_1591, %gather3A_1592, %gather3A_1593, %gather3A_1594] : memref<4x2x32x128xf32, #tpu.memory_space<vmem>> -> memref<1x1x32x128xf32, #tpu.memory_space<vmem>>
      %gather3A_1596 = tpu.memref_squeeze %gather3A_1595 : memref<1x1x32x128xf32, #tpu.memory_space<vmem>> -> memref<32x128xf32, #tpu.memory_space<vmem>>
      %gather3A_1597 = tpu.vector_load_idx %gather3A_1596[%iota3A, %broadcast_in_dim3A_1587] : memref<32x128xf32, #tpu.memory_space<vmem>>[vector<16xi32>, vector<16xi32>], vector<16xf32>,
      %gather3A_1598 = arith.constant 3 : i32
      %gather3A_1599 = arith.constant 0 : i32
      %gather3A_1600 = arith.constant 0 : i32
      %gather3A_1601 = arith.constant 0 : i32
      %gather3A_1602 = tpu.memref_slice %arg10[%gather3A_1598, %gather3A_1599, %gather3A_1600, %gather3A_1601] : memref<4x2x32x128xf32, #tpu.memory_space<vmem>> -> memref<1x1x32x128xf32, #tpu.memory_space<vmem>>
      %gather3A_1603 = tpu.memref_squeeze %gather3A_1602 : memref<1x1x32x128xf32, #tpu.memory_space<vmem>> -> memref<32x128xf32, #tpu.memory_space<vmem>>
      %gather3A_1604 = tpu.vector_load_idx %gather3A_1603[%add3A_8, %broadcast_in_dim3A_1587] : memref<32x128xf32, #tpu.memory_space<vmem>>[vector<16xi32>, vector<16xi32>], vector<16xf32>,
      %gather3A_1605 = arith.constant 3 : i32
      %gather3A_1606 = arith.constant 0 : i32
      %gather3A_1607 = arith.constant 0 : i32
      %gather3A_1608 = arith.constant 0 : i32
      %gather3A_1609 = tpu.memref_slice %arg11[%gather3A_1605, %gather3A_1606, %gather3A_1607, %gather3A_1608] : memref<4x2x32x128xf32, #tpu.memory_space<vmem>> -> memref<1x1x32x128xf32, #tpu.memory_space<vmem>>
      %gather3A_1610 = tpu.memref_squeeze %gather3A_1609 : memref<1x1x32x128xf32, #tpu.memory_space<vmem>> -> memref<32x128xf32, #tpu.memory_space<vmem>>
      %gather3A_1611 = tpu.vector_load_idx %gather3A_1610[%iota3A, %broadcast_in_dim3A_1590] : memref<32x128xf32, #tpu.memory_space<vmem>>[vector<16xi32>, vector<16xi32>], vector<16xf32>,
      %gather3A_1612 = arith.constant 3 : i32
      %gather3A_1613 = arith.constant 0 : i32
      %gather3A_1614 = arith.constant 0 : i32
      %gather3A_1615 = arith.constant 0 : i32
      %gather3A_1616 = tpu.memref_slice %arg11[%gather3A_1612, %gather3A_1613, %gather3A_1614, %gather3A_1615] : memref<4x2x32x128xf32, #tpu.memory_space<vmem>> -> memref<1x1x32x128xf32, #tpu.memory_space<vmem>>
      %gather3A_1617 = tpu.memref_squeeze %gather3A_1616 : memref<1x1x32x128xf32, #tpu.memory_space<vmem>> -> memref<32x128xf32, #tpu.memory_space<vmem>>
      %gather3A_1618 = tpu.vector_load_idx %gather3A_1617[%add3A_8, %broadcast_in_dim3A_1590] : memref<32x128xf32, #tpu.memory_space<vmem>>[vector<16xi32>, vector<16xi32>], vector<16xf32>,
      %mul3A_1619 = arith.mulf %gather3A_1597, %gather3A_1611 : vector<16xf32>
      %mul3A_1620 = arith.mulf %mul3A_1619, %get3A_3 : vector<16xf32>
      %mul3A_1621 = arith.mulf %gather3A_1604, %gather3A_1618 : vector<16xf32>
      %mul3A_1622 = arith.mulf %mul3A_1621, %get3A_5 : vector<16xf32>
      %add3A_1623 = arith.addf %mul3A_1620, %mul3A_1622 : vector<16xf32>
      %reduce_sum3A_1624 = arith.constant true
      %reduce_sum3A_1625 = vector.broadcast %reduce_sum3A_1624 : i1 to vector<16xi1>
      %reduce_sum3A_1626 = tpu.scan <sum>, %add3A_1623 masked %reduce_sum3A_1625 : vector<16xf32>, vector<16xi1> -> vector<16xf32>
      %reduce_sum3A_1627 = vector.extract %reduce_sum3A_1626[15] : f32 from vector<16xf32>
      %eq3A_1628 = arith.constant 14 : i32
      %eq3A_1629 = vector.broadcast %eq3A_1628 : i32 to vector<16xi32>
      %eq3A_1630 = arith.cmpi eq, %iota3A, %eq3A_1629 : vector<16xi32>
      %broadcast_in_dim3A_1631 = vector.broadcast %reduce_sum3A_1627 : f32 to vector<16xf32>
      %select_n3A_1632 = arith.select %eq3A_1630, %broadcast_in_dim3A_1631, %select_n3A_1545 : vector<16xi1>, vector<16xf32>
      %slice3A_1633 = vector.extract_strided_slice %and3A_249 {offsets = [15], sizes = [1], strides = [1]} : vector<16xi32> to vector<1xi32>
      %squeeze3A_1634 = vector.extract %slice3A_1633[0] : i32 from vector<1xi32>
      %broadcast_in_dim3A_1635 = vector.broadcast %squeeze3A_1634 : i32 to vector<16xi32>
      %slice3A_1636 = vector.extract_strided_slice %and3A_252 {offsets = [15], sizes = [1], strides = [1]} : vector<16xi32> to vector<1xi32>
      %squeeze3A_1637 = vector.extract %slice3A_1636[0] : i32 from vector<1xi32>
      %broadcast_in_dim3A_1638 = vector.broadcast %squeeze3A_1637 : i32 to vector<16xi32>
      %gather3A_1639 = arith.constant 3 : i32
      %gather3A_1640 = arith.constant 1 : i32
      %gather3A_1641 = arith.constant 0 : i32
      %gather3A_1642 = arith.constant 0 : i32
      %gather3A_1643 = tpu.memref_slice %arg10[%gather3A_1639, %gather3A_1640, %gather3A_1641, %gather3A_1642] : memref<4x2x32x128xf32, #tpu.memory_space<vmem>> -> memref<1x1x32x128xf32, #tpu.memory_space<vmem>>
      %gather3A_1644 = tpu.memref_squeeze %gather3A_1643 : memref<1x1x32x128xf32, #tpu.memory_space<vmem>> -> memref<32x128xf32, #tpu.memory_space<vmem>>
      %gather3A_1645 = tpu.vector_load_idx %gather3A_1644[%iota3A, %broadcast_in_dim3A_1635] : memref<32x128xf32, #tpu.memory_space<vmem>>[vector<16xi32>, vector<16xi32>], vector<16xf32>,
      %gather3A_1646 = arith.constant 3 : i32
      %gather3A_1647 = arith.constant 1 : i32
      %gather3A_1648 = arith.constant 0 : i32
      %gather3A_1649 = arith.constant 0 : i32
      %gather3A_1650 = tpu.memref_slice %arg10[%gather3A_1646, %gather3A_1647, %gather3A_1648, %gather3A_1649] : memref<4x2x32x128xf32, #tpu.memory_space<vmem>> -> memref<1x1x32x128xf32, #tpu.memory_space<vmem>>
      %gather3A_1651 = tpu.memref_squeeze %gather3A_1650 : memref<1x1x32x128xf32, #tpu.memory_space<vmem>> -> memref<32x128xf32, #tpu.memory_space<vmem>>
      %gather3A_1652 = tpu.vector_load_idx %gather3A_1651[%add3A_8, %broadcast_in_dim3A_1635] : memref<32x128xf32, #tpu.memory_space<vmem>>[vector<16xi32>, vector<16xi32>], vector<16xf32>,
      %gather3A_1653 = arith.constant 3 : i32
      %gather3A_1654 = arith.constant 1 : i32
      %gather3A_1655 = arith.constant 0 : i32
      %gather3A_1656 = arith.constant 0 : i32
      %gather3A_1657 = tpu.memref_slice %arg11[%gather3A_1653, %gather3A_1654, %gather3A_1655, %gather3A_1656] : memref<4x2x32x128xf32, #tpu.memory_space<vmem>> -> memref<1x1x32x128xf32, #tpu.memory_space<vmem>>
      %gather3A_1658 = tpu.memref_squeeze %gather3A_1657 : memref<1x1x32x128xf32, #tpu.memory_space<vmem>> -> memref<32x128xf32, #tpu.memory_space<vmem>>
      %gather3A_1659 = tpu.vector_load_idx %gather3A_1658[%iota3A, %broadcast_in_dim3A_1638] : memref<32x128xf32, #tpu.memory_space<vmem>>[vector<16xi32>, vector<16xi32>], vector<16xf32>,
      %gather3A_1660 = arith.constant 3 : i32
      %gather3A_1661 = arith.constant 1 : i32
      %gather3A_1662 = arith.constant 0 : i32
      %gather3A_1663 = arith.constant 0 : i32
      %gather3A_1664 = tpu.memref_slice %arg11[%gather3A_1660, %gather3A_1661, %gather3A_1662, %gather3A_1663] : memref<4x2x32x128xf32, #tpu.memory_space<vmem>> -> memref<1x1x32x128xf32, #tpu.memory_space<vmem>>
      %gather3A_1665 = tpu.memref_squeeze %gather3A_1664 : memref<1x1x32x128xf32, #tpu.memory_space<vmem>> -> memref<32x128xf32, #tpu.memory_space<vmem>>
      %gather3A_1666 = tpu.vector_load_idx %gather3A_1665[%add3A_8, %broadcast_in_dim3A_1638] : memref<32x128xf32, #tpu.memory_space<vmem>>[vector<16xi32>, vector<16xi32>], vector<16xf32>,
      %mul3A_1667 = arith.mulf %gather3A_1645, %gather3A_1659 : vector<16xf32>
      %mul3A_1668 = arith.mulf %mul3A_1667, %get3A_3 : vector<16xf32>
      %mul3A_1669 = arith.mulf %gather3A_1652, %gather3A_1666 : vector<16xf32>
      %mul3A_1670 = arith.mulf %mul3A_1669, %get3A_5 : vector<16xf32>
      %add3A_1671 = arith.addf %mul3A_1668, %mul3A_1670 : vector<16xf32>
      %reduce_sum3A_1672 = arith.constant true
      %reduce_sum3A_1673 = vector.broadcast %reduce_sum3A_1672 : i1 to vector<16xi1>
      %reduce_sum3A_1674 = tpu.scan <sum>, %add3A_1671 masked %reduce_sum3A_1673 : vector<16xf32>, vector<16xi1> -> vector<16xf32>
      %reduce_sum3A_1675 = vector.extract %reduce_sum3A_1674[15] : f32 from vector<16xf32>
      %eq3A_1676 = arith.constant 15 : i32
      %eq3A_1677 = vector.broadcast %eq3A_1676 : i32 to vector<16xi32>
      %eq3A_1678 = arith.cmpi eq, %iota3A, %eq3A_1677 : vector<16xi32>
      %broadcast_in_dim3A_1679 = vector.broadcast %reduce_sum3A_1675 : f32 to vector<16xf32>
      %select_n3A_1680 = arith.select %eq3A_1678, %broadcast_in_dim3A_1679, %select_n3A_1632 : vector<16xi1>, vector<16xf32>
      %swap3A = arith.index_cast %mul3A_242 : i32 to index
      %swap3A_1681 = tpu.vector_load %arg13[%swap3A] {strides = array<i32>} : memref<512xf32, #tpu.memory_space<vmem>>, vector<16xf32>,
      tpu.vector_store %arg13[%swap3A], %select_n3A_1680 {strides = array<i32>} : memref<512xf32, #tpu.memory_space<vmem>>, vector<16xf32>,
    }
    %scan3A_239 = arith.constant 32 : i32
    "tpu.region"() ({
      %run_scoped3A = tpu.sem_alloc : memref<!tpu.dma_semaphore, #tpu.memory_space<semaphore_mem>>
      %dma_start3A_240 = tpu.memref_slice %arg7[%mul3A_2] : memref<16384xf32, #tpu.memory_space<hbm>> -> memref<512xf32, #tpu.memory_space<hbm>>
      %dma_start3A_241 = tpu.memref_slice %arg7[%mul3A_2] : memref<16384xf32, #tpu.memory_space<hbm>> -> memref<512xf32, #tpu.memory_space<hbm>>
      tpu.enqueue_dma source(%arg13 : memref<512xf32, #tpu.memory_space<vmem>>) target(%dma_start3A_241 : memref<512xf32, #tpu.memory_space<hbm>>) target_semaphore(%run_scoped3A : memref<!tpu.dma_semaphore, #tpu.memory_space<semaphore_mem>>)
      %dma_wait3A = tpu.memref_slice %arg7[%mul3A_2] : memref<16384xf32, #tpu.memory_space<hbm>> -> memref<512xf32, #tpu.memory_space<hbm>>
      %dma_wait3A_242 = tpu.memref_slice %arg7[%mul3A_2] : memref<16384xf32, #tpu.memory_space<hbm>> -> memref<512xf32, #tpu.memory_space<hbm>>
      tpu.wait_dma2 semaphore(%run_scoped3A : memref<!tpu.dma_semaphore, #tpu.memory_space<semaphore_mem>>) src(%arg13 : memref<512xf32, #tpu.memory_space<vmem>>) dst(%dma_wait3A_242 : memref<512xf32, #tpu.memory_space<hbm>>)
      tpu.yield
    }) : () -> ()
    return
  }
}

</mosaic_0001>

<sc_bundles>
// kernel: kernel.3.cloned.1.call-start
scs
__scs_entry_jumppad:
0x0: {  	(pc) =	sbr.rel $0x88, $3  }
0x1: {  	(tag) =	ssettag $0x0;
	lr =	simm.s32 $0x1  }
0x2: {  	[smem:$0x3F9C] =	sst lr;
	_ =	strace $0xD0000000  }
0x3: {  	_ = 	snop  }
0x4: {  	_ = 	snop  }
0x5: {  	_ = 	snop  }
0x6: {  	_ = 	snop  }
0x7: {  	_ = 	snop  }
__scs_overlays_trampoline_lowered:
0x8: {  	[smem:$0x3FAB] =	sst s0  }
0x9: {  	[smem:$0x3FAC] =	sst s1  }
0xa: {  	[smem:$0x3FAD] =	sst s2  }
0xb: {  	[smem:$0x3FAE] =	sst s3  }
0xc: {  	[smem:$0x3FAF] =	sst s4  }
0xd: {  	[smem:$0x3FB0] =	sst s5  }
0xe: {  	[smem:$0x3FB1] =	sst s6  }
0xf: {  	[smem:$0x3FB2] =	sst s7  }
0x10: {  	[smem:$0x3FB3] =	sst s8  }
0x11: {  	[smem:$0x3FB4] =	sst s9;
	s0 =	simm.s32 @!p0 $0x0  }
0x12: {  	s1 =	sld [smem:$0x3F9A];
	s0 =	simm.s32 @p0 $0x1  }
0x13: {  	[smem:$0x3FB5] =	sst s0;
	s0 =	simm.s32 @!p1 $0x0  }
0x14: {  	s2 =	sld [smem:$0x3F99];
	s0 =	simm.s32 @p1 $0x1  }
0x15: {  	[smem:$0x3FB6] =	sst s0;
	s0 =	simm.s32 @!p2 $0x0  }
0x16: {  	s3 =	sld [smem:$0x3FDB];
	s0 =	simm.s32 @p2 $0x1  }
0x17: {  	s4 =	simm.s32 $0x1BF5;
	[smem:$0x3FB8] =	sst s0  }
0x18: {  	s0 =	sld [smem:$0x3F9B];
	_ =	swait.ge [sflag:s4], $0x0  }
0x19: {  	s7 =	sld [smem:$0x3F9C]  }
0x1a: {  	s8 =	sadd.s32 $0xFFFFE003, lr  }
0x1b: {  	s9 =	sadd.s32 $0xFFFFFEF7, lr;
	s5 =	simm.s32 $0xFFFFFFFF;
	p2 =	slt.u32 s8, $0xFFFFF086  }
0x1c: {  	p1 =	slt.u32 s9, $0xF7A;
	s5 =	simm.s32 @!p2 $0x0  }
0x1d: {  	s5 =	simm.s32 @p1 $0x1;
	p0 =	seq.s32 s7, s2  }
0x1e: {  	s7 =	smul.u32 @!p0 $0xF7A, s2;
	p2 =	seq.s32 @!p0 s5, $0x0  }
0x1f: {  	s9 =	smul.u32 $0xF7A, s1;
	s8 =	simm.s32 @!p0 $0x1BF5;
	p2 =	por !p2, p0  }
0x20: {  	[sflag:s8] =	ssyncset.s32 @!p0 $0xFFFFF086;
	s6 =	sadd.s32 @!p0 s3, s7;
	s7 =	simm.s32 @!p0 $0x108  }
0x21: {  	s3 =	sadd.s32 s3, s9;
	s6 =	sadd.s32 @!p0 $0x88, s6;
	s7 =	simm.s32 @p2 $0x1082  }
0x22: {  	[simem:s7], [sflag:s8] =	dma.local @!p0 [hbm:s6], $0xF7A  }
0x23: {  	s9 =	sor.u32 $0xD0000000, s2;
	s6 =	simm.s32 $0x108;
	_ =	swait.ge @!p0 [sflag:s8], $0x0  }
0x24: {  	s3 =	sadd.s32 $0x88, s3;
	s6 =	simm.s32 @!p1 $0x1082;
	[sflag:s4] =	ssyncset.s32 $0xFFFFF086  }
0x25: {  	[simem:s6], [sflag:s4] =	dma.local [hbm:s3], $0xF7A  }
0x26: {  	[smem:$0x3F9C] =	sst s1;
	(tag) =	ssettag s2;
	_ =	strace s9  }
0x27: {  	s1 =	sld [smem:$0x3FAC]  }
0x28: {  	s2 =	sld [smem:$0x3FAD]  }
0x29: {  	s4 =	sld [smem:$0x3FAF]  }
0x2a: {  	p0 =	seq.s32 s5, $0x0;
	s5 =	sld [smem:$0x3FB0]  }
0x2b: {  	s6 =	sld [smem:$0x3FB1]  }
0x2c: {  	s7 =	sld [smem:$0x3FB2]  }
0x2d: {  	s3 =	simm.s32 $0x108;
	s8 =	sld [smem:$0x3FB3]  }
0x2e: {  	s3 =	simm.s32 @!p0 $0x1082;
	s9 =	sld [smem:$0x3FB4]  }
0x2f: {  	lr =	sadd.s32 s0, s3;
	s0 =	sld [smem:$0x3FAB]  }
0x30: {  	s3 =	sld [smem:$0x3FAE]  }
0x31: {  	[smem:$0x3FB7] =	sst s10  }
0x32: {  	s10 =	sld [smem:$0x3FB5];
	_ =	sdelay $0x3  }
0x33: {  	p0 =	seq.s32 s10, $0x1;
	s10 =	sld [smem:$0x3FB7];
	_ =	sdelay $0x3  }
0x34: {  	[smem:$0x3FB7] =	sst s10  }
0x35: {  	s10 =	sld [smem:$0x3FB6];
	_ =	sdelay $0x3  }
0x36: {  	p1 =	seq.s32 s10, $0x1;
	s10 =	sld [smem:$0x3FB7];
	_ =	sdelay $0x3  }
0x37: {  	[smem:$0x3FB7] =	sst s10  }
0x38: {  	s10 =	sld [smem:$0x3FB8]  }
0x39: {  	_ = 	snop;
	(pc) =	sbr.ind lr, $3  }
0x3a: {  	_ = 	snop  }
0x3b: {  	_ = 	snop  }
0x3c: {  	p2 =	seq.s32 s10, $0x1;
	s10 =	sld [smem:$0x3FB7]  }
0x3d: {  	_ =	shalt  }
0x3e: {  	_ =	shalt  }
0x3f: {  	_ =	shalt  }
0x40: {  	_ =	shalt  }
0x41: {  	_ =	shalt  }
0x42: {  	_ =	shalt  }
0x43: {  	_ =	shalt  }
0x44: {  	_ =	shalt  }
0x45: {  	_ =	shalt  }
0x46: {  	_ =	shalt  }
0x47: {  	_ =	shalt  }
0x48: {  	_ =	shalt  }
0x49: {  	_ =	shalt  }
0x4a: {  	_ =	shalt  }
0x4b: {  	_ =	shalt  }
0x4c: {  	_ =	shalt  }
0x4d: {  	_ =	shalt  }
0x4e: {  	_ =	shalt  }
0x4f: {  	_ =	shalt  }
0x50: {  	_ =	shalt  }
0x51: {  	_ =	shalt  }
0x52: {  	_ =	shalt  }
0x53: {  	_ =	shalt  }
0x54: {  	_ =	shalt  }
0x55: {  	_ =	shalt  }
0x56: {  	_ =	shalt  }
0x57: {  	_ =	shalt  }
0x58: {  	_ =	shalt  }
0x59: {  	_ =	shalt  }
0x5a: {  	_ =	shalt  }
0x5b: {  	_ =	shalt  }
0x5c: {  	_ =	shalt  }
0x5d: {  	_ =	shalt  }
0x5e: {  	_ =	shalt  }
0x5f: {  	_ =	shalt  }
0x60: {  	_ =	shalt  }
0x61: {  	_ =	shalt  }
0x62: {  	_ =	shalt  }
0x63: {  	_ =	shalt  }
0x64: {  	_ =	shalt  }
0x65: {  	_ =	shalt  }
0x66: {  	_ =	shalt  }
0x67: {  	_ =	shalt  }
0x68: {  	_ =	shalt  }
0x69: {  	_ =	shalt  }
0x6a: {  	_ =	shalt  }
0x6b: {  	_ =	shalt  }
0x6c: {  	_ =	shalt  }
0x6d: {  	_ =	shalt  }
0x6e: {  	_ =	shalt  }
0x6f: {  	_ =	shalt  }
0x70: {  	_ =	shalt  }
0x71: {  	_ =	shalt  }
0x72: {  	_ =	shalt  }
0x73: {  	_ =	shalt  }
0x74: {  	_ =	shalt  }
0x75: {  	_ =	shalt  }
0x76: {  	_ =	shalt  }
0x77: {  	_ =	shalt  }
0x78: {  	_ =	shalt  }
0x79: {  	_ =	shalt  }
0x7a: {  	_ =	shalt  }
0x7b: {  	_ =	shalt  }
0x7c: {  	_ =	shalt  }
0x7d: {  	_ =	shalt  }
0x7e: {  	_ =	shalt  }
0x7f: {  	_ =	shalt  }
0x80: {  	_ =	shalt  }
0x81: {  	_ =	shalt  }
0x82: {  	_ =	shalt  }
0x83: {  	_ =	shalt  }
0x84: {  	_ =	shalt  }
0x85: {  	_ =	shalt  }
0x86: {  	_ =	shalt  }
0x87: {  	_ =	shalt  }
.Lfunc_end0:
.L_simem_size_0:
called_computation_lowered:
.L_overlay_start_0:
0x88: {  	s2 =	sld [smem:$0x3FD9]  }
0x89: {  	s3 =	sld [smem:$0x3FFE];
	_ =	sdelay $0x1  }
0x8a: {  	s1 =	srdreg.scid  }
0x8b: {  	s0 =	sand.u32 $0x1, s1  }
0x8c: {  	s18 =	sshll.u32 s0, $0xA;
	s2 =	sadd.s32 s3, s2  }
0x8d: {  	s2 =	sadd.s32 s2, s18  }
0x8e: {  	[smem:$0x3FC3] =	sst s2  }
0x8f: {  	_ = 	snop  }
0x90: {  	s2 =	sld [smem:$0x3FC9]  }
0x91: {  	s19 =	sld [smem:$0x3FC8]  }
0x92: {  	s4 =	sld [smem:$0x3FC7]  }
0x93: {  	s5 =	sld [smem:$0x3FC6]  }
0x94: {  	s6 =	sld [smem:$0x3FC5]  }
0x95: {  	s7 =	sld [smem:$0x3FD0];
	(tm) =	ssettm $0x1  }
0x96: {  	s8 =	sld [smem:$0x3FFB];
	_ =	sdelay $0x3  }
0x97: {  	_ =	strace s8  }
0x98: {  	s8 =	sld [smem:$0x3FFC];
	_ =	sdelay $0x3  }
0x99: {  	_ =	strace s8  }
0x9a: {  	s8 =	sld [smem:$0x3FFD];
	_ =	sdelay $0x3  }
0x9b: {  	_ =	strace s8  }
0x9c: {  	_ =	strace $0x8FFFFFFF  }
0x9d: {  	s20 =	sld [smem:$0x3FDB];
	_ =	sdelay $0x1  }
0x9e: {  	s9 =	simm.s32 $_scs_section_size  }
0x9f: {  	s10 =	simm.s32 $_size__tile_overlayer_lowered;
	s11 =	simm.s32 $_tile_overlayer_lowered  }
0xa0: {  	s23 =	simm.s32 $0x1BFF;
	s22 =	sshll.u32 s11, $0x1;
	s8 =	sadd.s32 s9, s20  }
0xa1: {  	s12 =	simm.s32 $0x0;
	s21 =	sshll.u32 s10, $0x1;
	s10 =	sadd.s32 s22, s8  }
0xa2: {  	[timem:s12], [sflag:s23] =	dma.local [hbm:s10], s21  }
0xa3: {  	_ =	swait.ge [sflag:s23], s21  }
0xa4: {  	s9 =	ssub.s32 $0x0, s21;
	[sflag:s23] =	ssyncset.done $0x0  }
0xa5: {  	[sflag:s23] =	ssyncadd.s32 s9;
	_ =	sdelay $0x1  }
0xa6: {  	s24 =	simm.s32 $0x1B8B  }
0xa7: {  	_ =	swait.ge [sflag:s24], $0x1  }
0xa8: {  	[sflag:s24] =	ssyncset.done $0x0  }
0xa9: {  	s25 =	simm.s32 $0x1B8E;
	[sflag:s24] =	ssyncadd.s32 $0xFFFFFFFF  }
0xaa: {  	s26 =	simm.s32 $execute0_lowered;
	[smem:$0x3FD2] =	sst s25  }
0xab: {  	s9 =	sshll.u32 s26, $0x1;
	_ =	strace $0x80000046;
	[dreg:$0x1] =	wrdreg $0xFFFFFFFF  }
0xac: {  	s28 =	simm.s32 $_size_execute0_lowered;
	s8 =	sadd.s32 s8, s9;
	[dreg:$0x0] =	wrdreg $0x0  }
0xad: {  	s9 =	sshll.u32 s28, $0x1;
	[dreg:$0x2] =	wrdreg s8  }
0xae: {  	[dreg:$0x3] =	wrdreg s9  }
0xaf: {  	[dreg:$0x4] =	wrdreg $0xC0  }
0xb0: {  	_ =	task [dreg:s12], $0x5FFFF  }
0xb1: {  	[dreg:$0x1] =	wrdreg $0xFFFFFFFF  }
0xb2: {  	[dreg:$0x0] =	wrdreg $0x60  }
0xb3: {  	[dreg:$0x2] =	wrdreg s2  }
0xb4: {  	[dreg:$0x3] =	wrdreg s19  }
0xb5: {  	[dreg:$0x4] =	wrdreg s4  }
0xb6: {  	[dreg:$0x5] =	wrdreg s5  }
0xb7: {  	[dreg:$0x6] =	wrdreg s6  }
0xb8: {  	[dreg:$0x7] =	wrdreg s7  }
0xb9: {  	[dreg:$0x8] =	wrdreg $0x9  }
0xba: {  	_ =	task.clear_ibuf [dreg:s12], $0x9FFFF;
	_ =	strace $0x90000046  }
0xbb: {  	s29 =	simm.s32 $0x9;
	_ =	strace $0x80000048  }
0xbc: {  	_ =	swait.ge [sflag:s29], $0x1  }
0xbd: {  	[sflag:s29] =	ssyncadd.s32 $0xFFFFFFFF  }
0xbe: {  	_ =	strace $0x90000048  }
0xbf: {  	_ =	sfence  }
0xc0: {  	s30 =	sld [smem:$0x0];
	_ =	sdelay $0x2  }
0xc1: {  	s31 =	sshll.u32 s1, $0xD;
	s1 =	sshrl.u32 s1, $0x2  }
0xc2: {  	s3 =	sand.u32 $0x4000, s31;
	s1 =	sadd.s32 s1, s30  }
0xc3: {  	s0 =	sor.u32 s3, s0;
	s1 =	sshll.u32 s1, $0x11  }
0xc4: {  	s0 =	sor.u32 s1, s0  }
0xc5: {  	s0 =	sadd.s32 $0x8F2B, s0  }
0xc6: {  	[sflag:s0] =	ssyncadd.remote.s32 $0x1  }
0xc7: {  	_ =	sfence.sel $0xFFFF  }
0xc8: {  	[dreg:$0x0] =	wrdreg $0xFFFFFFFF;
	(pc) =	sbr.abs _section_cstart, $3  }
0xc9: {  	[dreg:$0x1] =	wrdreg $0xFFFFFFFF  }
0xca: {  	_ =	task.clear_ibuf [dreg:s12], $0x2FFFF;
	_ =	strace $0x9FFFFFFF  }
0xcb: {  	(tm) =	ssettm $0x7FFFFFFF  }
tec
execute0_lowered:
.L_overlay_start_1:
0x0: {  	(tag) =	ssettag $0x1  }
0x1: {  	s0 =	rddreg [dreg:$0x0]  }
0x2: {  	s3 =	rddreg [dreg:$0x1]  }
0x3: {  	s1 =	rddreg [dreg:$0x2]  }
0x4: {  	s2 =	rddreg [dreg:$0x3]  }
0x5: {  	s4 =	rddreg [dreg:$0x5];
	s5 =	srdreg.scid;
	s9 =	simm.s32 $0x0  }
0x6: {  	s7 =	stileid.u32;
	s13 =	simm.s32 $0x7A1400;
	s14 =	simm.s32 $0x400  }
0x7: {  	s16 =	simm.s32 $0x8400;
	s17 =	simm.s32 $0x1400;
	s15 =	simm.s32 $0x9400  }
0x8: {  	s18 =	simm.s32 $0x2400;
	s19 =	simm.s32 $0xA400;
	s20 =	simm.s32 $0x3400  }
0x9: {  	s21 =	simm.s32 $0xB400;
	s22 =	simm.s32 $0x4400;
	s23 =	simm.s32 $0xC400  }
0xa: {  	s28 =	simm.s32 $0xE400;
	s29 =	simm.s32 $0x7400;
	s30 =	simm.s32 $0xF400  }
0xb: {  	s31 =	simm.s32 $0x1;
	s11 =	simm.s32 $0x3;
	s12 =	simm.s32 $0x7  }
0xc: {  	s10 =	simm.s32 $0x0;
	s5 =	sand.u32 $0x1, s5;
	s7 =	sshll.u32 s7, $0x7  }
0xd: {  	[smem:$0x7FF] =	sst s9;
	s6 =	ssub.s32 $0x2, s5;
	s5 =	sshll.u32 s5, $0x6  }
0xe: {  	_ =	strace $0x80000047;
	s8 =	sshrl.u32 s6, $0x1;
	s5 =	sor.u32 s5, s7  }
0xf: {  	v0 =	vlaneseq.u32;
	vm0 =	vmmov $0x1;
	vm1 =	vmmov $0x3;
	s7 =	simm.s32 $0x8;
	s6 =	ssub.s32 s6, s8;
	s0 =	sadd.s32 s0, s5  }
0x10: {  	vm2 =	vmmov $0x7;
	vm3 =	vmmov $0xf;
	vm4 =	vmmov $0x1f;
	s24 =	sadd.s32 s3, s5;
	s25 =	sadd.s32 s4, s5;
	[dreg:$0x7] =	wrdreg s0  }
0x11: {  	vm5 =	vmmov $0x3f;
	vm6 =	vmmov $0x7f;
	vm7 =	vmmov $0xff;
	s8 =	simm.s32 $0x9;
	s4 =	simm.s32 $0x2;
	[dreg:$0x8] =	wrdreg s24  }
0x12: {  	vm8 =	vmmov $0x1ff;
	vm9 =	vcmask $0x2B28;
	v0 =	vmul.u32 $0x80, v0;
	s3 =	simm.s32 $0x6;
	[dreg:$0x9] =	wrdreg s25;
	s26 =	smax.u32 s6, $0x1  }
0x13: {  	vm10 =	vmmov $0x7ff;
	vm11 =	vcmask $0x3330;
	vm12 =	vmmov $0x1fff;
	s24 =	simm.s32 $0x5400;
	s25 =	simm.s32 $0xD400;
	s0 =	simm.s32 $0x5  }
0x14: {  	vm13 =	vcmask $0x3B38;
	vm14 =	vmmov $0x7fff;
	v1 =	vor.u32 $0x800, v0;
	s6 =	simm.s32 $0x4;
	[dreg:$0xa] =	wrdreg s26;
	s26 =	simm.s32 $0x6400  }
.LBB2_1:
0x15: {  	[dreg:$0xb] =	wrdreg s10  }
0x16: {  	s5 =	rddreg [dreg:$0x7]  }
0x17: {  	[tilespmem:s9], [sflag:$0x9] =	stream.linear.gather [hbm4b:s5+s9], $0x200, $0x38;
	[tilespmem:$0x10680] =	vst v63  }
0x18: {  	_ =	swait.ge [sflag:s8], $0x200  }
0x19: {  	[sflag:s8] =	ssyncset.done $0x0  }
0x1a: {  	s10 =	simm.s32 $0x200;
	s5 =	rddreg [dreg:$0x8];
	[sflag:s8] =	ssyncadd.s32 $0xFFFFFE00  }
0x1b: {  	[tilespmem:s10], [sflag:$0x9] =	stream.linear.gather [hbm4b:s5+s9], $0x200, $0x38;
	[tilespmem:$0x10680] =	vst v63  }
0x1c: {  	_ =	swait.ge [sflag:s8], $0x200  }
0x1d: {  	[sflag:s8] =	ssyncset.done $0x0  }
0x1e: {  	[sflag:s8] =	ssyncadd.s32 $0xFFFFFE00  }
0x1f: {  	s10 =	simm.s32 $0x10400;
	s5 =	rddreg [dreg:$0x4]  }
0x20: {  	[tilespmem:s10], [sflag:$0x9] =	stream.linear.gather [hbm4b:s5+s9], $0x80, $0x38;
	[tilespmem:$0x10680] =	vst v63  }
0x21: {  	_ =	swait.ge [sflag:s8], $0x80  }
0x22: {  	[sflag:s8] =	ssyncset.done $0x0  }
0x23: {  	[sflag:s8] =	ssyncadd.s32 $0xFFFFFF80  }
0x24: {  	v4 =	vld [tilespmem:$0x0];
	_ =	sdelay $0x1  }
0x25: {  	v5 =	vld [tilespmem:$0x200];
	_ =	sdelay $0x2  }
0x26: {  	(v2sf) =	vpush v4, $0x0;
	_ =	sdelay $0x1  }
0x27: {  	(v2sf) =	vpush v5, $0x0;
	_ =	sdelay $0x1  }
0x28: {  	(v2sf) =	vpush v4, $0x1;
	_ =	sdelay $0x2  }
0x29: {  	(v2sf) =	vpush v5, $0x1;
	_ =	sdelay $0x7  }
0x2a: {  	s8 =	spop (v2sf);
	(v2sf) =	vpush v4, $0x2;
	_ =	sdelay $0x1  }
0x2b: {  	s9 =	spop (v2sf);
	(v2sf) =	vpush v5, $0x2;
	_ =	sdelay $0x1  }
0x2c: {  	s5 =	sand.u32 $0xFFFFF80, s8;
	s10 =	spop (v2sf);
	(v2sf) =	vpush v4, $0x3  }
0x2d: {  	v2 =	vld [tilespmem:$0x10400];
	s5 =	sadd.s32 s1, s5  }
0x2e: {  	v3 =	vld [tilespmem:$0x10410];
	[tilespmem:s14], [sflag:$0x1] =	stream.strided.gather [hbm4b:s5+s14], $0x1000, s13, s14, $0x38  }
0x2f: {  	s8 =	spop (v2sf);
	(v2sf) =	vpush v5, $0x3  }
0x30: {  	s5 =	sand.u32 $0xFFFFF80, s9  }
0x31: {  	s5 =	sadd.s32 s2, s5  }
0x32: {  	[tilespmem:s16], [sflag:$0x5] =	stream.strided.gather [hbm4b:s5+s14], $0x1000, s13, s14, $0x38;
	[tilespmem:$0x10680] =	vst v63  }
0x33: {  	s5 =	sand.u32 $0xFFFFF80, s10  }
0x34: {  	s5 =	sadd.s32 s1, s5  }
0x35: {  	[tilespmem:s17], [sflag:$0x1] =	stream.strided.gather [hbm4b:s5+s14], $0x1000, s13, s14, $0x38;
	[tilespmem:$0x10680] =	vst v63  }
0x36: {  	s5 =	sand.u32 $0xFFFFF80, s8  }
0x37: {  	s5 =	sadd.s32 s2, s5;
	s9 =	spop (v2sf);
	(v2sf) =	vpush v4, $0x4  }
0x38: {  	[tilespmem:s15], [sflag:$0x5] =	stream.strided.gather [hbm4b:s5+s14], $0x1000, s13, s14, $0x38;
	[tilespmem:$0x10680] =	vst v63  }
0x39: {  	s10 =	spop (v2sf);
	(v2sf) =	vpush v5, $0x4  }
0x3a: {  	s5 =	sand.u32 $0xFFFFF80, s9  }
0x3b: {  	s5 =	sadd.s32 s1, s5;
	s8 =	spop (v2sf)  }
0x3c: {  	(v2sf) =	vpush v4, $0x5;
	[tilespmem:s18], [sflag:$0x2] =	stream.strided.gather [hbm4b:s5+s14], $0x1000, s13, s14, $0x38;
	[tilespmem:$0x10680] =	vst v63  }
0x3d: {  	s5 =	sand.u32 $0xFFFFF80, s10  }
0x3e: {  	s9 =	spop (v2sf);
	s5 =	sadd.s32 s2, s5  }
0x3f: {  	(v2sf) =	vpush v5, $0x5;
	[tilespmem:s19], [sflag:$0x6] =	stream.strided.gather [hbm4b:s5+s14], $0x1000, s13, s14, $0x38;
	[tilespmem:$0x10680] =	vst v63  }
0x40: {  	s5 =	sand.u32 $0xFFFFF80, s8  }
0x41: {  	s5 =	sadd.s32 s1, s5  }
0x42: {  	[tilespmem:s20], [sflag:$0x2] =	stream.strided.gather [hbm4b:s5+s14], $0x1000, s13, s14, $0x38;
	[tilespmem:$0x10680] =	vst v63  }
0x43: {  	s5 =	sand.u32 $0xFFFFF80, s9  }
0x44: {  	s5 =	sadd.s32 s2, s5  }
0x45: {  	[tilespmem:s21], [sflag:$0x6] =	stream.strided.gather [hbm4b:s5+s14], $0x1000, s13, s14, $0x38;
	[tilespmem:$0x10680] =	vst v63  }
0x46: {  	s10 =	spop (v2sf)  }
0x47: {  	s5 =	sand.u32 $0xFFFFF80, s10  }
0x48: {  	s8 =	spop (v2sf);
	s5 =	sadd.s32 s1, s5  }
0x49: {  	[tilespmem:s22], [sflag:$0x3] =	stream.strided.gather [hbm4b:s5+s14], $0x1000, s13, s14, $0x38;
	[tilespmem:$0x10680] =	vst v63  }
0x4a: {  	s5 =	sand.u32 $0xFFFFF80, s8  }
0x4b: {  	s9 =	spop (v2sf);
	s5 =	sadd.s32 s2, s5  }
0x4c: {  	[tilespmem:s23], [sflag:$0x7] =	stream.strided.gather [hbm4b:s5+s14], $0x1000, s13, s14, $0x38;
	[tilespmem:$0x10680] =	vst v63  }
0x4d: {  	s5 =	sand.u32 $0xFFFFF80, s9  }
0x4e: {  	s10 =	spop (v2sf);
	s5 =	sadd.s32 s1, s5  }
0x4f: {  	[tilespmem:s24], [sflag:$0x3] =	stream.strided.gather [hbm4b:s5+s14], $0x1000, s13, s14, $0x38;
	[tilespmem:$0x10680] =	vst v63  }
0x50: {  	s5 =	sand.u32 $0xFFFFF80, s10  }
0x51: {  	s9 =	simm.s32 $0x0;
	s5 =	sadd.s32 s2, s5  }
0x52: {  	[tilespmem:s25], [sflag:$0x7] =	stream.strided.gather [hbm4b:s5+s14], $0x1000, s13, s14, $0x38;
	[tilespmem:$0x10680] =	vst v63  }
.LBB2_2:
0x53: {  	s5 =	sshra.s32 s9, $0x2  }
0x54: {  	v13 =	vld [tilespmem:s5+$0x0];
	_ =	sdelay $0x1  }
0x55: {  	v12 =	vld [tilespmem:s5+$0x200];
	_ =	sdelay $0x2  }
0x56: {  	(v2sf) =	vpush v13, $0x6;
	_ =	sdelay $0x1  }
0x57: {  	(v2sf) =	vpush v12, $0x6;
	_ =	sdelay $0x2  }
0x58: {  	(v2sf) =	vpush v13, $0x7;
	_ =	sdelay $0x2  }
0x59: {  	(v2sf) =	vpush v12, $0x7;
	_ =	sdelay $0x6  }
0x5a: {  	s8 =	spop (v2sf)  }
0x5b: {  	s8 =	sand.u32 $0xFFFFF80, s8  }
0x5c: {  	s10 =	spop (v2sf);
	s8 =	sadd.s32 s1, s8  }
0x5d: {  	[tilespmem:s26], [sflag:$0x4] =	stream.strided.gather [hbm4b:s8+s14], $0x1000, s13, s14, $0x38;
	[tilespmem:$0x10680] =	vst v63  }
0x5e: {  	s8 =	sand.u32 $0xFFFFF80, s10  }
0x5f: {  	s10 =	spop (v2sf);
	s8 =	sadd.s32 s2, s8  }
0x60: {  	[tilespmem:s28], [sflag:$0x8] =	stream.strided.gather [hbm4b:s8+s14], $0x1000, s13, s14, $0x38;
	[tilespmem:$0x10680] =	vst v63  }
0x61: {  	s8 =	sand.u32 $0xFFFFF80, s10  }
0x62: {  	s10 =	spop (v2sf);
	s8 =	sadd.s32 s1, s8  }
0x63: {  	[tilespmem:s29], [sflag:$0x4] =	stream.strided.gather [hbm4b:s8+s14], $0x1000, s13, s14, $0x38;
	[tilespmem:$0x10680] =	vst v63  }
0x64: {  	s8 =	sand.u32 $0xFFFFF80, s10  }
0x65: {  	v4 =	vand.u32 $0x7F, v13;
	s8 =	sadd.s32 s2, s8  }
0x66: {  	v6 =	vbroadcast v4, $0x0;
	[tilespmem:s30], [sflag:$0x8] =	stream.strided.gather [hbm4b:s8+s14], $0x1000, s13, s14, $0x38;
	[tilespmem:$0x10680] =	vst v63  }
0x67: {  	v5 =	vand.u32 $0x7F, v12;
	_ =	swait.ge [sflag:s31], $0x2000  }
0x68: {  	v7 =	vbroadcast v5, $0x0;
	v8 =	vor.u32 v0, v6;
	[sflag:s31] =	ssyncset.done $0x0  }
0x69: {  	v6 =	vor.u32 v1, v6;
	[sflag:s31] =	ssyncadd.s32 $0xFFFFE000  }
0x6a: {  	v10 =	vbroadcast v4, $0x1;
	v9 =	vor.u32 v0, v7;
	_ =	swait.ge [sflag:s0], $0x2000  }
0x6b: {  	v7 =	vor.u32 v1, v7;
	[sflag:s0] =	ssyncset.done $0x0  }
0x6c: {  	v11 =	vbroadcast v5, $0x1;
	v14 =	vor.u32 v0, v10;
	[sflag:s0] =	ssyncadd.s32 $0xFFFFE000  }
0x6d: {  	v10 =	vor.u32 v1, v10;
	v8 =	vld.idx.msk [tilespmem:v8+s14+$0x0], $0xffff  }
0x6e: {  	v15 =	vor.u32 v0, v11;
	(v2sf) =	vpush v13, $0x8;
	v6 =	vld.idx.msk [tilespmem:v6+s14+$0x0], $0xffff  }
0x6f: {  	v11 =	vor.u32 v1, v11;
	v9 =	vld.idx.msk [tilespmem:v9+s16+$0x0], $0xffff  }
0x70: {  	(v2sf) =	vpush v12, $0x8;
	v7 =	vld.idx.msk [tilespmem:v7+s16+$0x0], $0xffff  }
0x71: {  	v14 =	vld.idx.msk [tilespmem:v14+s17+$0x0], $0xffff  }
0x72: {  	v10 =	vld.idx.msk [tilespmem:v10+s17+$0x0], $0xffff  }
0x73: {  	v15 =	vld.idx.msk [tilespmem:v15+s15+$0x0], $0xffff;
	(v2sf) =	vpush v13, $0x9  }
0x74: {  	v11 =	vld.idx.msk [tilespmem:v11+s15+$0x0], $0xffff;
	_ =	sdelay $0x1  }
0x75: {  	(v2sf) =	vpush v12, $0x9;
	_ =	sdelay $0x1  }
0x76: {  	v8 =	vmul.f32 v9, v8;
	v6 =	vmul.f32 v7, v6  }
0x77: {  	v39 =	vmul.f32 v15, v14;
	v40 =	vmul.f32 v11, v10  }
0x78: {  	v8 =	vmul.f32 v8, v2;
	v6 =	vmul.f32 v6, v3  }
0x79: {  	v7 =	vmul.f32 v39, v2;
	v9 =	vmul.f32 v40, v3  }
0x7a: {  	v6 =	vadd.f32 v6, v8  }
0x7b: {  	v7 =	vadd.f32 v9, v7;
	s10 =	spop (v2sf)  }
0x7c: {  	(xrf2) =	vadd.scan.msk.f32 $0xffff, v6;
	s8 =	sand.u32 $0xFFFFF80, s10  }
0x7d: {  	(xrf2) =	vadd.scan.msk.f32 $0xffff, v7;
	s10 =	spop (v2sf);
	s8 =	sadd.s32 s1, s8  }
0x7e: {  	[tilespmem:s14], [sflag:$0x1] =	stream.strided.gather [hbm4b:s8+s14], $0x1000, s13, s14, $0x38;
	[tilespmem:$0x10680] =	vst v63  }
0x7f: {  	s8 =	sand.u32 $0xFFFFF80, s10  }
0x80: {  	s10 =	spop (v2sf);
	s8 =	sadd.s32 s2, s8  }
0x81: {  	[tilespmem:s16], [sflag:$0x5] =	stream.strided.gather [hbm4b:s8+s14], $0x1000, s13, s14, $0x38;
	[tilespmem:$0x10680] =	vst v63  }
0x82: {  	s8 =	sand.u32 $0xFFFFF80, s10  }
0x83: {  	s10 =	spop (v2sf);
	s8 =	sadd.s32 s1, s8  }
0x84: {  	[tilespmem:s17], [sflag:$0x1] =	stream.strided.gather [hbm4b:s8+s14], $0x1000, s13, s14, $0x38;
	[tilespmem:$0x10680] =	vst v63  }
0x85: {  	s8 =	sand.u32 $0xFFFFF80, s10  }
0x86: {  	v6, _, _ =	vpop (xrf2);
	s8 =	sadd.s32 s2, s8  }
0x87: {  	v41 =	vbroadcast v4, $0x2;
	v7, _, _ =	vpop (xrf2);
	[tilespmem:s15], [sflag:$0x5] =	stream.strided.gather [hbm4b:s8+s14], $0x1000, s13, s14, $0x38;
	[tilespmem:$0x10680] =	vst v63  }
0x88: {  	_ =	swait.ge [sflag:s4], $0x2000  }
0x89: {  	v42 =	vbroadcast v5, $0x2;
	v43 =	vor.u32 v0, v41;
	[sflag:s4] =	ssyncset.done $0x0  }
0x8a: {  	v8 =	vor.u32 v1, v41;
	[sflag:s4] =	ssyncadd.s32 $0xFFFFE000  }
0x8b: {  	v45 =	vbroadcast v4, $0x3;
	v44 =	vor.u32 v0, v42;
	_ =	swait.ge [sflag:s3], $0x2000  }
0x8c: {  	v9 =	vor.u32 v1, v42;
	[sflag:s3] =	ssyncset.done $0x0  }
0x8d: {  	v46 =	vbroadcast v5, $0x3;
	v16 =	vor.u32 v0, v45;
	[sflag:s3] =	ssyncadd.s32 $0xFFFFE000  }
0x8e: {  	v14 =	vor.u32 v1, v45;
	v10 =	vld.idx.msk [tilespmem:v43+s18+$0x0], $0xffff  }
0x8f: {  	v17 =	vor.u32 v0, v46;
	(v2sf) =	vpush v13, $0xA;
	v8 =	vld.idx.msk [tilespmem:v8+s18+$0x0], $0xffff  }
0x90: {  	v15 =	vor.u32 v1, v46;
	v11 =	vld.idx.msk [tilespmem:v44+s19+$0x0], $0xffff  }
0x91: {  	(v2sf) =	vpush v12, $0xA;
	v9 =	vld.idx.msk [tilespmem:v9+s19+$0x0], $0xffff  }
0x92: {  	v16 =	vld.idx.msk [tilespmem:v16+s20+$0x0], $0xffff  }
0x93: {  	v14 =	vld.idx.msk [tilespmem:v14+s20+$0x0], $0xffff  }
0x94: {  	v17 =	vld.idx.msk [tilespmem:v17+s21+$0x0], $0xffff;
	(v2sf) =	vpush v13, $0xB  }
0x95: {  	v15 =	vld.idx.msk [tilespmem:v15+s21+$0x0], $0xffff;
	_ =	sdelay $0x1  }
0x96: {  	(v2sf) =	vpush v12, $0xB;
	_ =	sdelay $0x1  }
0x97: {  	v10 =	vmul.f32 v11, v10;
	v8 =	vmul.f32 v9, v8  }
0x98: {  	v47 =	vmul.f32 v17, v16;
	v48 =	vmul.f32 v15, v14  }
0x99: {  	v10 =	vmul.f32 v10, v2;
	v8 =	vmul.f32 v8, v3  }
0x9a: {  	v9 =	vmul.f32 v47, v2;
	v11 =	vmul.f32 v48, v3  }
0x9b: {  	v8 =	vadd.f32 v8, v10  }
0x9c: {  	v9 =	vadd.f32 v11, v9;
	s10 =	spop (v2sf)  }
0x9d: {  	(xrf2) =	vadd.scan.msk.f32 $0xffff, v8;
	s8 =	sand.u32 $0xFFFFF80, s10  }
0x9e: {  	(xrf2) =	vadd.scan.msk.f32 $0xffff, v9;
	s15 =	spop (v2sf);
	s8 =	sadd.s32 s1, s8  }
0x9f: {  	[tilespmem:s18], [sflag:$0x2] =	stream.strided.gather [hbm4b:s8+s14], $0x1000, s13, s14, $0x38;
	[tilespmem:$0x10680] =	vst v63  }
0xa0: {  	s8 =	sand.u32 $0xFFFFF80, s15  }
0xa1: {  	s10 =	spop (v2sf);
	s8 =	sadd.s32 s2, s8  }
0xa2: {  	[tilespmem:s19], [sflag:$0x6] =	stream.strided.gather [hbm4b:s8+s14], $0x1000, s13, s14, $0x38;
	[tilespmem:$0x10680] =	vst v63  }
0xa3: {  	s8 =	sand.u32 $0xFFFFF80, s10  }
0xa4: {  	s15 =	spop (v2sf);
	s8 =	sadd.s32 s1, s8  }
0xa5: {  	[tilespmem:s20], [sflag:$0x2] =	stream.strided.gather [hbm4b:s8+s14], $0x1000, s13, s14, $0x38;
	[tilespmem:$0x10680] =	vst v63  }
0xa6: {  	s8 =	sand.u32 $0xFFFFF80, s15  }
0xa7: {  	v9, _, _ =	vpop (xrf2);
	s8 =	sadd.s32 s2, s8  }
0xa8: {  	v49 =	vbroadcast v4, $0x4;
	v8, _, _ =	vpop (xrf2);
	[tilespmem:s21], [sflag:$0x6] =	stream.strided.gather [hbm4b:s8+s14], $0x1000, s13, s14, $0x38;
	[tilespmem:$0x10680] =	vst v63  }
0xa9: {  	_ =	swait.ge [sflag:s11], $0x2000  }
0xaa: {  	v50 =	vbroadcast v5, $0x4;
	v51 =	vor.u32 v0, v49;
	[sflag:s11] =	ssyncset.done $0x0  }
0xab: {  	v10 =	vor.u32 v1, v49;
	[sflag:s11] =	ssyncadd.s32 $0xFFFFE000  }
0xac: {  	v53 =	vbroadcast v4, $0x5;
	v52 =	vor.u32 v0, v50;
	_ =	swait.ge [sflag:s12], $0x2000  }
0xad: {  	v11 =	vor.u32 v1, v50;
	[sflag:s12] =	ssyncset.done $0x0  }
0xae: {  	v54 =	vbroadcast v5, $0x5;
	v18 =	vor.u32 v0, v53;
	[sflag:s12] =	ssyncadd.s32 $0xFFFFE000  }
0xaf: {  	v16 =	vor.u32 v1, v53;
	v14 =	vld.idx.msk [tilespmem:v51+s22+$0x0], $0xffff  }
0xb0: {  	v19 =	vor.u32 v0, v54;
	(v2sf) =	vpush v13, $0xC;
	v10 =	vld.idx.msk [tilespmem:v10+s22+$0x0], $0xffff  }
0xb1: {  	v17 =	vor.u32 v1, v54;
	v15 =	vld.idx.msk [tilespmem:v52+s23+$0x0], $0xffff  }
0xb2: {  	(v2sf) =	vpush v12, $0xC;
	v11 =	vld.idx.msk [tilespmem:v11+s23+$0x0], $0xffff  }
0xb3: {  	v18 =	vld.idx.msk [tilespmem:v18+s24+$0x0], $0xffff  }
0xb4: {  	v16 =	vld.idx.msk [tilespmem:v16+s24+$0x0], $0xffff  }
0xb5: {  	v19 =	vld.idx.msk [tilespmem:v19+s25+$0x0], $0xffff;
	(v2sf) =	vpush v13, $0xD  }
0xb6: {  	v17 =	vld.idx.msk [tilespmem:v17+s25+$0x0], $0xffff;
	_ =	sdelay $0x1  }
0xb7: {  	(v2sf) =	vpush v12, $0xD;
	_ =	sdelay $0x1  }
0xb8: {  	v14 =	vmul.f32 v15, v14;
	v10 =	vmul.f32 v11, v10  }
0xb9: {  	v55 =	vmul.f32 v19, v18;
	v56 =	vmul.f32 v17, v16  }
0xba: {  	v14 =	vmul.f32 v14, v2;
	v10 =	vmul.f32 v10, v3  }
0xbb: {  	v11 =	vmul.f32 v55, v2;
	v15 =	vmul.f32 v56, v3  }
0xbc: {  	v10 =	vadd.f32 v10, v14  }
0xbd: {  	v11 =	vadd.f32 v15, v11;
	s10 =	spop (v2sf)  }
0xbe: {  	(xrf2) =	vadd.scan.msk.f32 $0xffff, v10;
	s8 =	sand.u32 $0xFFFFF80, s10  }
0xbf: {  	(xrf2) =	vadd.scan.msk.f32 $0xffff, v11;
	s15 =	spop (v2sf);
	s8 =	sadd.s32 s1, s8  }
0xc0: {  	[tilespmem:s22], [sflag:$0x3] =	stream.strided.gather [hbm4b:s8+s14], $0x1000, s13, s14, $0x38;
	[tilespmem:$0x10680] =	vst v63  }
0xc1: {  	s8 =	sand.u32 $0xFFFFF80, s15  }
0xc2: {  	s10 =	spop (v2sf);
	s8 =	sadd.s32 s2, s8  }
0xc3: {  	[tilespmem:s23], [sflag:$0x7] =	stream.strided.gather [hbm4b:s8+s14], $0x1000, s13, s14, $0x38;
	[tilespmem:$0x10680] =	vst v63  }
0xc4: {  	s8 =	sand.u32 $0xFFFFF80, s10  }
0xc5: {  	s15 =	spop (v2sf);
	s8 =	sadd.s32 s1, s8  }
0xc6: {  	[tilespmem:s24], [sflag:$0x3] =	stream.strided.gather [hbm4b:s8+s14], $0x1000, s13, s14, $0x38;
	[tilespmem:$0x10680] =	vst v63  }
0xc7: {  	s8 =	sand.u32 $0xFFFFF80, s15  }
0xc8: {  	v10, _, _ =	vpop (xrf2);
	s8 =	sadd.s32 s2, s8  }
0xc9: {  	v57 =	vbroadcast v4, $0x6;
	v11, _, _ =	vpop (xrf2);
	[tilespmem:s25], [sflag:$0x7] =	stream.strided.gather [hbm4b:s8+s14], $0x1000, s13, s14, $0x38;
	[tilespmem:$0x10680] =	vst v63  }
0xca: {  	_ =	swait.ge [sflag:s6], $0x2000  }
0xcb: {  	v58 =	vbroadcast v5, $0x6;
	v59 =	vor.u32 v0, v57;
	[sflag:s6] =	ssyncset.done $0x0  }
0xcc: {  	v14 =	vor.u32 v1, v57;
	[sflag:s6] =	ssyncadd.s32 $0xFFFFE000  }
0xcd: {  	v61 =	vbroadcast v4, $0x7;
	v60 =	vor.u32 v0, v58;
	_ =	swait.ge [sflag:s7], $0x2000  }
0xce: {  	v15 =	vor.u32 v1, v58;
	[sflag:s7] =	ssyncset.done $0x0  }
0xcf: {  	v62 =	vbroadcast v5, $0x7;
	v20 =	vor.u32 v0, v61;
	[sflag:s7] =	ssyncadd.s32 $0xFFFFE000  }
0xd0: {  	v18 =	vor.u32 v1, v61;
	v16 =	vld.idx.msk [tilespmem:v59+s26+$0x0], $0xffff  }
0xd1: {  	v21 =	vor.u32 v0, v62;
	(v2sf) =	vpush v13, $0xE;
	v14 =	vld.idx.msk [tilespmem:v14+s26+$0x0], $0xffff  }
0xd2: {  	v19 =	vor.u32 v1, v62;
	v17 =	vld.idx.msk [tilespmem:v60+s28+$0x0], $0xffff  }
0xd3: {  	(v2sf) =	vpush v12, $0xE;
	v15 =	vld.idx.msk [tilespmem:v15+s28+$0x0], $0xffff  }
0xd4: {  	v20 =	vld.idx.msk [tilespmem:v20+s29+$0x0], $0xffff  }
0xd5: {  	v18 =	vld.idx.msk [tilespmem:v18+s29+$0x0], $0xffff  }
0xd6: {  	v21 =	vld.idx.msk [tilespmem:v21+s30+$0x0], $0xffff;
	(v2sf) =	vpush v13, $0xF  }
0xd7: {  	v63 =	vld.idx.msk [tilespmem:v19+s30+$0x0], $0xffff;
	_ =	sdelay $0x1  }
0xd8: {  	(v2sf) =	vpush v12, $0xF;
	_ =	sdelay $0x1  }
0xd9: {  	v19 =	vmul.f32 v17, v16;
	v14 =	vmul.f32 v15, v14  }
0xda: {  	v22 =	vmul.f32 v21, v20;
	v13 =	vmul.f32 v63, v18  }
0xdb: {  	v12 =	vmul.f32 v19, v2;
	v14 =	vmul.f32 v14, v3  }
0xdc: {  	v15 =	vmul.f32 v22, v2;
	v13 =	vmul.f32 v13, v3  }
0xdd: {  	v12 =	vadd.f32 v14, v12  }
0xde: {  	v13 =	vadd.f32 v13, v15;
	s10 =	spop (v2sf)  }
0xdf: {  	(xrf2) =	vadd.scan.msk.f32 $0xffff, v12;
	s8 =	sand.u32 $0xFFFFF80, s10  }
0xe0: {  	(xrf2) =	vadd.scan.msk.f32 $0xffff, v13;
	s15 =	spop (v2sf);
	s8 =	sadd.s32 s1, s8  }
0xe1: {  	[tilespmem:s26], [sflag:$0x4] =	stream.strided.gather [hbm4b:s8+s14], $0x1000, s13, s14, $0x38;
	[tilespmem:$0x10680] =	vst v63  }
0xe2: {  	s8 =	sand.u32 $0xFFFFF80, s15  }
0xe3: {  	s10 =	spop (v2sf);
	s8 =	sadd.s32 s2, s8  }
0xe4: {  	[tilespmem:s28], [sflag:$0x8] =	stream.strided.gather [hbm4b:s8+s14], $0x1000, s13, s14, $0x38;
	[tilespmem:$0x10680] =	vst v63  }
0xe5: {  	s8 =	sand.u32 $0xFFFFF80, s10  }
0xe6: {  	s15 =	spop (v2sf);
	s8 =	sadd.s32 s1, s8  }
0xe7: {  	[tilespmem:s29], [sflag:$0x4] =	stream.strided.gather [hbm4b:s8+s14], $0x1000, s13, s14, $0x38;
	[tilespmem:$0x10680] =	vst v63  }
0xe8: {  	s8 =	sand.u32 $0xFFFFF80, s15  }
0xe9: {  	v12, _, _ =	vpop (xrf2);
	s8 =	sadd.s32 s2, s8  }
0xea: {  	v13, _, _ =	vpop (xrf2);
	[tilespmem:s30], [sflag:$0x8] =	stream.strided.gather [hbm4b:s8+s14], $0x1000, s13, s14, $0x38;
	[tilespmem:$0x10680] =	vst v63  }
0xeb: {  	_ =	swait.ge [sflag:s31], $0x2000  }
0xec: {  	[sflag:s31] =	ssyncset.done $0x0  }
0xed: {  	[sflag:s31] =	ssyncadd.s32 $0xFFFFE000  }
0xee: {  	_ =	swait.ge [sflag:s0], $0x2000  }
0xef: {  	p0 =	seq.s32 s9, $0x7C0;
	[sflag:s0] =	ssyncset.done $0x0  }
0xf0: {  	s15 =	sshra.s32 @!p0 s9, $0x2;
	[sflag:s0] =	ssyncadd.s32 $0xFFFFE000  }
0xf1: {  	v23 =	vbroadcast v4, $0x8;
	v15 =	vld @!p0 [tilespmem:s15+$0x10];
	_ =	sdelay $0x1  }
0xf2: {  	v24 =	vbroadcast v5, $0x8;
	v25 =	vor.u32 v0, v23  }
0xf3: {  	v14 =	vor.u32 v1, v23  }
0xf4: {  	v27 =	vbroadcast v4, $0x9;
	v26 =	vor.u32 v0, v24;
	v20 =	vld @!p0 [tilespmem:s15+$0x210]  }
0xf5: {  	v16 =	vor.u32 v1, v24;
	(v2sf) =	vpush @!p0 v15, $0x0  }
0xf6: {  	v28 =	vbroadcast v5, $0x9;
	v22 =	vor.u32 v0, v27  }
0xf7: {  	v19 =	vor.u32 v1, v27;
	v17 =	vld.idx.msk [tilespmem:v25+s14+$0x0], $0xffff  }
0xf8: {  	v23 =	vor.u32 v0, v28;
	v14 =	vld.idx.msk [tilespmem:v14+s14+$0x0], $0xffff  }
0xf9: {  	v21 =	vor.u32 v1, v28;
	v18 =	vld.idx.msk [tilespmem:v26+s16+$0x0], $0xffff;
	(v2sf) =	vpush @!p0 v20, $0x0  }
0xfa: {  	v16 =	vld.idx.msk [tilespmem:v16+s16+$0x0], $0xffff  }
0xfb: {  	v22 =	vld.idx.msk [tilespmem:v22+s17+$0x0], $0xffff  }
0xfc: {  	s10 =	simm.s32 $0x9400;
	v19 =	vld.idx.msk [tilespmem:v19+s17+$0x0], $0xffff  }
0xfd: {  	v23 =	vld.idx.msk [tilespmem:v23+s10+$0x0], $0xffff;
	(v2sf) =	vpush @!p0 v15, $0x1  }
0xfe: {  	v29 =	vld.idx.msk [tilespmem:v21+s10+$0x0], $0xffff;
	_ =	sdelay $0x2  }
0xff: {  	(v2sf) =	vpush @!p0 v20, $0x1  }
0x100: {  	v17 =	vmul.f32 v18, v17;
	v14 =	vmul.f32 v16, v14  }
0x101: {  	v30 =	vmul.f32 v23, v22;
	v15 =	vmul.f32 v29, v19  }
0x102: {  	v17 =	vmul.f32 v17, v2;
	v14 =	vmul.f32 v14, v3;
	s8 =	spop @!p0 (v2sf)  }
0x103: {  	v16 =	vmul.f32 v30, v2;
	v15 =	vmul.f32 v15, v3;
	s8 =	sand.u32 @!p0 $0xFFFFF80, s8  }
0x104: {  	s10 =	simm.s32 @!p0 $0x7A1400;
	v14 =	vadd.f32 v14, v17;
	s16 =	sadd.s32 @!p0 s1, s8;
	s8 =	simm.s32 @!p0 $0x400  }
0x105: {  	v15 =	vadd.f32 v15, v16;
	[tilespmem:s8], [sflag:$0x1] =	stream.strided.gather @!p0 [hbm4b:s16+s8], $0x1000, s10, s8, $0x38;
	[tilespmem:$0x10680] =	vst v63  }
0x106: {  	(xrf2) =	vadd.scan.msk.f32 $0xffff, v14;
	s16 =	spop @!p0 (v2sf)  }
0x107: {  	(xrf2) =	vadd.scan.msk.f32 $0xffff, v15;
	s16 =	sand.u32 @!p0 $0xFFFFF80, s16  }
0x108: {  	s17 =	simm.s32 @!p0 $0x8400;
	s16 =	sadd.s32 @!p0 s2, s16  }
0x109: {  	[tilespmem:s17], [sflag:$0x5] =	stream.strided.gather @!p0 [hbm4b:s16+s8], $0x1000, s10, s8, $0x38;
	[tilespmem:$0x10680] =	vst v63  }
0x10a: {  	s16 =	spop @!p0 (v2sf)  }
0x10b: {  	s16 =	sand.u32 @!p0 $0xFFFFF80, s16  }
0x10c: {  	s17 =	simm.s32 @!p0 $0x1400;
	s16 =	sadd.s32 @!p0 s1, s16  }
0x10d: {  	[tilespmem:s17], [sflag:$0x1] =	stream.strided.gather @!p0 [hbm4b:s16+s8], $0x1000, s10, s8, $0x38;
	[tilespmem:$0x10680] =	vst v63  }
0x10e: {  	s16 =	spop @!p0 (v2sf)  }
0x10f: {  	s16 =	sand.u32 @!p0 $0xFFFFF80, s16  }
0x110: {  	v14, _, _ =	vpop (xrf2);
	s17 =	simm.s32 @!p0 $0x9400;
	s16 =	sadd.s32 @!p0 s2, s16  }
0x111: {  	v15, _, _ =	vpop (xrf2);
	[tilespmem:s17], [sflag:$0x5] =	stream.strided.gather @!p0 [hbm4b:s16+s8], $0x1000, s10, s8, $0x38;
	[tilespmem:$0x10680] =	vst v63  }
0x112: {  	_ =	swait.ge [sflag:s4], $0x2000  }
0x113: {  	[sflag:s4] =	ssyncset.done $0x0  }
0x114: {  	[sflag:s4] =	ssyncadd.s32 $0xFFFFE000  }
0x115: {  	_ =	swait.ge [sflag:s3], $0x2000  }
0x116: {  	[sflag:s3] =	ssyncset.done $0x0  }
0x117: {  	[sflag:s3] =	ssyncadd.s32 $0xFFFFE000  }
0x118: {  	v31 =	vbroadcast v4, $0xA;
	v17 =	vld @!p0 [tilespmem:s15+$0x10];
	_ =	sdelay $0x1  }
0x119: {  	v32 =	vbroadcast v5, $0xA;
	v33 =	vor.u32 v0, v31  }
0x11a: {  	v16 =	vor.u32 v1, v31  }
0x11b: {  	v35 =	vbroadcast v4, $0xB;
	v34 =	vor.u32 v0, v32;
	v22 =	vld @!p0 [tilespmem:s15+$0x210]  }
0x11c: {  	v18 =	vor.u32 v1, v32;
	(v2sf) =	vpush @!p0 v17, $0x2  }
0x11d: {  	v36 =	vbroadcast v5, $0xB;
	v24 =	vor.u32 v0, v35  }
0x11e: {  	v21 =	vor.u32 v1, v35;
	v19 =	vld.idx.msk [tilespmem:v33+s18+$0x0], $0xffff  }
0x11f: {  	v25 =	vor.u32 v0, v36;
	v16 =	vld.idx.msk [tilespmem:v16+s18+$0x0], $0xffff  }
0x120: {  	v23 =	vor.u32 v1, v36;
	v20 =	vld.idx.msk [tilespmem:v34+s19+$0x0], $0xffff;
	(v2sf) =	vpush @!p0 v22, $0x2  }
0x121: {  	v18 =	vld.idx.msk [tilespmem:v18+s19+$0x0], $0xffff  }
0x122: {  	v24 =	vld.idx.msk [tilespmem:v24+s20+$0x0], $0xffff  }
0x123: {  	v21 =	vld.idx.msk [tilespmem:v21+s20+$0x0], $0xffff  }
0x124: {  	v25 =	vld.idx.msk [tilespmem:v25+s21+$0x0], $0xffff;
	(v2sf) =	vpush @!p0 v17, $0x3  }
0x125: {  	v37 =	vld.idx.msk [tilespmem:v23+s21+$0x0], $0xffff;
	_ =	sdelay $0x2  }
0x126: {  	(v2sf) =	vpush @!p0 v22, $0x3  }
0x127: {  	v19 =	vmul.f32 v20, v19;
	v16 =	vmul.f32 v18, v16  }
0x128: {  	v38 =	vmul.f32 v25, v24;
	v17 =	vmul.f32 v37, v21  }
0x129: {  	v19 =	vmul.f32 v19, v2;
	v16 =	vmul.f32 v16, v3;
	s16 =	spop @!p0 (v2sf)  }
0x12a: {  	v18 =	vmul.f32 v38, v2;
	v17 =	vmul.f32 v17, v3;
	s16 =	sand.u32 @!p0 $0xFFFFF80, s16  }
0x12b: {  	s17 =	simm.s32 @!p0 $0x2400;
	v16 =	vadd.f32 v16, v19;
	s16 =	sadd.s32 @!p0 s1, s16  }
0x12c: {  	v17 =	vadd.f32 v17, v18;
	[tilespmem:s17], [sflag:$0x2] =	stream.strided.gather @!p0 [hbm4b:s16+s8], $0x1000, s10, s8, $0x38;
	[tilespmem:$0x10680] =	vst v63  }
0x12d: {  	(xrf2) =	vadd.scan.msk.f32 $0xffff, v16;
	s16 =	spop @!p0 (v2sf)  }
0x12e: {  	(xrf2) =	vadd.scan.msk.f32 $0xffff, v17;
	s16 =	sand.u32 @!p0 $0xFFFFF80, s16  }
0x12f: {  	s17 =	simm.s32 @!p0 $0xA400;
	s16 =	sadd.s32 @!p0 s2, s16  }
0x130: {  	[tilespmem:s17], [sflag:$0x6] =	stream.strided.gather @!p0 [hbm4b:s16+s8], $0x1000, s10, s8, $0x38;
	[tilespmem:$0x10680] =	vst v63  }
0x131: {  	s16 =	spop @!p0 (v2sf)  }
0x132: {  	s16 =	sand.u32 @!p0 $0xFFFFF80, s16  }
0x133: {  	s17 =	simm.s32 @!p0 $0x3400;
	s16 =	sadd.s32 @!p0 s1, s16  }
0x134: {  	[tilespmem:s17], [sflag:$0x2] =	stream.strided.gather @!p0 [hbm4b:s16+s8], $0x1000, s10, s8, $0x38;
	[tilespmem:$0x10680] =	vst v63  }
0x135: {  	s16 =	spop @!p0 (v2sf)  }
0x136: {  	s16 =	sand.u32 @!p0 $0xFFFFF80, s16  }
0x137: {  	v16, _, _ =	vpop (xrf2);
	s17 =	simm.s32 @!p0 $0xB400;
	s16 =	sadd.s32 @!p0 s2, s16  }
0x138: {  	v17, _, _ =	vpop (xrf2);
	[tilespmem:s17], [sflag:$0x6] =	stream.strided.gather @!p0 [hbm4b:s16+s8], $0x1000, s10, s8, $0x38;
	[tilespmem:$0x10680] =	vst v63  }
0x139: {  	_ =	swait.ge [sflag:s11], $0x2000  }
0x13a: {  	[sflag:s11] =	ssyncset.done $0x0  }
0x13b: {  	[sflag:s11] =	ssyncadd.s32 $0xFFFFE000  }
0x13c: {  	_ =	swait.ge [sflag:s12], $0x2000  }
0x13d: {  	[sflag:s12] =	ssyncset.done $0x0  }
0x13e: {  	[sflag:s12] =	ssyncadd.s32 $0xFFFFE000  }
0x13f: {  	v39 =	vbroadcast v4, $0xC;
	v19 =	vld @!p0 [tilespmem:s15+$0x10];
	_ =	sdelay $0x1  }
0x140: {  	v40 =	vbroadcast v5, $0xC;
	v41 =	vor.u32 v0, v39  }
0x141: {  	v18 =	vor.u32 v1, v39  }
0x142: {  	v42 =	vor.u32 v0, v40;
	v43 =	vbroadcast v4, $0xD;
	v24 =	vld @!p0 [tilespmem:s15+$0x210]  }
0x143: {  	v20 =	vor.u32 v1, v40;
	(v2sf) =	vpush @!p0 v19, $0x4  }
0x144: {  	v44 =	vbroadcast v5, $0xD;
	v26 =	vor.u32 v0, v43  }
0x145: {  	v23 =	vor.u32 v1, v43;
	v21 =	vld.idx.msk [tilespmem:v41+s22+$0x0], $0xffff  }
0x146: {  	v27 =	vor.u32 v0, v44;
	v18 =	vld.idx.msk [tilespmem:v18+s22+$0x0], $0xffff  }
0x147: {  	v25 =	vor.u32 v1, v44;
	v22 =	vld.idx.msk [tilespmem:v42+s23+$0x0], $0xffff;
	(v2sf) =	vpush @!p0 v24, $0x4  }
0x148: {  	v20 =	vld.idx.msk [tilespmem:v20+s23+$0x0], $0xffff  }
0x149: {  	v26 =	vld.idx.msk [tilespmem:v26+s24+$0x0], $0xffff  }
0x14a: {  	v23 =	vld.idx.msk [tilespmem:v23+s24+$0x0], $0xffff  }
0x14b: {  	v45 =	vld.idx.msk [tilespmem:v27+s25+$0x0], $0xffff;
	(v2sf) =	vpush @!p0 v19, $0x5  }
0x14c: {  	v25 =	vld.idx.msk [tilespmem:v25+s25+$0x0], $0xffff;
	_ =	sdelay $0x2  }
0x14d: {  	(v2sf) =	vpush @!p0 v24, $0x5  }
0x14e: {  	v21 =	vmul.f32 v22, v21;
	v18 =	vmul.f32 v20, v18  }
0x14f: {  	v46 =	vmul.f32 v25, v23;
	v19 =	vmul.f32 v45, v26  }
0x150: {  	v21 =	vmul.f32 v21, v2;
	v18 =	vmul.f32 v18, v3;
	s15 =	spop @!p0 (v2sf)  }
0x151: {  	v20 =	vmul.f32 v46, v3;
	v19 =	vmul.f32 v19, v2;
	s15 =	sand.u32 @!p0 $0xFFFFF80, s15  }
0x152: {  	s16 =	simm.s32 @!p0 $0x4400;
	v18 =	vadd.f32 v18, v21;
	s15 =	sadd.s32 @!p0 s1, s15  }
0x153: {  	v19 =	vadd.f32 v20, v19;
	[tilespmem:s16], [sflag:$0x3] =	stream.strided.gather @!p0 [hbm4b:s15+s8], $0x1000, s10, s8, $0x38;
	[tilespmem:$0x10680] =	vst v63  }
0x154: {  	(xrf2) =	vadd.scan.msk.f32 $0xffff, v18;
	s15 =	spop @!p0 (v2sf)  }
0x155: {  	(xrf2) =	vadd.scan.msk.f32 $0xffff, v19;
	s15 =	sand.u32 @!p0 $0xFFFFF80, s15  }
0x156: {  	s16 =	simm.s32 @!p0 $0xC400;
	s15 =	sadd.s32 @!p0 s2, s15  }
0x157: {  	[tilespmem:s16], [sflag:$0x7] =	stream.strided.gather @!p0 [hbm4b:s15+s8], $0x1000, s10, s8, $0x38;
	[tilespmem:$0x10680] =	vst v63  }
0x158: {  	s15 =	spop @!p0 (v2sf)  }
0x159: {  	s15 =	sand.u32 @!p0 $0xFFFFF80, s15  }
0x15a: {  	s16 =	simm.s32 @!p0 $0x5400;
	s15 =	sadd.s32 @!p0 s1, s15  }
0x15b: {  	[tilespmem:s16], [sflag:$0x3] =	stream.strided.gather @!p0 [hbm4b:s15+s8], $0x1000, s10, s8, $0x38;
	[tilespmem:$0x10680] =	vst v63  }
0x15c: {  	s15 =	spop @!p0 (v2sf)  }
0x15d: {  	s15 =	sand.u32 @!p0 $0xFFFFF80, s15  }
0x15e: {  	v18, _, _ =	vpop (xrf2);
	s16 =	simm.s32 @!p0 $0xD400;
	s15 =	sadd.s32 @!p0 s2, s15  }
0x15f: {  	v47 =	vbroadcast v4, $0xE;
	v19, _, _ =	vpop (xrf2);
	[tilespmem:s16], [sflag:$0x7] =	stream.strided.gather @!p0 [hbm4b:s15+s8], $0x1000, s10, s8, $0x38;
	[tilespmem:$0x10680] =	vst v63  }
0x160: {  	_ =	swait.ge [sflag:s6], $0x2000  }
0x161: {  	v48 =	vbroadcast v5, $0xE;
	v49 =	vor.u32 v0, v47;
	[sflag:s6] =	ssyncset.done $0x0  }
0x162: {  	v20 =	vor.u32 v1, v47;
	[sflag:s6] =	ssyncadd.s32 $0xFFFFE000  }
0x163: {  	v4 =	vbroadcast v4, $0xF;
	v50 =	vor.u32 v0, v48;
	_ =	swait.ge [sflag:s7], $0x2000  }
0x164: {  	v5 =	vbroadcast v5, $0xF;
	v21 =	vor.u32 v1, v48;
	[sflag:s7] =	ssyncset.done $0x0  }
0x165: {  	v51 =	vor.u32 v0, v4;
	[sflag:s7] =	ssyncadd.s32 $0xFFFFE000  }
0x166: {  	v52 =	vor.u32 v0, v5;
	v22 =	vld.idx.msk [tilespmem:v49+s26+$0x0], $0xffff  }
0x167: {  	v4 =	vor.u32 v1, v4;
	v20 =	vld.idx.msk [tilespmem:v20+s26+$0x0], $0xffff  }
0x168: {  	v5 =	vor.u32 v1, v5;
	v23 =	vld.idx.msk [tilespmem:v50+s28+$0x0], $0xffff  }
0x169: {  	v21 =	vld.idx.msk [tilespmem:v21+s28+$0x0], $0xffff  }
0x16a: {  	v24 =	vld.idx.msk [tilespmem:v51+s29+$0x0], $0xffff  }
0x16b: {  	v25 =	vld.idx.msk [tilespmem:v52+s30+$0x0], $0xffff  }
0x16c: {  	v4 =	vld.idx.msk [tilespmem:v4+s29+$0x0], $0xffff  }
0x16d: {  	v5 =	vld.idx.msk [tilespmem:v5+s30+$0x0], $0xffff;
	_ =	sdelay $0x1  }
0x16e: {  	v22 =	vmul.f32 v23, v22;
	v20 =	vmul.f32 v21, v20  }
0x16f: {  	v7 =	vbroadcast v7, $0xF  }
0x170: {  	v22 =	vmul.f32 v22, v2;
	v20 =	vmul.f32 v20, v3  }
0x171: {  	v53 =	vmul.f32 v25, v24;
	v4 =	vmul.f32 v5, v4  }
0x172: {  	v9 =	vbroadcast v9, $0xF;
	v5 =	vbroadcast v6, $0xF;
	v54 =	vadd.f32 v20, v22  }
0x173: {  	v55 =	vmul.f32 v53, v2;
	v4 =	vmul.f32 v4, v3  }
0x174: {  	v56 =	vbroadcast v8, $0xF;
	v5 =	vsel vm0, v5, v7;
	(xrf2) =	vadd.scan.msk.f32 $0xffff, v54  }
0x175: {  	v57 =	vbroadcast v10, $0xF;
	v5 =	vsel vm1, v5, v9;
	v4 =	vadd.f32 v4, v55  }
0x176: {  	v58 =	vbroadcast v11, $0xF;
	v5 =	vsel vm2, v5, v56  }
0x177: {  	v5 =	vsel vm3, v5, v57;
	(xrf2) =	vadd.scan.msk.f32 $0xffff, v4;
	v4 =	vbroadcast v12, $0xF  }
0x178: {  	v59 =	vbroadcast v13, $0xF;
	v5 =	vsel vm4, v5, v58  }
0x179: {  	v4 =	vsel vm5, v5, v4;
	v5 =	vbroadcast v14, $0xF  }
0x17a: {  	v60 =	vbroadcast v15, $0xF;
	v4 =	vsel vm6, v4, v59  }
0x17b: {  	v4 =	vsel vm7, v4, v5;
	v5 =	vbroadcast v16, $0xF  }
0x17c: {  	v61 =	vbroadcast v17, $0xF;
	v4 =	vsel vm8, v4, v60  }
0x17d: {  	v4 =	vsel vm9, v5, v4;
	v5 =	vbroadcast v18, $0xF  }
0x17e: {  	v4 =	vsel vm10, v4, v61;
	v62, _, _ =	vpop (xrf2)  }
0x17f: {  	s9 =	sadd.s32 $0x40, s9;
	v4 =	vsel vm11, v5, v4;
	v5 =	vbroadcast v62, $0xF  }
0x180: {  	v63 =	vbroadcast v19, $0xF;
	p0 =	sne.s32 s9, $0x800  }
.Ltmp0:
0x181: {  	_ = 	snop;
	(pc) =	sbr.rel @p0 .LBB2_2-.Ltmp0, $4  }
0x182: {  	v4 =	vsel vm12, v4, v63  }
0x183: {  	v4 =	vsel vm13, v5, v4;
	v5, _, _ =	vpop (xrf2)  }
0x184: {  	v4 =	vsel vm14, v4, v5  }
0x185: {  	s17 =	simm.s32 $0x1400;
	s15 =	simm.s32 $0x9400;
	s16 =	simm.s32 $0x8400;
	[tilespmem:s5+$0x10480] =	vst v4  }
0x186: {  	s9 =	simm.s32 $0x0;
	s5 =	rddreg [dreg:$0x9];
	s8 =	simm.s32 $0x10480  }
0x187: {  	[hbm4b:s5+s9] =	stream.linear.scatter [tilespmem:s8], [sflag:$0x9], $0x200, $0x38;
	[tilespmem:$0x10680] =	vst v63  }
0x188: {  	s8 =	simm.s32 $0x9  }
0x189: {  	_ =	swait.ge [sflag:s8], $0x200  }
0x18a: {  	s10 =	rddreg [dreg:$0xb]  }
0x18b: {  	s5 =	rddreg [dreg:$0xa];
	s10 =	sadd.s32 $0x1, s10  }
0x18c: {  	p0 =	sne.s32 s10, s5  }
.Ltmp1:
0x18d: {  	_ = 	snop;
	(pc) =	sbr.rel @p0 .LBB2_1-.Ltmp1, $3  }
0x18e: {  	_ =	sdelay $0x1  }
0x18f: {  	[sflag:s8] =	ssyncset.done $0x0  }
0x190: {  	[sflag:s8] =	ssyncadd.s32 $0xFFFFFE00  }
0x191: {  	_ =	sfence.sel $0x180000  }
0x192: {  	[bflag:$0x0] =	sbarrier.arrive $0xFFFF  }
0x193: {  	_ =	strace $0x90000047  }
0x194: {  	s0 =	stileid.u32;
	[bflag:$0x2] =	sbarrier.arrive $0xFFFF  }
0x195: {  	p0 =	sne.s32 s0, $0x0;
	s0 =	rddreg [dreg:$0x6]  }
0x196: {  	s0 =	sadd.s32 @!p0 $0x100000, s0  }
0x197: {  	[sflag:s0] =	ssyncadd.tile.s32 @!p0 $0x1;
	_ =	shalt  }
.Lfunc_end2:
_tile_overlayer_lowered:
.L_overlay_start_2:
0x198: {  	(tag) =	ssettag $0x2  }
0x199: {  	s0 =	rddreg [dreg:$0x0];
	s2 =	stileid.u32  }
0x19a: {  	s1 =	rddreg [dreg:$0x1];
	p0 =	sne.s32 s2, $0x0  }
0x19b: {  	s3 =	rddreg [dreg:$0x2];
	[bflag:$0x3] =	sbarrier.arrive $0xFFFF;
	s2 =	simm.s32 @!p0 $0x1C09  }
0x19c: {  	[timem:s3], [sflag:s2] =	dma.local @!p0 [hbm:s0], s1  }
0x19d: {  	s0 =	simm.s32 @!p0 $0x9  }
0x19e: {  	_ =	swait.ge @!p0 [sflag:s0], s1  }
0x19f: {  	s1 =	ssub.s32 @!p0 $0x0, s1;
	[sflag:s0] =	ssyncset.done @!p0 $0x0  }
0x1a0: {  	[sflag:s0] =	ssyncadd.s32 @!p0 s1  }
0x1a1: {  	[bflag:$0x3] =	sbarrier.arrive $0xFFFF  }
0x1a2: {  	_ =	shalt  }

</sc_bundles>
